<compile_context>
chip_gen: v7x
topology: tpu7x:2x2x1
jax: 0.10.2.dev20260603
libtpu: 0.0.44.dev20260713+nightly
codegen_flags: <defaults>
</compile_context>

<pallas_src>
import functools

import jax
import jax.numpy as jnp
from jax import lax
from jax.experimental import pallas as pl
from jax.experimental.pallas import tpu as pltpu
from jax.experimental.pallas import tpu_sc as plsc

NC = 2
NS = 16
NW = NC * NS
CH = 128
RPT = 640
NPAD = NS * RPT
BN = 2048
FRAC0 = 0.511


def _cdiv(a, b):
    return (a + b - 1) // b


def _split8(total, nt):
    eights = total // 8
    return eights // nt, eights % nt, total % 8


def _mesh():
    return plsc.VectorSubcoreMesh(
        core_axis_name="c", subcore_axis_name="s", num_cores=NC, num_subcores=NS
    )




def _ranged_load(tid, q, r8, tail, nt, load_fn):
    last = nt - 1
    v_hi = 8 * (q + 1)
    v_lo = 8 * q
    v_last = 8 * (q + (1 if last < r8 else 0)) + tail
    if tail:
        if v_last:
            @pl.when(tid == last)
            def _():
                load_fn(v_last)
        if v_hi:
            @pl.when(jnp.logical_and(tid != last, tid < r8))
            def _():
                load_fn(v_hi)
        if v_lo:
            @pl.when(jnp.logical_and(tid != last, tid >= r8))
            def _():
                load_fn(v_lo)
    else:
        if v_hi and r8:
            @pl.when(tid < r8)
            def _():
                load_fn(v_hi)
        if v_lo:
            @pl.when(tid >= r8)
            def _():
                load_fn(v_lo)


def _ranged_params(tid, q, r8, tail, nt):
    base = 8 * (q * tid + jnp.minimum(tid, r8))
    base = pl.multiple_of(base, 8)
    nch = 8 * q + jnp.where(tid < r8, 8, 0)
    if tail:
        nch = nch + jnp.where(tid == nt - 1, tail, 0)
    return base, nch


@functools.lru_cache(maxsize=None)
def _make_deg(total_ch):
    q, r8, tail = _split8(total_ch, NW)
    nch_max = 8 * (q + (1 if r8 else 0)) + tail

    @functools.partial(
        pl.kernel,
        out_type=jax.ShapeDtypeStruct((NW, NPAD), jnp.float32),
        mesh=_mesh(),
        scratch_types=[
            pltpu.VMEM((nch_max, CH), jnp.int32),
            pltpu.VMEM((NPAD,), jnp.float32),
        ],
        compiler_params=pltpu.CompilerParams(needs_layout_passes=False),
    )
    def deg_kernel(edges_hbm, zeros_hbm, out_hbm, didx, acc):
        c = lax.axis_index("c")
        s = lax.axis_index("s")
        wid = s * NC + c
        base, nch = _ranged_params(wid, q, r8, tail, NW)

        def load_fn(v):
            pltpu.sync_copy(edges_hbm.at[1, pl.ds(base, v)],
                            didx.at[pl.ds(0, v)])

        _ranged_load(wid, q, r8, tail, NW, load_fn)
        pltpu.sync_copy(zeros_hbm, acc)
        ones16 = jnp.ones((16,), jnp.float32)

        def body(g, carry):
            for j in range(CH // 16):
                idx = didx[g, pl.ds(j * 16, 16)]
                plsc.addupdate_scatter(acc, [idx], ones16)
            return carry

        lax.fori_loop(0, nch, body, 0)
        pltpu.sync_copy(acc, out_hbm.at[wid])

    return deg_kernel


def _agg_split(total_ch):
    a0 = min(int(round(FRAC0 * total_ch / NS / 8)) * 8, (total_ch // NS) // 8 * 8)
    rest = total_ch - NS * a0
    q1, r81, tail1 = _split8(rest, NS)
    nch_max = max(a0, 8 * (q1 + (1 if r81 else 0)) + tail1)
    half_max = _cdiv(_cdiv(nch_max, 2), 8) * 8
    return a0, q1, r81, tail1, nch_max, half_max


@functools.lru_cache(maxsize=None)
def _make_agg(total_ch, width):
    a0, q1, r81, tail1, nch_max, half_max = _agg_split(total_ch)
    core1_base = NS * a0

    @functools.partial(
        pl.kernel,
        out_type=jax.ShapeDtypeStruct((NC, NPAD, width), jnp.float32),
        mesh=_mesh(),
        scratch_types=[
            pltpu.VMEM((half_max, CH), jnp.int32),
            pltpu.VMEM((half_max, CH), jnp.int32),
            pltpu.VMEM((2, CH, width), jnp.float32),
            pltpu.VMEM_SHARED((NPAD, width), jnp.float32),
            pltpu.SemaphoreType.DMA((2,)),
            pltpu.SemaphoreType.DMA((2,)),
        ],
    )
    def agg_kernel(feat_hbm, edges_hbm, zeros_hbm, out_hbm,
                   sidx, didx, rows, acc, gsem, ssem):
        c = lax.axis_index("c")
        s = lax.axis_index("s")
        base1, nch1 = _ranged_params(s, q1, r81, tail1, NS)
        base = jnp.where(c == 0, s * a0, core1_base + base1)
        base = pl.multiple_of(base, 8)
        nch = jnp.where(c == 0, a0, nch1)

        pltpu.sync_copy(zeros_hbm, acc.at[pl.ds(s * RPT, RPT)])
        plsc.subcore_barrier()

        def gather(g, b):
            pltpu.async_copy(feat_hbm.at[sidx.at[g]], rows.at[b], gsem.at[b])

        def gather_wait(g, b):
            pltpu.make_async_copy(
                feat_hbm.at[sidx.at[g]], rows.at[b], gsem.at[b]
            ).wait()

        def scatter(g, b):
            pltpu.async_copy(rows.at[b], acc.at[didx.at[g]], ssem.at[b],
                             add=True)

        def scatter_wait(g, b):
            pltpu.make_async_copy(
                rows.at[b], acc.at[didx.at[g]], ssem.at[b]
            ).wait()

        def load_half(hbase, n):
            pltpu.sync_copy(edges_hbm.at[0, pl.ds(hbase, n)],
                            sidx.at[pl.ds(0, n)])
            pltpu.sync_copy(edges_hbm.at[1, pl.ds(hbase, n)],
                            didx.at[pl.ds(0, n)])

        def run_half(cnt):
            gather(0, 0)
            gather(1, 1)

            def body(g, carry):
                b = g % 2
                gather_wait(g, b)
                scatter(g, b)
                scatter_wait(g, b)
                gather(g + 2, b)
                return carry

            lax.fori_loop(0, cnt - 2, body, 0)

            def tail(g, carry):
                b = g % 2
                gather_wait(g, b)
                scatter(g, b)
                scatter_wait(g, b)
                return carry

            lax.fori_loop(cnt - 2, cnt, tail, 0)

        h1 = (nch // 16) * 8
        h1 = pl.multiple_of(h1, 8)
        h2 = nch - h1

        def stage_and_run(hbase, n_static, cnt):
            @pl.when(cnt > 0)
            def _():
                load_half(hbase, n_static)
                run_half(cnt)

        stage_and_run(base, half_max, h1)
        stage_and_run(base + h1, half_max, h2)

        plsc.subcore_barrier()
        pltpu.sync_copy(
            acc.at[pl.ds(s * RPT, RPT)], out_hbm.at[c, pl.ds(s * RPT, RPT)]
        )

    return agg_kernel




def _dinv_from_partials(deg_ref):
    deg = jnp.sum(deg_ref[...], axis=0)
    return lax.rsqrt(jnp.maximum(deg, 1.0))


def _tc1_body(x_ref, w_ref, deg_ref, o_ref):
    dinv = _dinv_from_partials(deg_ref)
    h = jnp.dot(x_ref[...], w_ref[...], preferred_element_type=jnp.float32)
    o_ref[...] = h * dinv[:, None]


def _tc2_body(agg_ref, deg_ref, o_ref):
    dinv = _dinv_from_partials(deg_ref)
    raw = agg_ref[0] + agg_ref[1]
    h1 = jnp.maximum(raw * dinv[:, None], 0.0)
    o_ref[...] = h1 * dinv[:, None]


def _tc3_body(agg_ref, deg_ref, w_ref, o_ref):
    dinv = _dinv_from_partials(deg_ref)
    scaled = (agg_ref[0] + agg_ref[1]) * dinv[:, None]
    o_ref[...] = jnp.dot(scaled, w_ref[...], preferred_element_type=jnp.float32)


@functools.lru_cache(maxsize=None)
def _make_tc1(d, h):
    grid = (NPAD // BN,)
    return pl.pallas_call(
        _tc1_body,
        grid=grid,
        in_specs=[
            pl.BlockSpec((BN, d), lambda i: (i, 0)),
            pl.BlockSpec((d, h), lambda i: (0, 0)),
            pl.BlockSpec((NW, BN), lambda i: (0, i)),
        ],
        out_specs=pl.BlockSpec((BN, h), lambda i: (i, 0)),
        out_shape=jax.ShapeDtypeStruct((NPAD, h), jnp.float32),
    )


@functools.lru_cache(maxsize=None)
def _make_tc2(h):
    grid = (NPAD // BN,)
    return pl.pallas_call(
        _tc2_body,
        grid=grid,
        in_specs=[
            pl.BlockSpec((NC, BN, h), lambda i: (0, i, 0)),
            pl.BlockSpec((NW, BN), lambda i: (0, i)),
        ],
        out_specs=pl.BlockSpec((BN, h), lambda i: (i, 0)),
        out_shape=jax.ShapeDtypeStruct((NPAD, h), jnp.float32),
    )


@functools.lru_cache(maxsize=None)
def _make_tc3(h, cdim):
    grid = (NPAD // BN,)
    return pl.pallas_call(
        _tc3_body,
        grid=grid,
        in_specs=[
            pl.BlockSpec((NC, BN, h), lambda i: (0, i, 0)),
            pl.BlockSpec((NW, BN), lambda i: (0, i)),
            pl.BlockSpec((h, cdim), lambda i: (0, 0)),
        ],
        out_specs=pl.BlockSpec((BN, cdim), lambda i: (i, 0)),
        out_shape=jax.ShapeDtypeStruct((NPAD, cdim), jnp.float32),
    )




def kernel(x, edge_index, W1, W2):
    n, d = x.shape
    h = W1.shape[1]
    cdim = W2.shape[1]
    e = edge_index.shape[1]

    if e % (8 * CH):
        pad_e = 8 * CH - e % (8 * CH)
        edge_index = jnp.concatenate(
            [
                edge_index,
                jnp.stack(
                    [
                        jnp.zeros((pad_e,), jnp.int32),
                        jnp.full((pad_e,), n, jnp.int32),
                    ]
                ),
            ],
            axis=1,
        )
    total_ch = edge_index.shape[1] // CH
    edges3 = edge_index.reshape(2, total_ch, CH)
    half_max = _agg_split(total_ch)[5]
    edges3 = jnp.pad(edges3, ((0, 0), (0, half_max), (0, 0)))

    x_p = jnp.pad(x, ((0, NPAD - n), (0, 0)))
    zeros_deg = jnp.zeros((NPAD,), jnp.float32)
    zeros_h = jnp.zeros((RPT, h), jnp.float32)

    degp = _make_deg(total_ch)(edges3, zeros_deg)
    hp = _make_tc1(d, h)(x_p, W1, degp)
    agg = _make_agg(total_ch, h)
    aggp = agg(hp, edges3, zeros_h)
    h1p = _make_tc2(h)(aggp, degp)
    outp = agg(h1p, edges3, zeros_h)
    out_full = _make_tc3(h, cdim)(outp, degp, W2)
    return out_full[:n]

# --- scband reference (transcript-rebuilt; emitter-appended) ---
"""Pipeline reference for scband-gcn-71588514890154 (READ-ONLY COPY).

The authoritative reference and input builder live on the scoring server;
editing this copy changes nothing except your own understanding.
"""

import jax, jax.numpy as jnp
import numpy as np

N = 10000
E = 320000
D = 128
H = 128
C = 64


def setup_inputs(seed: int = 0) -> dict:
    key = jax.random.key(seed)
    k1, k2, k3, k4 = jax.random.split(key, 4)
    x = jax.random.normal(k1, (N, D), dtype=jnp.float32)
    edge_index = jax.random.randint(k2, (2, E), 0, N, dtype=jnp.int32)
    # glorot init for GCN layer weights (weights_GClayer1 / weights_GClayer2)
    lim1 = np.sqrt(6.0 / (D + H))
    W1 = jax.random.uniform(k3, (D, H), minval=-lim1, maxval=lim1, dtype=jnp.float32)
    lim2 = np.sqrt(6.0 / (H + C))
    W2 = jax.random.uniform(k4, (H, C), minval=-lim2, maxval=lim2, dtype=jnp.float32)
    return {"x": x, "edge_index": edge_index, "W1": W1, "W2": W2}


def reference(x, edge_index, W1, W2):
    # 2-layer GCN (mlp_flag=0, K_sample_num=1):
    #   out = A_hat @ relu(A_hat @ X @ W1) @ W2
    # A_hat applied via gather (h[src]) + scatter-add (segment_sum over dst)
    # with symmetric degree normalization.
    src = edge_index[0]
    dst = edge_index[1]
    ones = jnp.ones((E,), dtype=jnp.float32)
    deg = jnp.zeros((N,), dtype=jnp.float32).at[dst].add(ones)
    deg = jnp.maximum(deg, 1.0)
    dinv = jax.lax.rsqrt(deg)
    norm = dinv[src] * dinv[dst]  # gather

    # layer 1: sparse_inputs matmul then graph aggregation, relu activation
    h = x @ W1
    msg = h[src] * norm[:, None]  # gather over edges
    agg = jax.ops.segment_sum(msg, dst, num_segments=N)  # scatter-add
    h1 = jax.nn.relu(agg)

    # layer 2: linear activation (act = identity)
    h2 = h1 @ W2
    msg2 = h2[src] * norm[:, None]
    out = jax.ops.segment_sum(msg2, dst, num_segments=N)
    return out

if __name__ == "__main__":
    import jax
    _d = setup_inputs()
    print(jax.jit(kernel)(*tuple(_d.values())))

</pallas_src>

<mosaic_0001>
#map = affine_map<(d0, d1) -> (0, 0)>
#map1 = affine_map<(d0, d1) -> (0, 0, 0)>
module attributes {stable_mosaic.version = 14 : i64} {
  func.func @agg_kernel(%arg0: i32, %arg1: i32, %arg2: memref<10240x128xf32, #tpu.memory_space<hbm>>, %arg3: memref<2x2544x128xi32, #tpu.memory_space<hbm>>, %arg4: memref<640x128xf32, #tpu.memory_space<hbm>>, %arg5: memref<2x10240x128xf32, #tpu.memory_space<hbm>>, %arg6: memref<40x128xi32, #tpu.memory_space<vmem>>, %arg7: memref<40x128xi32, #tpu.memory_space<vmem>>, %arg8: memref<2x128x128xf32, #tpu.memory_space<vmem>>, %arg9: memref<10240x128xf32, #tpu.memory_space<vmem_shared>>, %arg10: memref<2x!tpu.dma_semaphore, #tpu.memory_space<semaphore_mem>>, %arg11: memref<2x!tpu.dma_semaphore, #tpu.memory_space<semaphore_mem>>) attributes {dimension_semantics = [#tpu.dimension_semantics<core_parallel>, #tpu.dimension_semantics<subcore_parallel>], iteration_bounds = array<i64: 2, 16>, scalar_prefetch = 0 : i64, scratch_operands = 6 : i64, tpu.core_type = #tpu.core_type<sc_vector_subcore>, window_params = [{transform_indices = #map}, {transform_indices = #map1}, {transform_indices = #map}, {transform_indices = #map1}]} {
    %mul3A = arith.constant 9 : i32
    %mul3A_0 = arith.muli %mul3A, %arg1 : i32
    %min3A = arith.constant 9 : i32
    %min3A_1 = arith.minsi %arg1, %min3A : i32
    %add3A = arith.addi %mul3A_0, %min3A_1 : i32
    %mul3A_2 = arith.constant 8 : i32
    %mul3A_3 = arith.muli %mul3A_2, %add3A : i32
    %multiple_of3A = tpu.assume_multiple %mul3A_3, 8 : i32
    %lt3A = arith.constant 9 : i32
    %lt3A_4 = arith.cmpi slt, %arg1, %lt3A : i32
    %jit3A = arith.constant 8 : i32
    %jit3A_5 = arith.constant 0 : i32
    %select_n3A = arith.select %lt3A_4, %jit3A, %jit3A_5 : i32
    %add3A_6 = arith.constant 72 : i32
    %add3A_7 = arith.addi %add3A_6, %select_n3A : i32
    %eq3A = arith.constant 0 : i32
    %eq3A_8 = arith.cmpi eq, %arg0, %eq3A : i32
    %mul3A_9 = arith.constant 80 : i32
    %mul3A_10 = arith.muli %arg1, %mul3A_9 : i32
    %add3A_11 = arith.constant 1280 : i32
    %add3A_12 = arith.addi %add3A_11, %multiple_of3A : i32
    %select_n3A_13 = arith.select %eq3A_8, %mul3A_10, %add3A_12 : i32
    %multiple_of3A_14 = tpu.assume_multiple %select_n3A_13, 8 : i32
    %eq3A_15 = arith.constant 0 : i32
    %eq3A_16 = arith.cmpi eq, %arg0, %eq3A_15 : i32
    %jit3A_17 = arith.constant 80 : i32
    %select_n3A_18 = arith.select %eq3A_16, %jit3A_17, %add3A_7 : i32
    %mul3A_19 = arith.constant 640 : i32
    %mul3A_20 = arith.muli %arg1, %mul3A_19 : i32
    "tpu.region"() ({
      %run_scoped3A = tpu.sem_alloc : memref<!tpu.dma_semaphore, #tpu.memory_space<semaphore_mem>>
      %dma_start3A = arith.constant 0 : i32
      %dma_start3A_56 = tpu.memref_slice %arg9[%mul3A_20, %dma_start3A] : memref<10240x128xf32, #tpu.memory_space<vmem_shared>> -> memref<640x128xf32, #tpu.memory_space<vmem_shared>>
      tpu.enqueue_dma source(%arg4 : memref<640x128xf32, #tpu.memory_space<hbm>>) target(%dma_start3A_56 : memref<640x128xf32, #tpu.memory_space<vmem_shared>>) target_semaphore(%run_scoped3A : memref<!tpu.dma_semaphore, #tpu.memory_space<semaphore_mem>>)
      %dma_wait3A = arith.constant 0 : i32
      %dma_wait3A_57 = tpu.memref_slice %arg9[%mul3A_20, %dma_wait3A] : memref<10240x128xf32, #tpu.memory_space<vmem_shared>> -> memref<640x128xf32, #tpu.memory_space<vmem_shared>>
      tpu.wait_dma2 semaphore(%run_scoped3A : memref<!tpu.dma_semaphore, #tpu.memory_space<semaphore_mem>>) src(%arg4 : memref<640x128xf32, #tpu.memory_space<hbm>>) dst(%dma_wait3A_57 : memref<640x128xf32, #tpu.memory_space<vmem_shared>>)
      tpu.yield
    }) : () -> ()
    %barrier3A = arith.constant 0 : index
    tpu.barrier barrier_id(%barrier3A)
    %jit3A_21 = arith.constant 16 : i32
    %div3A = arith.divsi %select_n3A_18, %jit3A_21 : i32
    %sign3A = arith.constant 0 : i32
    %sign3A_22 = arith.cmpi sgt, %select_n3A_18, %sign3A : i32
    %sign3A_23 = arith.extui %sign3A_22 : i1 to i32
    %sign3A_24 = arith.constant 0 : i32
    %sign3A_25 = arith.cmpi slt, %select_n3A_18, %sign3A_24 : i32
    %sign3A_26 = arith.extui %sign3A_25 : i1 to i32
    %sign3A_27 = arith.subi %sign3A_23, %sign3A_26 : i32
    %sign3A_28 = arith.constant 0 : i32
    %sign3A_29 = arith.cmpi sgt, %jit3A_21, %sign3A_28 : i32
    %sign3A_30 = arith.extui %sign3A_29 : i1 to i32
    %sign3A_31 = arith.constant 0 : i32
    %sign3A_32 = arith.cmpi slt, %jit3A_21, %sign3A_31 : i32
    %sign3A_33 = arith.extui %sign3A_32 : i1 to i32
    %sign3A_34 = arith.subi %sign3A_30, %sign3A_33 : i32
    %ne3A = arith.cmpi ne, %sign3A_27, %sign3A_34 : i32
    %rem3A = arith.remsi %select_n3A_18, %jit3A_21 : i32
    %ne3A_35 = arith.constant 0 : i32
    %ne3A_36 = arith.cmpi ne, %rem3A, %ne3A_35 : i32
    %and3A = arith.andi %ne3A, %ne3A_36 : i1
    %sub3A = arith.constant 1 : i32
    %sub3A_37 = arith.subi %div3A, %sub3A : i32
    %select_n3A_38 = arith.select %and3A, %sub3A_37, %div3A : i32
    %mul3A_39 = arith.constant 8 : i32
    %mul3A_40 = arith.muli %select_n3A_38, %mul3A_39 : i32
    %multiple_of3A_41 = tpu.assume_multiple %mul3A_40, 8 : i32
    %sub3A_42 = arith.subi %select_n3A_18, %multiple_of3A_41 : i32
    %gt3A = arith.constant 0 : i32
    %gt3A_43 = arith.cmpi sgt, %multiple_of3A_41, %gt3A : i32
    %convert_element_type3A = arith.extui %gt3A_43 : i1 to i32
    %cond3A = arith.constant 0 : i32
    %cond3A_44 = arith.cmpi ne, %convert_element_type3A, %cond3A : i32
    scf.if %cond3A_44 {
      %run_scoped3A = arith.constant 0 : i32
      "tpu.region"() ({
        %run_scoped3A_108 = tpu.sem_alloc : memref<!tpu.dma_semaphore, #tpu.memory_space<semaphore_mem>>
        %dma_start3A_109 = arith.constant 0 : i32
        %dma_start3A_110 = arith.constant 0 : i32
        %dma_start3A_111 = tpu.memref_slice %arg6[%dma_start3A_109, %dma_start3A_110] : memref<40x128xi32, #tpu.memory_space<vmem>> -> memref<40x128xi32, #tpu.memory_space<vmem>>
        %dma_start3A_112 = arith.constant 0 : i32
        %dma_start3A_113 = tpu.memref_slice %arg3[%run_scoped3A, %multiple_of3A_14, %dma_start3A_112] : memref<2x2544x128xi32, #tpu.memory_space<hbm>> -> memref<1x40x128xi32, #tpu.memory_space<hbm>>
        %dma_start3A_114 = tpu.memref_squeeze %dma_start3A_113 : memref<1x40x128xi32, #tpu.memory_space<hbm>> -> memref<40x128xi32, #tpu.memory_space<hbm>>
        %dma_start3A_115 = arith.constant 0 : i32
        %dma_start3A_116 = arith.constant 0 : i32
        %dma_start3A_117 = tpu.memref_slice %arg6[%dma_start3A_115, %dma_start3A_116] : memref<40x128xi32, #tpu.memory_space<vmem>> -> memref<40x128xi32, #tpu.memory_space<vmem>>
        %dma_start3A_118 = arith.constant 0 : i32
        %dma_start3A_119 = tpu.memref_slice %arg3[%run_scoped3A, %multiple_of3A_14, %dma_start3A_118] : memref<2x2544x128xi32, #tpu.memory_space<hbm>> -> memref<1x40x128xi32, #tpu.memory_space<hbm>>
        %dma_start3A_120 = tpu.memref_squeeze %dma_start3A_119 : memref<1x40x128xi32, #tpu.memory_space<hbm>> -> memref<40x128xi32, #tpu.memory_space<hbm>>
        tpu.enqueue_dma source(%dma_start3A_120 : memref<40x128xi32, #tpu.memory_space<hbm>>) target(%dma_start3A_117 : memref<40x128xi32, #tpu.memory_space<vmem>>) target_semaphore(%run_scoped3A_108 : memref<!tpu.dma_semaphore, #tpu.memory_space<semaphore_mem>>)
        %dma_wait3A = arith.constant 0 : i32
        %dma_wait3A_121 = arith.constant 0 : i32
        %dma_wait3A_122 = tpu.memref_slice %arg6[%dma_wait3A, %dma_wait3A_121] : memref<40x128xi32, #tpu.memory_space<vmem>> -> memref<40x128xi32, #tpu.memory_space<vmem>>
        %dma_wait3A_123 = arith.constant 0 : i32
        %dma_wait3A_124 = tpu.memref_slice %arg3[%run_scoped3A, %multiple_of3A_14, %dma_wait3A_123] : memref<2x2544x128xi32, #tpu.memory_space<hbm>> -> memref<1x40x128xi32, #tpu.memory_space<hbm>>
        %dma_wait3A_125 = tpu.memref_squeeze %dma_wait3A_124 : memref<1x40x128xi32, #tpu.memory_space<hbm>> -> memref<40x128xi32, #tpu.memory_space<hbm>>
        %dma_wait3A_126 = arith.constant 0 : i32
        %dma_wait3A_127 = arith.constant 0 : i32
        %dma_wait3A_128 = tpu.memref_slice %arg6[%dma_wait3A_126, %dma_wait3A_127] : memref<40x128xi32, #tpu.memory_space<vmem>> -> memref<40x128xi32, #tpu.memory_space<vmem>>
        %dma_wait3A_129 = arith.constant 0 : i32
        %dma_wait3A_130 = tpu.memref_slice %arg3[%run_scoped3A, %multiple_of3A_14, %dma_wait3A_129] : memref<2x2544x128xi32, #tpu.memory_space<hbm>> -> memref<1x40x128xi32, #tpu.memory_space<hbm>>
        %dma_wait3A_131 = tpu.memref_squeeze %dma_wait3A_130 : memref<1x40x128xi32, #tpu.memory_space<hbm>> -> memref<40x128xi32, #tpu.memory_space<hbm>>
        tpu.wait_dma2 semaphore(%run_scoped3A_108 : memref<!tpu.dma_semaphore, #tpu.memory_space<semaphore_mem>>) src(%dma_wait3A_131 : memref<40x128xi32, #tpu.memory_space<hbm>>) dst(%dma_wait3A_128 : memref<40x128xi32, #tpu.memory_space<vmem>>)
        tpu.yield
      }) : () -> ()
      %run_scoped3A_56 = arith.constant 1 : i32
      "tpu.region"() ({
        %run_scoped3A_108 = tpu.sem_alloc : memref<!tpu.dma_semaphore, #tpu.memory_space<semaphore_mem>>
        %dma_start3A_109 = arith.constant 0 : i32
        %dma_start3A_110 = arith.constant 0 : i32
        %dma_start3A_111 = tpu.memref_slice %arg7[%dma_start3A_109, %dma_start3A_110] : memref<40x128xi32, #tpu.memory_space<vmem>> -> memref<40x128xi32, #tpu.memory_space<vmem>>
        %dma_start3A_112 = arith.constant 0 : i32
        %dma_start3A_113 = tpu.memref_slice %arg3[%run_scoped3A_56, %multiple_of3A_14, %dma_start3A_112] : memref<2x2544x128xi32, #tpu.memory_space<hbm>> -> memref<1x40x128xi32, #tpu.memory_space<hbm>>
        %dma_start3A_114 = tpu.memref_squeeze %dma_start3A_113 : memref<1x40x128xi32, #tpu.memory_space<hbm>> -> memref<40x128xi32, #tpu.memory_space<hbm>>
        %dma_start3A_115 = arith.constant 0 : i32
        %dma_start3A_116 = arith.constant 0 : i32
        %dma_start3A_117 = tpu.memref_slice %arg7[%dma_start3A_115, %dma_start3A_116] : memref<40x128xi32, #tpu.memory_space<vmem>> -> memref<40x128xi32, #tpu.memory_space<vmem>>
        %dma_start3A_118 = arith.constant 0 : i32
        %dma_start3A_119 = tpu.memref_slice %arg3[%run_scoped3A_56, %multiple_of3A_14, %dma_start3A_118] : memref<2x2544x128xi32, #tpu.memory_space<hbm>> -> memref<1x40x128xi32, #tpu.memory_space<hbm>>
        %dma_start3A_120 = tpu.memref_squeeze %dma_start3A_119 : memref<1x40x128xi32, #tpu.memory_space<hbm>> -> memref<40x128xi32, #tpu.memory_space<hbm>>
        tpu.enqueue_dma source(%dma_start3A_120 : memref<40x128xi32, #tpu.memory_space<hbm>>) target(%dma_start3A_117 : memref<40x128xi32, #tpu.memory_space<vmem>>) target_semaphore(%run_scoped3A_108 : memref<!tpu.dma_semaphore, #tpu.memory_space<semaphore_mem>>)
        %dma_wait3A = arith.constant 0 : i32
        %dma_wait3A_121 = arith.constant 0 : i32
        %dma_wait3A_122 = tpu.memref_slice %arg7[%dma_wait3A, %dma_wait3A_121] : memref<40x128xi32, #tpu.memory_space<vmem>> -> memref<40x128xi32, #tpu.memory_space<vmem>>
        %dma_wait3A_123 = arith.constant 0 : i32
        %dma_wait3A_124 = tpu.memref_slice %arg3[%run_scoped3A_56, %multiple_of3A_14, %dma_wait3A_123] : memref<2x2544x128xi32, #tpu.memory_space<hbm>> -> memref<1x40x128xi32, #tpu.memory_space<hbm>>
        %dma_wait3A_125 = tpu.memref_squeeze %dma_wait3A_124 : memref<1x40x128xi32, #tpu.memory_space<hbm>> -> memref<40x128xi32, #tpu.memory_space<hbm>>
        %dma_wait3A_126 = arith.constant 0 : i32
        %dma_wait3A_127 = arith.constant 0 : i32
        %dma_wait3A_128 = tpu.memref_slice %arg7[%dma_wait3A_126, %dma_wait3A_127] : memref<40x128xi32, #tpu.memory_space<vmem>> -> memref<40x128xi32, #tpu.memory_space<vmem>>
        %dma_wait3A_129 = arith.constant 0 : i32
        %dma_wait3A_130 = tpu.memref_slice %arg3[%run_scoped3A_56, %multiple_of3A_14, %dma_wait3A_129] : memref<2x2544x128xi32, #tpu.memory_space<hbm>> -> memref<1x40x128xi32, #tpu.memory_space<hbm>>
        %dma_wait3A_131 = tpu.memref_squeeze %dma_wait3A_130 : memref<1x40x128xi32, #tpu.memory_space<hbm>> -> memref<40x128xi32, #tpu.memory_space<hbm>>
        tpu.wait_dma2 semaphore(%run_scoped3A_108 : memref<!tpu.dma_semaphore, #tpu.memory_space<semaphore_mem>>) src(%dma_wait3A_131 : memref<40x128xi32, #tpu.memory_space<hbm>>) dst(%dma_wait3A_128 : memref<40x128xi32, #tpu.memory_space<vmem>>)
        tpu.yield
      }) : () -> ()
      %dma_start3A = arith.constant 0 : i32
      %dma_start3A_57 = arith.constant 0 : i32
      %dma_start3A_58 = arith.constant 0 : i32
      %dma_start3A_59 = arith.constant 0 : i32
      %dma_start3A_60 = arith.constant 0 : i32
      %dma_start3A_61 = tpu.memref_slice %arg8[%dma_start3A_57, %dma_start3A_59, %dma_start3A_60] : memref<2x128x128xf32, #tpu.memory_space<vmem>> -> memref<1x128x128xf32, #tpu.memory_space<vmem>>
      %dma_start3A_62 = tpu.memref_squeeze %dma_start3A_61 : memref<1x128x128xf32, #tpu.memory_space<vmem>> -> memref<128x128xf32, #tpu.memory_space<vmem>>
      %dma_start3A_63 = arith.constant 0 : i32
      %dma_start3A_64 = tpu.memref_slice %arg6[%dma_start3A, %dma_start3A_63] : memref<40x128xi32, #tpu.memory_space<vmem>> -> memref<1x128xi32, #tpu.memory_space<vmem>>
      %dma_start3A_65 = tpu.memref_squeeze %dma_start3A_64 : memref<1x128xi32, #tpu.memory_space<vmem>> -> memref<128xi32, #tpu.memory_space<vmem>>
      %dma_start3A_66 = arith.constant 0 : i32
      %dma_start3A_67 = arith.constant 0 : i32
      %dma_start3A_68 = tpu.memref_slice %arg2[%dma_start3A_66, %dma_start3A_67] : memref<10240x128xf32, #tpu.memory_space<hbm>> -> memref<10240x128xf32, #tpu.memory_space<hbm>>
      %dma_start3A_69 = tpu.memref_slice %arg10[%dma_start3A_58] : memref<2x!tpu.dma_semaphore, #tpu.memory_space<semaphore_mem>> -> memref<1x!tpu.dma_semaphore, #tpu.memory_space<semaphore_mem>>
      %dma_start3A_70 = tpu.memref_squeeze %dma_start3A_69 : memref<1x!tpu.dma_semaphore, #tpu.memory_space<semaphore_mem>> -> memref<!tpu.dma_semaphore, #tpu.memory_space<semaphore_mem>>
      tpu.enqueue_indirect_dma source(%dma_start3A_68 : memref<10240x128xf32, #tpu.memory_space<hbm>>) target(%dma_start3A_62 : memref<128x128xf32, #tpu.memory_space<vmem>>) offsets(%dma_start3A_65 : memref<128xi32, #tpu.memory_space<vmem>>) semaphore(%dma_start3A_70 : memref<!tpu.dma_semaphore, #tpu.memory_space<semaphore_mem>>)
      %dma_start3A_71 = arith.constant 1 : i32
      %dma_start3A_72 = arith.constant 1 : i32
      %dma_start3A_73 = arith.constant 1 : i32
      %dma_start3A_74 = arith.constant 0 : i32
      %dma_start3A_75 = arith.constant 0 : i32
      %dma_start3A_76 = tpu.memref_slice %arg8[%dma_start3A_72, %dma_start3A_74, %dma_start3A_75] : memref<2x128x128xf32, #tpu.memory_space<vmem>> -> memref<1x128x128xf32, #tpu.memory_space<vmem>>
      %dma_start3A_77 = tpu.memref_squeeze %dma_start3A_76 : memref<1x128x128xf32, #tpu.memory_space<vmem>> -> memref<128x128xf32, #tpu.memory_space<vmem>>
      %dma_start3A_78 = arith.constant 0 : i32
      %dma_start3A_79 = tpu.memref_slice %arg6[%dma_start3A_71, %dma_start3A_78] : memref<40x128xi32, #tpu.memory_space<vmem>> -> memref<1x128xi32, #tpu.memory_space<vmem>>
      %dma_start3A_80 = tpu.memref_squeeze %dma_start3A_79 : memref<1x128xi32, #tpu.memory_space<vmem>> -> memref<128xi32, #tpu.memory_space<vmem>>
      %dma_start3A_81 = arith.constant 0 : i32
      %dma_start3A_82 = arith.constant 0 : i32
      %dma_start3A_83 = tpu.memref_slice %arg2[%dma_start3A_81, %dma_start3A_82] : memref<10240x128xf32, #tpu.memory_space<hbm>> -> memref<10240x128xf32, #tpu.memory_space<hbm>>
      %dma_start3A_84 = tpu.memref_slice %arg10[%dma_start3A_73] : memref<2x!tpu.dma_semaphore, #tpu.memory_space<semaphore_mem>> -> memref<1x!tpu.dma_semaphore, #tpu.memory_space<semaphore_mem>>
      %dma_start3A_85 = tpu.memref_squeeze %dma_start3A_84 : memref<1x!tpu.dma_semaphore, #tpu.memory_space<semaphore_mem>> -> memref<!tpu.dma_semaphore, #tpu.memory_space<semaphore_mem>>
      tpu.enqueue_indirect_dma source(%dma_start3A_83 : memref<10240x128xf32, #tpu.memory_space<hbm>>) target(%dma_start3A_77 : memref<128x128xf32, #tpu.memory_space<vmem>>) offsets(%dma_start3A_80 : memref<128xi32, #tpu.memory_space<vmem>>) semaphore(%dma_start3A_85 : memref<!tpu.dma_semaphore, #tpu.memory_space<semaphore_mem>>)
      %sub3A_86 = arith.constant 2 : i32
      %sub3A_87 = arith.subi %multiple_of3A_41, %sub3A_86 : i32
      %while3A = arith.constant 0 : i32
      %while3A_88 = arith.constant 0 : i32
      %while3A_89 = arith.subi %sub3A_87, %while3A_88 : i32
      %while3A_90 = arith.addi %while3A_88, %while3A_89 : i32
      %while3A_91 = arith.constant 1 : i32
      %while3A_92 = arith.divsi %while3A_89, %while3A_91 : i32
      %while3A_93 = arith.muli %while3A_92, %while3A_91 : i32
      %while3A_94 = arith.addi %while3A_88, %while3A_93 : i32
      %while3A_95 = arith.constant 1 : i32
      scf.for %while3A_108 = %while3A_88 to %while3A_94 step %while3A_95  : i32 {
        %jit3A_109 = arith.constant 2 : i32
        %eq3A_110 = arith.constant 0 : i32
        %eq3A_111 = arith.cmpi eq, %jit3A_109, %eq3A_110 : i32
        %jit3A_112 = arith.constant 1 : i32
        %select_n3A_113 = arith.select %eq3A_111, %jit3A_112, %jit3A_109 : i32
        %rem3A_114 = arith.remsi %while3A_108, %select_n3A_113 : i32
        %ne3A_115 = arith.constant 0 : i32
        %ne3A_116 = arith.cmpi ne, %rem3A_114, %ne3A_115 : i32
        %lt3A_117 = arith.constant 0 : i32
        %lt3A_118 = arith.cmpi slt, %rem3A_114, %lt3A_117 : i32
        %lt3A_119 = arith.constant 0 : i32
        %lt3A_120 = arith.cmpi slt, %select_n3A_113, %lt3A_119 : i32
        %ne3A_121 = arith.xori %lt3A_118, %lt3A_120 : i1
        %and3A_122 = arith.andi %ne3A_121, %ne3A_116 : i1
        %add3A_123 = arith.addi %rem3A_114, %select_n3A_113 : i32
        %select_n3A_124 = arith.select %and3A_122, %add3A_123, %rem3A_114 : i32
        %dma_wait3A = arith.constant 0 : i32
        %dma_wait3A_125 = arith.constant 0 : i32
        %dma_wait3A_126 = tpu.memref_slice %arg8[%select_n3A_124, %dma_wait3A, %dma_wait3A_125] : memref<2x128x128xf32, #tpu.memory_space<vmem>> -> memref<1x128x128xf32, #tpu.memory_space<vmem>>
        %dma_wait3A_127 = tpu.memref_squeeze %dma_wait3A_126 : memref<1x128x128xf32, #tpu.memory_space<vmem>> -> memref<128x128xf32, #tpu.memory_space<vmem>>
        %dma_wait3A_128 = arith.constant 0 : i32
        %dma_wait3A_129 = tpu.memref_slice %arg6[%while3A_108, %dma_wait3A_128] : memref<40x128xi32, #tpu.memory_space<vmem>> -> memref<1x128xi32, #tpu.memory_space<vmem>>
        %dma_wait3A_130 = tpu.memref_squeeze %dma_wait3A_129 : memref<1x128xi32, #tpu.memory_space<vmem>> -> memref<128xi32, #tpu.memory_space<vmem>>
        %dma_wait3A_131 = arith.constant 0 : i32
        %dma_wait3A_132 = arith.constant 0 : i32
        %dma_wait3A_133 = tpu.memref_slice %arg2[%dma_wait3A_131, %dma_wait3A_132] : memref<10240x128xf32, #tpu.memory_space<hbm>> -> memref<10240x128xf32, #tpu.memory_space<hbm>>
        %dma_wait3A_134 = tpu.memref_slice %arg10[%select_n3A_124] : memref<2x!tpu.dma_semaphore, #tpu.memory_space<semaphore_mem>> -> memref<1x!tpu.dma_semaphore, #tpu.memory_space<semaphore_mem>>
        %dma_wait3A_135 = tpu.memref_squeeze %dma_wait3A_134 : memref<1x!tpu.dma_semaphore, #tpu.memory_space<semaphore_mem>> -> memref<!tpu.dma_semaphore, #tpu.memory_space<semaphore_mem>>
        tpu.wait_indirect_dma semaphore(%dma_wait3A_135 : memref<!tpu.dma_semaphore, #tpu.memory_space<semaphore_mem>>) src(%dma_wait3A_133 : memref<10240x128xf32, #tpu.memory_space<hbm>>) dst(%dma_wait3A_127 : memref<128x128xf32, #tpu.memory_space<vmem>>)
        %dma_start3A_136 = arith.constant 0 : i32
        %dma_start3A_137 = arith.constant 0 : i32
        %dma_start3A_138 = tpu.memref_slice %arg8[%select_n3A_124, %dma_start3A_136, %dma_start3A_137] : memref<2x128x128xf32, #tpu.memory_space<vmem>> -> memref<1x128x128xf32, #tpu.memory_space<vmem>>
        %dma_start3A_139 = tpu.memref_squeeze %dma_start3A_138 : memref<1x128x128xf32, #tpu.memory_space<vmem>> -> memref<128x128xf32, #tpu.memory_space<vmem>>
        %dma_start3A_140 = arith.constant 0 : i32
        %dma_start3A_141 = tpu.memref_slice %arg7[%while3A_108, %dma_start3A_140] : memref<40x128xi32, #tpu.memory_space<vmem>> -> memref<1x128xi32, #tpu.memory_space<vmem>>
        %dma_start3A_142 = tpu.memref_squeeze %dma_start3A_141 : memref<1x128xi32, #tpu.memory_space<vmem>> -> memref<128xi32, #tpu.memory_space<vmem>>
        %dma_start3A_143 = arith.constant 0 : i32
        %dma_start3A_144 = arith.constant 0 : i32
        %dma_start3A_145 = tpu.memref_slice %arg9[%dma_start3A_143, %dma_start3A_144] : memref<10240x128xf32, #tpu.memory_space<vmem_shared>> -> memref<10240x128xf32, #tpu.memory_space<vmem_shared>>
        %dma_start3A_146 = tpu.memref_slice %arg11[%select_n3A_124] : memref<2x!tpu.dma_semaphore, #tpu.memory_space<semaphore_mem>> -> memref<1x!tpu.dma_semaphore, #tpu.memory_space<semaphore_mem>>
        %dma_start3A_147 = tpu.memref_squeeze %dma_start3A_146 : memref<1x!tpu.dma_semaphore, #tpu.memory_space<semaphore_mem>> -> memref<!tpu.dma_semaphore, #tpu.memory_space<semaphore_mem>>
        tpu.enqueue_indirect_dma source(%dma_start3A_139 : memref<128x128xf32, #tpu.memory_space<vmem>>) target(%dma_start3A_145 : memref<10240x128xf32, #tpu.memory_space<vmem_shared>>) offsets(%dma_start3A_142 : memref<128xi32, #tpu.memory_space<vmem>>) semaphore(%dma_start3A_147 : memref<!tpu.dma_semaphore, #tpu.memory_space<semaphore_mem>>) {add = true}
        %dma_wait3A_148 = arith.constant 0 : i32
        %dma_wait3A_149 = arith.constant 0 : i32
        %dma_wait3A_150 = tpu.memref_slice %arg8[%select_n3A_124, %dma_wait3A_148, %dma_wait3A_149] : memref<2x128x128xf32, #tpu.memory_space<vmem>> -> memref<1x128x128xf32, #tpu.memory_space<vmem>>
        %dma_wait3A_151 = tpu.memref_squeeze %dma_wait3A_150 : memref<1x128x128xf32, #tpu.memory_space<vmem>> -> memref<128x128xf32, #tpu.memory_space<vmem>>
        %dma_wait3A_152 = arith.constant 0 : i32
        %dma_wait3A_153 = tpu.memref_slice %arg7[%while3A_108, %dma_wait3A_152] : memref<40x128xi32, #tpu.memory_space<vmem>> -> memref<1x128xi32, #tpu.memory_space<vmem>>
        %dma_wait3A_154 = tpu.memref_squeeze %dma_wait3A_153 : memref<1x128xi32, #tpu.memory_space<vmem>> -> memref<128xi32, #tpu.memory_space<vmem>>
        %dma_wait3A_155 = arith.constant 0 : i32
        %dma_wait3A_156 = arith.constant 0 : i32
        %dma_wait3A_157 = tpu.memref_slice %arg9[%dma_wait3A_155, %dma_wait3A_156] : memref<10240x128xf32, #tpu.memory_space<vmem_shared>> -> memref<10240x128xf32, #tpu.memory_space<vmem_shared>>
        %dma_wait3A_158 = tpu.memref_slice %arg11[%select_n3A_124] : memref<2x!tpu.dma_semaphore, #tpu.memory_space<semaphore_mem>> -> memref<1x!tpu.dma_semaphore, #tpu.memory_space<semaphore_mem>>
        %dma_wait3A_159 = tpu.memref_squeeze %dma_wait3A_158 : memref<1x!tpu.dma_semaphore, #tpu.memory_space<semaphore_mem>> -> memref<!tpu.dma_semaphore, #tpu.memory_space<semaphore_mem>>
        tpu.wait_indirect_dma semaphore(%dma_wait3A_159 : memref<!tpu.dma_semaphore, #tpu.memory_space<semaphore_mem>>) src(%dma_wait3A_151 : memref<128x128xf32, #tpu.memory_space<vmem>>) dst(%dma_wait3A_157 : memref<10240x128xf32, #tpu.memory_space<vmem_shared>>)
        %add3A_160 = arith.constant 2 : i32
        %add3A_161 = arith.addi %while3A_108, %add3A_160 : i32
        %dma_start3A_162 = arith.constant 0 : i32
        %dma_start3A_163 = arith.constant 0 : i32
        %dma_start3A_164 = tpu.memref_slice %arg8[%select_n3A_124, %dma_start3A_162, %dma_start3A_163] : memref<2x128x128xf32, #tpu.memory_space<vmem>> -> memref<1x128x128xf32, #tpu.memory_space<vmem>>
        %dma_start3A_165 = tpu.memref_squeeze %dma_start3A_164 : memref<1x128x128xf32, #tpu.memory_space<vmem>> -> memref<128x128xf32, #tpu.memory_space<vmem>>
        %dma_start3A_166 = arith.constant 0 : i32
        %dma_start3A_167 = tpu.memref_slice %arg6[%add3A_161, %dma_start3A_166] : memref<40x128xi32, #tpu.memory_space<vmem>> -> memref<1x128xi32, #tpu.memory_space<vmem>>
        %dma_start3A_168 = tpu.memref_squeeze %dma_start3A_167 : memref<1x128xi32, #tpu.memory_space<vmem>> -> memref<128xi32, #tpu.memory_space<vmem>>
        %dma_start3A_169 = arith.constant 0 : i32
        %dma_start3A_170 = arith.constant 0 : i32
        %dma_start3A_171 = tpu.memref_slice %arg2[%dma_start3A_169, %dma_start3A_170] : memref<10240x128xf32, #tpu.memory_space<hbm>> -> memref<10240x128xf32, #tpu.memory_space<hbm>>
        %dma_start3A_172 = tpu.memref_slice %arg10[%select_n3A_124] : memref<2x!tpu.dma_semaphore, #tpu.memory_space<semaphore_mem>> -> memref<1x!tpu.dma_semaphore, #tpu.memory_space<semaphore_mem>>
        %dma_start3A_173 = tpu.memref_squeeze %dma_start3A_172 : memref<1x!tpu.dma_semaphore, #tpu.memory_space<semaphore_mem>> -> memref<!tpu.dma_semaphore, #tpu.memory_space<semaphore_mem>>
        tpu.enqueue_indirect_dma source(%dma_start3A_171 : memref<10240x128xf32, #tpu.memory_space<hbm>>) target(%dma_start3A_165 : memref<128x128xf32, #tpu.memory_space<vmem>>) offsets(%dma_start3A_168 : memref<128xi32, #tpu.memory_space<vmem>>) semaphore(%dma_start3A_173 : memref<!tpu.dma_semaphore, #tpu.memory_space<semaphore_mem>>)
      }
      %while3A_96 = arith.constant 1 : i32
      scf.for %while3A_108 = %while3A_94 to %while3A_90 step %while3A_96  : i32 {
        %jit3A_109 = arith.constant 2 : i32
        %eq3A_110 = arith.constant 0 : i32
        %eq3A_111 = arith.cmpi eq, %jit3A_109, %eq3A_110 : i32
        %jit3A_112 = arith.constant 1 : i32
        %select_n3A_113 = arith.select %eq3A_111, %jit3A_112, %jit3A_109 : i32
        %rem3A_114 = arith.remsi %while3A_108, %select_n3A_113 : i32
        %ne3A_115 = arith.constant 0 : i32
        %ne3A_116 = arith.cmpi ne, %rem3A_114, %ne3A_115 : i32
        %lt3A_117 = arith.constant 0 : i32
        %lt3A_118 = arith.cmpi slt, %rem3A_114, %lt3A_117 : i32
        %lt3A_119 = arith.constant 0 : i32
        %lt3A_120 = arith.cmpi slt, %select_n3A_113, %lt3A_119 : i32
        %ne3A_121 = arith.xori %lt3A_118, %lt3A_120 : i1
        %and3A_122 = arith.andi %ne3A_121, %ne3A_116 : i1
        %add3A_123 = arith.addi %rem3A_114, %select_n3A_113 : i32
        %select_n3A_124 = arith.select %and3A_122, %add3A_123, %rem3A_114 : i32
        %dma_wait3A = arith.constant 0 : i32
        %dma_wait3A_125 = arith.constant 0 : i32
        %dma_wait3A_126 = tpu.memref_slice %arg8[%select_n3A_124, %dma_wait3A, %dma_wait3A_125] : memref<2x128x128xf32, #tpu.memory_space<vmem>> -> memref<1x128x128xf32, #tpu.memory_space<vmem>>
        %dma_wait3A_127 = tpu.memref_squeeze %dma_wait3A_126 : memref<1x128x128xf32, #tpu.memory_space<vmem>> -> memref<128x128xf32, #tpu.memory_space<vmem>>
        %dma_wait3A_128 = arith.constant 0 : i32
        %dma_wait3A_129 = tpu.memref_slice %arg6[%while3A_108, %dma_wait3A_128] : memref<40x128xi32, #tpu.memory_space<vmem>> -> memref<1x128xi32, #tpu.memory_space<vmem>>
        %dma_wait3A_130 = tpu.memref_squeeze %dma_wait3A_129 : memref<1x128xi32, #tpu.memory_space<vmem>> -> memref<128xi32, #tpu.memory_space<vmem>>
        %dma_wait3A_131 = arith.constant 0 : i32
        %dma_wait3A_132 = arith.constant 0 : i32
        %dma_wait3A_133 = tpu.memref_slice %arg2[%dma_wait3A_131, %dma_wait3A_132] : memref<10240x128xf32, #tpu.memory_space<hbm>> -> memref<10240x128xf32, #tpu.memory_space<hbm>>
        %dma_wait3A_134 = tpu.memref_slice %arg10[%select_n3A_124] : memref<2x!tpu.dma_semaphore, #tpu.memory_space<semaphore_mem>> -> memref<1x!tpu.dma_semaphore, #tpu.memory_space<semaphore_mem>>
        %dma_wait3A_135 = tpu.memref_squeeze %dma_wait3A_134 : memref<1x!tpu.dma_semaphore, #tpu.memory_space<semaphore_mem>> -> memref<!tpu.dma_semaphore, #tpu.memory_space<semaphore_mem>>
        tpu.wait_indirect_dma semaphore(%dma_wait3A_135 : memref<!tpu.dma_semaphore, #tpu.memory_space<semaphore_mem>>) src(%dma_wait3A_133 : memref<10240x128xf32, #tpu.memory_space<hbm>>) dst(%dma_wait3A_127 : memref<128x128xf32, #tpu.memory_space<vmem>>)
        %dma_start3A_136 = arith.constant 0 : i32
        %dma_start3A_137 = arith.constant 0 : i32
        %dma_start3A_138 = tpu.memref_slice %arg8[%select_n3A_124, %dma_start3A_136, %dma_start3A_137] : memref<2x128x128xf32, #tpu.memory_space<vmem>> -> memref<1x128x128xf32, #tpu.memory_space<vmem>>
        %dma_start3A_139 = tpu.memref_squeeze %dma_start3A_138 : memref<1x128x128xf32, #tpu.memory_space<vmem>> -> memref<128x128xf32, #tpu.memory_space<vmem>>
        %dma_start3A_140 = arith.constant 0 : i32
        %dma_start3A_141 = tpu.memref_slice %arg7[%while3A_108, %dma_start3A_140] : memref<40x128xi32, #tpu.memory_space<vmem>> -> memref<1x128xi32, #tpu.memory_space<vmem>>
        %dma_start3A_142 = tpu.memref_squeeze %dma_start3A_141 : memref<1x128xi32, #tpu.memory_space<vmem>> -> memref<128xi32, #tpu.memory_space<vmem>>
        %dma_start3A_143 = arith.constant 0 : i32
        %dma_start3A_144 = arith.constant 0 : i32
        %dma_start3A_145 = tpu.memref_slice %arg9[%dma_start3A_143, %dma_start3A_144] : memref<10240x128xf32, #tpu.memory_space<vmem_shared>> -> memref<10240x128xf32, #tpu.memory_space<vmem_shared>>
        %dma_start3A_146 = tpu.memref_slice %arg11[%select_n3A_124] : memref<2x!tpu.dma_semaphore, #tpu.memory_space<semaphore_mem>> -> memref<1x!tpu.dma_semaphore, #tpu.memory_space<semaphore_mem>>
        %dma_start3A_147 = tpu.memref_squeeze %dma_start3A_146 : memref<1x!tpu.dma_semaphore, #tpu.memory_space<semaphore_mem>> -> memref<!tpu.dma_semaphore, #tpu.memory_space<semaphore_mem>>
        tpu.enqueue_indirect_dma source(%dma_start3A_139 : memref<128x128xf32, #tpu.memory_space<vmem>>) target(%dma_start3A_145 : memref<10240x128xf32, #tpu.memory_space<vmem_shared>>) offsets(%dma_start3A_142 : memref<128xi32, #tpu.memory_space<vmem>>) semaphore(%dma_start3A_147 : memref<!tpu.dma_semaphore, #tpu.memory_space<semaphore_mem>>) {add = true}
        %dma_wait3A_148 = arith.constant 0 : i32
        %dma_wait3A_149 = arith.constant 0 : i32
        %dma_wait3A_150 = tpu.memref_slice %arg8[%select_n3A_124, %dma_wait3A_148, %dma_wait3A_149] : memref<2x128x128xf32, #tpu.memory_space<vmem>> -> memref<1x128x128xf32, #tpu.memory_space<vmem>>
        %dma_wait3A_151 = tpu.memref_squeeze %dma_wait3A_150 : memref<1x128x128xf32, #tpu.memory_space<vmem>> -> memref<128x128xf32, #tpu.memory_space<vmem>>
        %dma_wait3A_152 = arith.constant 0 : i32
        %dma_wait3A_153 = tpu.memref_slice %arg7[%while3A_108, %dma_wait3A_152] : memref<40x128xi32, #tpu.memory_space<vmem>> -> memref<1x128xi32, #tpu.memory_space<vmem>>
        %dma_wait3A_154 = tpu.memref_squeeze %dma_wait3A_153 : memref<1x128xi32, #tpu.memory_space<vmem>> -> memref<128xi32, #tpu.memory_space<vmem>>
        %dma_wait3A_155 = arith.constant 0 : i32
        %dma_wait3A_156 = arith.constant 0 : i32
        %dma_wait3A_157 = tpu.memref_slice %arg9[%dma_wait3A_155, %dma_wait3A_156] : memref<10240x128xf32, #tpu.memory_space<vmem_shared>> -> memref<10240x128xf32, #tpu.memory_space<vmem_shared>>
        %dma_wait3A_158 = tpu.memref_slice %arg11[%select_n3A_124] : memref<2x!tpu.dma_semaphore, #tpu.memory_space<semaphore_mem>> -> memref<1x!tpu.dma_semaphore, #tpu.memory_space<semaphore_mem>>
        %dma_wait3A_159 = tpu.memref_squeeze %dma_wait3A_158 : memref<1x!tpu.dma_semaphore, #tpu.memory_space<semaphore_mem>> -> memref<!tpu.dma_semaphore, #tpu.memory_space<semaphore_mem>>
        tpu.wait_indirect_dma semaphore(%dma_wait3A_159 : memref<!tpu.dma_semaphore, #tpu.memory_space<semaphore_mem>>) src(%dma_wait3A_151 : memref<128x128xf32, #tpu.memory_space<vmem>>) dst(%dma_wait3A_157 : memref<10240x128xf32, #tpu.memory_space<vmem_shared>>)
        %add3A_160 = arith.constant 2 : i32
        %add3A_161 = arith.addi %while3A_108, %add3A_160 : i32
        %dma_start3A_162 = arith.constant 0 : i32
        %dma_start3A_163 = arith.constant 0 : i32
        %dma_start3A_164 = tpu.memref_slice %arg8[%select_n3A_124, %dma_start3A_162, %dma_start3A_163] : memref<2x128x128xf32, #tpu.memory_space<vmem>> -> memref<1x128x128xf32, #tpu.memory_space<vmem>>
        %dma_start3A_165 = tpu.memref_squeeze %dma_start3A_164 : memref<1x128x128xf32, #tpu.memory_space<vmem>> -> memref<128x128xf32, #tpu.memory_space<vmem>>
        %dma_start3A_166 = arith.constant 0 : i32
        %dma_start3A_167 = tpu.memref_slice %arg6[%add3A_161, %dma_start3A_166] : memref<40x128xi32, #tpu.memory_space<vmem>> -> memref<1x128xi32, #tpu.memory_space<vmem>>
        %dma_start3A_168 = tpu.memref_squeeze %dma_start3A_167 : memref<1x128xi32, #tpu.memory_space<vmem>> -> memref<128xi32, #tpu.memory_space<vmem>>
        %dma_start3A_169 = arith.constant 0 : i32
        %dma_start3A_170 = arith.constant 0 : i32
        %dma_start3A_171 = tpu.memref_slice %arg2[%dma_start3A_169, %dma_start3A_170] : memref<10240x128xf32, #tpu.memory_space<hbm>> -> memref<10240x128xf32, #tpu.memory_space<hbm>>
        %dma_start3A_172 = tpu.memref_slice %arg10[%select_n3A_124] : memref<2x!tpu.dma_semaphore, #tpu.memory_space<semaphore_mem>> -> memref<1x!tpu.dma_semaphore, #tpu.memory_space<semaphore_mem>>
        %dma_start3A_173 = tpu.memref_squeeze %dma_start3A_172 : memref<1x!tpu.dma_semaphore, #tpu.memory_space<semaphore_mem>> -> memref<!tpu.dma_semaphore, #tpu.memory_space<semaphore_mem>>
        tpu.enqueue_indirect_dma source(%dma_start3A_171 : memref<10240x128xf32, #tpu.memory_space<hbm>>) target(%dma_start3A_165 : memref<128x128xf32, #tpu.memory_space<vmem>>) offsets(%dma_start3A_168 : memref<128xi32, #tpu.memory_space<vmem>>) semaphore(%dma_start3A_173 : memref<!tpu.dma_semaphore, #tpu.memory_space<semaphore_mem>>)
      }
      %sub3A_97 = arith.constant 2 : i32
      %sub3A_98 = arith.subi %multiple_of3A_41, %sub3A_97 : i32
      %while3A_99 = arith.constant 0 : i32
      %while3A_100 = arith.subi %multiple_of3A_41, %sub3A_98 : i32
      %while3A_101 = arith.addi %sub3A_98, %while3A_100 : i32
      %while3A_102 = arith.constant 1 : i32
      %while3A_103 = arith.divsi %while3A_100, %while3A_102 : i32
      %while3A_104 = arith.muli %while3A_103, %while3A_102 : i32
      %while3A_105 = arith.addi %sub3A_98, %while3A_104 : i32
      %while3A_106 = arith.constant 1 : i32
      scf.for %while3A_108 = %sub3A_98 to %while3A_105 step %while3A_106  : i32 {
        %jit3A_109 = arith.constant 2 : i32
        %eq3A_110 = arith.constant 0 : i32
        %eq3A_111 = arith.cmpi eq, %jit3A_109, %eq3A_110 : i32
        %jit3A_112 = arith.constant 1 : i32
        %select_n3A_113 = arith.select %eq3A_111, %jit3A_112, %jit3A_109 : i32
        %rem3A_114 = arith.remsi %while3A_108, %select_n3A_113 : i32
        %ne3A_115 = arith.constant 0 : i32
        %ne3A_116 = arith.cmpi ne, %rem3A_114, %ne3A_115 : i32
        %lt3A_117 = arith.constant 0 : i32
        %lt3A_118 = arith.cmpi slt, %rem3A_114, %lt3A_117 : i32
        %lt3A_119 = arith.constant 0 : i32
        %lt3A_120 = arith.cmpi slt, %select_n3A_113, %lt3A_119 : i32
        %ne3A_121 = arith.xori %lt3A_118, %lt3A_120 : i1
        %and3A_122 = arith.andi %ne3A_121, %ne3A_116 : i1
        %add3A_123 = arith.addi %rem3A_114, %select_n3A_113 : i32
        %select_n3A_124 = arith.select %and3A_122, %add3A_123, %rem3A_114 : i32
        %dma_wait3A = arith.constant 0 : i32
        %dma_wait3A_125 = arith.constant 0 : i32
        %dma_wait3A_126 = tpu.memref_slice %arg8[%select_n3A_124, %dma_wait3A, %dma_wait3A_125] : memref<2x128x128xf32, #tpu.memory_space<vmem>> -> memref<1x128x128xf32, #tpu.memory_space<vmem>>
        %dma_wait3A_127 = tpu.memref_squeeze %dma_wait3A_126 : memref<1x128x128xf32, #tpu.memory_space<vmem>> -> memref<128x128xf32, #tpu.memory_space<vmem>>
        %dma_wait3A_128 = arith.constant 0 : i32
        %dma_wait3A_129 = tpu.memref_slice %arg6[%while3A_108, %dma_wait3A_128] : memref<40x128xi32, #tpu.memory_space<vmem>> -> memref<1x128xi32, #tpu.memory_space<vmem>>
        %dma_wait3A_130 = tpu.memref_squeeze %dma_wait3A_129 : memref<1x128xi32, #tpu.memory_space<vmem>> -> memref<128xi32, #tpu.memory_space<vmem>>
        %dma_wait3A_131 = arith.constant 0 : i32
        %dma_wait3A_132 = arith.constant 0 : i32
        %dma_wait3A_133 = tpu.memref_slice %arg2[%dma_wait3A_131, %dma_wait3A_132] : memref<10240x128xf32, #tpu.memory_space<hbm>> -> memref<10240x128xf32, #tpu.memory_space<hbm>>
        %dma_wait3A_134 = tpu.memref_slice %arg10[%select_n3A_124] : memref<2x!tpu.dma_semaphore, #tpu.memory_space<semaphore_mem>> -> memref<1x!tpu.dma_semaphore, #tpu.memory_space<semaphore_mem>>
        %dma_wait3A_135 = tpu.memref_squeeze %dma_wait3A_134 : memref<1x!tpu.dma_semaphore, #tpu.memory_space<semaphore_mem>> -> memref<!tpu.dma_semaphore, #tpu.memory_space<semaphore_mem>>
        tpu.wait_indirect_dma semaphore(%dma_wait3A_135 : memref<!tpu.dma_semaphore, #tpu.memory_space<semaphore_mem>>) src(%dma_wait3A_133 : memref<10240x128xf32, #tpu.memory_space<hbm>>) dst(%dma_wait3A_127 : memref<128x128xf32, #tpu.memory_space<vmem>>)
        %dma_start3A_136 = arith.constant 0 : i32
        %dma_start3A_137 = arith.constant 0 : i32
        %dma_start3A_138 = tpu.memref_slice %arg8[%select_n3A_124, %dma_start3A_136, %dma_start3A_137] : memref<2x128x128xf32, #tpu.memory_space<vmem>> -> memref<1x128x128xf32, #tpu.memory_space<vmem>>
        %dma_start3A_139 = tpu.memref_squeeze %dma_start3A_138 : memref<1x128x128xf32, #tpu.memory_space<vmem>> -> memref<128x128xf32, #tpu.memory_space<vmem>>
        %dma_start3A_140 = arith.constant 0 : i32
        %dma_start3A_141 = tpu.memref_slice %arg7[%while3A_108, %dma_start3A_140] : memref<40x128xi32, #tpu.memory_space<vmem>> -> memref<1x128xi32, #tpu.memory_space<vmem>>
        %dma_start3A_142 = tpu.memref_squeeze %dma_start3A_141 : memref<1x128xi32, #tpu.memory_space<vmem>> -> memref<128xi32, #tpu.memory_space<vmem>>
        %dma_start3A_143 = arith.constant 0 : i32
        %dma_start3A_144 = arith.constant 0 : i32
        %dma_start3A_145 = tpu.memref_slice %arg9[%dma_start3A_143, %dma_start3A_144] : memref<10240x128xf32, #tpu.memory_space<vmem_shared>> -> memref<10240x128xf32, #tpu.memory_space<vmem_shared>>
        %dma_start3A_146 = tpu.memref_slice %arg11[%select_n3A_124] : memref<2x!tpu.dma_semaphore, #tpu.memory_space<semaphore_mem>> -> memref<1x!tpu.dma_semaphore, #tpu.memory_space<semaphore_mem>>
        %dma_start3A_147 = tpu.memref_squeeze %dma_start3A_146 : memref<1x!tpu.dma_semaphore, #tpu.memory_space<semaphore_mem>> -> memref<!tpu.dma_semaphore, #tpu.memory_space<semaphore_mem>>
        tpu.enqueue_indirect_dma source(%dma_start3A_139 : memref<128x128xf32, #tpu.memory_space<vmem>>) target(%dma_start3A_145 : memref<10240x128xf32, #tpu.memory_space<vmem_shared>>) offsets(%dma_start3A_142 : memref<128xi32, #tpu.memory_space<vmem>>) semaphore(%dma_start3A_147 : memref<!tpu.dma_semaphore, #tpu.memory_space<semaphore_mem>>) {add = true}
        %dma_wait3A_148 = arith.constant 0 : i32
        %dma_wait3A_149 = arith.constant 0 : i32
        %dma_wait3A_150 = tpu.memref_slice %arg8[%select_n3A_124, %dma_wait3A_148, %dma_wait3A_149] : memref<2x128x128xf32, #tpu.memory_space<vmem>> -> memref<1x128x128xf32, #tpu.memory_space<vmem>>
        %dma_wait3A_151 = tpu.memref_squeeze %dma_wait3A_150 : memref<1x128x128xf32, #tpu.memory_space<vmem>> -> memref<128x128xf32, #tpu.memory_space<vmem>>
        %dma_wait3A_152 = arith.constant 0 : i32
        %dma_wait3A_153 = tpu.memref_slice %arg7[%while3A_108, %dma_wait3A_152] : memref<40x128xi32, #tpu.memory_space<vmem>> -> memref<1x128xi32, #tpu.memory_space<vmem>>
        %dma_wait3A_154 = tpu.memref_squeeze %dma_wait3A_153 : memref<1x128xi32, #tpu.memory_space<vmem>> -> memref<128xi32, #tpu.memory_space<vmem>>
        %dma_wait3A_155 = arith.constant 0 : i32
        %dma_wait3A_156 = arith.constant 0 : i32
        %dma_wait3A_157 = tpu.memref_slice %arg9[%dma_wait3A_155, %dma_wait3A_156] : memref<10240x128xf32, #tpu.memory_space<vmem_shared>> -> memref<10240x128xf32, #tpu.memory_space<vmem_shared>>
        %dma_wait3A_158 = tpu.memref_slice %arg11[%select_n3A_124] : memref<2x!tpu.dma_semaphore, #tpu.memory_space<semaphore_mem>> -> memref<1x!tpu.dma_semaphore, #tpu.memory_space<semaphore_mem>>
        %dma_wait3A_159 = tpu.memref_squeeze %dma_wait3A_158 : memref<1x!tpu.dma_semaphore, #tpu.memory_space<semaphore_mem>> -> memref<!tpu.dma_semaphore, #tpu.memory_space<semaphore_mem>>
        tpu.wait_indirect_dma semaphore(%dma_wait3A_159 : memref<!tpu.dma_semaphore, #tpu.memory_space<semaphore_mem>>) src(%dma_wait3A_151 : memref<128x128xf32, #tpu.memory_space<vmem>>) dst(%dma_wait3A_157 : memref<10240x128xf32, #tpu.memory_space<vmem_shared>>)
      }
      %while3A_107 = arith.constant 1 : i32
      scf.for %while3A_108 = %while3A_105 to %while3A_101 step %while3A_107  : i32 {
        %jit3A_109 = arith.constant 2 : i32
        %eq3A_110 = arith.constant 0 : i32
        %eq3A_111 = arith.cmpi eq, %jit3A_109, %eq3A_110 : i32
        %jit3A_112 = arith.constant 1 : i32
        %select_n3A_113 = arith.select %eq3A_111, %jit3A_112, %jit3A_109 : i32
        %rem3A_114 = arith.remsi %while3A_108, %select_n3A_113 : i32
        %ne3A_115 = arith.constant 0 : i32
        %ne3A_116 = arith.cmpi ne, %rem3A_114, %ne3A_115 : i32
        %lt3A_117 = arith.constant 0 : i32
        %lt3A_118 = arith.cmpi slt, %rem3A_114, %lt3A_117 : i32
        %lt3A_119 = arith.constant 0 : i32
        %lt3A_120 = arith.cmpi slt, %select_n3A_113, %lt3A_119 : i32
        %ne3A_121 = arith.xori %lt3A_118, %lt3A_120 : i1
        %and3A_122 = arith.andi %ne3A_121, %ne3A_116 : i1
        %add3A_123 = arith.addi %rem3A_114, %select_n3A_113 : i32
        %select_n3A_124 = arith.select %and3A_122, %add3A_123, %rem3A_114 : i32
        %dma_wait3A = arith.constant 0 : i32
        %dma_wait3A_125 = arith.constant 0 : i32
        %dma_wait3A_126 = tpu.memref_slice %arg8[%select_n3A_124, %dma_wait3A, %dma_wait3A_125] : memref<2x128x128xf32, #tpu.memory_space<vmem>> -> memref<1x128x128xf32, #tpu.memory_space<vmem>>
        %dma_wait3A_127 = tpu.memref_squeeze %dma_wait3A_126 : memref<1x128x128xf32, #tpu.memory_space<vmem>> -> memref<128x128xf32, #tpu.memory_space<vmem>>
        %dma_wait3A_128 = arith.constant 0 : i32
        %dma_wait3A_129 = tpu.memref_slice %arg6[%while3A_108, %dma_wait3A_128] : memref<40x128xi32, #tpu.memory_space<vmem>> -> memref<1x128xi32, #tpu.memory_space<vmem>>
        %dma_wait3A_130 = tpu.memref_squeeze %dma_wait3A_129 : memref<1x128xi32, #tpu.memory_space<vmem>> -> memref<128xi32, #tpu.memory_space<vmem>>
        %dma_wait3A_131 = arith.constant 0 : i32
        %dma_wait3A_132 = arith.constant 0 : i32
        %dma_wait3A_133 = tpu.memref_slice %arg2[%dma_wait3A_131, %dma_wait3A_132] : memref<10240x128xf32, #tpu.memory_space<hbm>> -> memref<10240x128xf32, #tpu.memory_space<hbm>>
        %dma_wait3A_134 = tpu.memref_slice %arg10[%select_n3A_124] : memref<2x!tpu.dma_semaphore, #tpu.memory_space<semaphore_mem>> -> memref<1x!tpu.dma_semaphore, #tpu.memory_space<semaphore_mem>>
        %dma_wait3A_135 = tpu.memref_squeeze %dma_wait3A_134 : memref<1x!tpu.dma_semaphore, #tpu.memory_space<semaphore_mem>> -> memref<!tpu.dma_semaphore, #tpu.memory_space<semaphore_mem>>
        tpu.wait_indirect_dma semaphore(%dma_wait3A_135 : memref<!tpu.dma_semaphore, #tpu.memory_space<semaphore_mem>>) src(%dma_wait3A_133 : memref<10240x128xf32, #tpu.memory_space<hbm>>) dst(%dma_wait3A_127 : memref<128x128xf32, #tpu.memory_space<vmem>>)
        %dma_start3A_136 = arith.constant 0 : i32
        %dma_start3A_137 = arith.constant 0 : i32
        %dma_start3A_138 = tpu.memref_slice %arg8[%select_n3A_124, %dma_start3A_136, %dma_start3A_137] : memref<2x128x128xf32, #tpu.memory_space<vmem>> -> memref<1x128x128xf32, #tpu.memory_space<vmem>>
        %dma_start3A_139 = tpu.memref_squeeze %dma_start3A_138 : memref<1x128x128xf32, #tpu.memory_space<vmem>> -> memref<128x128xf32, #tpu.memory_space<vmem>>
        %dma_start3A_140 = arith.constant 0 : i32
        %dma_start3A_141 = tpu.memref_slice %arg7[%while3A_108, %dma_start3A_140] : memref<40x128xi32, #tpu.memory_space<vmem>> -> memref<1x128xi32, #tpu.memory_space<vmem>>
        %dma_start3A_142 = tpu.memref_squeeze %dma_start3A_141 : memref<1x128xi32, #tpu.memory_space<vmem>> -> memref<128xi32, #tpu.memory_space<vmem>>
        %dma_start3A_143 = arith.constant 0 : i32
        %dma_start3A_144 = arith.constant 0 : i32
        %dma_start3A_145 = tpu.memref_slice %arg9[%dma_start3A_143, %dma_start3A_144] : memref<10240x128xf32, #tpu.memory_space<vmem_shared>> -> memref<10240x128xf32, #tpu.memory_space<vmem_shared>>
        %dma_start3A_146 = tpu.memref_slice %arg11[%select_n3A_124] : memref<2x!tpu.dma_semaphore, #tpu.memory_space<semaphore_mem>> -> memref<1x!tpu.dma_semaphore, #tpu.memory_space<semaphore_mem>>
        %dma_start3A_147 = tpu.memref_squeeze %dma_start3A_146 : memref<1x!tpu.dma_semaphore, #tpu.memory_space<semaphore_mem>> -> memref<!tpu.dma_semaphore, #tpu.memory_space<semaphore_mem>>
        tpu.enqueue_indirect_dma source(%dma_start3A_139 : memref<128x128xf32, #tpu.memory_space<vmem>>) target(%dma_start3A_145 : memref<10240x128xf32, #tpu.memory_space<vmem_shared>>) offsets(%dma_start3A_142 : memref<128xi32, #tpu.memory_space<vmem>>) semaphore(%dma_start3A_147 : memref<!tpu.dma_semaphore, #tpu.memory_space<semaphore_mem>>) {add = true}
        %dma_wait3A_148 = arith.constant 0 : i32
        %dma_wait3A_149 = arith.constant 0 : i32
        %dma_wait3A_150 = tpu.memref_slice %arg8[%select_n3A_124, %dma_wait3A_148, %dma_wait3A_149] : memref<2x128x128xf32, #tpu.memory_space<vmem>> -> memref<1x128x128xf32, #tpu.memory_space<vmem>>
        %dma_wait3A_151 = tpu.memref_squeeze %dma_wait3A_150 : memref<1x128x128xf32, #tpu.memory_space<vmem>> -> memref<128x128xf32, #tpu.memory_space<vmem>>
        %dma_wait3A_152 = arith.constant 0 : i32
        %dma_wait3A_153 = tpu.memref_slice %arg7[%while3A_108, %dma_wait3A_152] : memref<40x128xi32, #tpu.memory_space<vmem>> -> memref<1x128xi32, #tpu.memory_space<vmem>>
        %dma_wait3A_154 = tpu.memref_squeeze %dma_wait3A_153 : memref<1x128xi32, #tpu.memory_space<vmem>> -> memref<128xi32, #tpu.memory_space<vmem>>
        %dma_wait3A_155 = arith.constant 0 : i32
        %dma_wait3A_156 = arith.constant 0 : i32
        %dma_wait3A_157 = tpu.memref_slice %arg9[%dma_wait3A_155, %dma_wait3A_156] : memref<10240x128xf32, #tpu.memory_space<vmem_shared>> -> memref<10240x128xf32, #tpu.memory_space<vmem_shared>>
        %dma_wait3A_158 = tpu.memref_slice %arg11[%select_n3A_124] : memref<2x!tpu.dma_semaphore, #tpu.memory_space<semaphore_mem>> -> memref<1x!tpu.dma_semaphore, #tpu.memory_space<semaphore_mem>>
        %dma_wait3A_159 = tpu.memref_squeeze %dma_wait3A_158 : memref<1x!tpu.dma_semaphore, #tpu.memory_space<semaphore_mem>> -> memref<!tpu.dma_semaphore, #tpu.memory_space<semaphore_mem>>
        tpu.wait_indirect_dma semaphore(%dma_wait3A_159 : memref<!tpu.dma_semaphore, #tpu.memory_space<semaphore_mem>>) src(%dma_wait3A_151 : memref<128x128xf32, #tpu.memory_space<vmem>>) dst(%dma_wait3A_157 : memref<10240x128xf32, #tpu.memory_space<vmem_shared>>)
      }
    } else {
    }
    %add3A_45 = arith.addi %multiple_of3A_14, %multiple_of3A_41 : i32
    %gt3A_46 = arith.constant 0 : i32
    %gt3A_47 = arith.cmpi sgt, %sub3A_42, %gt3A_46 : i32
    %convert_element_type3A_48 = arith.extui %gt3A_47 : i1 to i32
    %cond3A_49 = arith.constant 0 : i32
    %cond3A_50 = arith.cmpi ne, %convert_element_type3A_48, %cond3A_49 : i32
    scf.if %cond3A_50 {
      %run_scoped3A = arith.constant 0 : i32
      "tpu.region"() ({
        %run_scoped3A_108 = tpu.sem_alloc : memref<!tpu.dma_semaphore, #tpu.memory_space<semaphore_mem>>
        %dma_start3A_109 = arith.constant 0 : i32
        %dma_start3A_110 = arith.constant 0 : i32
        %dma_start3A_111 = tpu.memref_slice %arg6[%dma_start3A_109, %dma_start3A_110] : memref<40x128xi32, #tpu.memory_space<vmem>> -> memref<40x128xi32, #tpu.memory_space<vmem>>
        %dma_start3A_112 = arith.constant 0 : i32
        %dma_start3A_113 = tpu.memref_slice %arg3[%run_scoped3A, %add3A_45, %dma_start3A_112] : memref<2x2544x128xi32, #tpu.memory_space<hbm>> -> memref<1x40x128xi32, #tpu.memory_space<hbm>>
        %dma_start3A_114 = tpu.memref_squeeze %dma_start3A_113 : memref<1x40x128xi32, #tpu.memory_space<hbm>> -> memref<40x128xi32, #tpu.memory_space<hbm>>
        %dma_start3A_115 = arith.constant 0 : i32
        %dma_start3A_116 = arith.constant 0 : i32
        %dma_start3A_117 = tpu.memref_slice %arg6[%dma_start3A_115, %dma_start3A_116] : memref<40x128xi32, #tpu.memory_space<vmem>> -> memref<40x128xi32, #tpu.memory_space<vmem>>
        %dma_start3A_118 = arith.constant 0 : i32
        %dma_start3A_119 = tpu.memref_slice %arg3[%run_scoped3A, %add3A_45, %dma_start3A_118] : memref<2x2544x128xi32, #tpu.memory_space<hbm>> -> memref<1x40x128xi32, #tpu.memory_space<hbm>>
        %dma_start3A_120 = tpu.memref_squeeze %dma_start3A_119 : memref<1x40x128xi32, #tpu.memory_space<hbm>> -> memref<40x128xi32, #tpu.memory_space<hbm>>
        tpu.enqueue_dma source(%dma_start3A_120 : memref<40x128xi32, #tpu.memory_space<hbm>>) target(%dma_start3A_117 : memref<40x128xi32, #tpu.memory_space<vmem>>) target_semaphore(%run_scoped3A_108 : memref<!tpu.dma_semaphore, #tpu.memory_space<semaphore_mem>>)
        %dma_wait3A = arith.constant 0 : i32
        %dma_wait3A_121 = arith.constant 0 : i32
        %dma_wait3A_122 = tpu.memref_slice %arg6[%dma_wait3A, %dma_wait3A_121] : memref<40x128xi32, #tpu.memory_space<vmem>> -> memref<40x128xi32, #tpu.memory_space<vmem>>
        %dma_wait3A_123 = arith.constant 0 : i32
        %dma_wait3A_124 = tpu.memref_slice %arg3[%run_scoped3A, %add3A_45, %dma_wait3A_123] : memref<2x2544x128xi32, #tpu.memory_space<hbm>> -> memref<1x40x128xi32, #tpu.memory_space<hbm>>
        %dma_wait3A_125 = tpu.memref_squeeze %dma_wait3A_124 : memref<1x40x128xi32, #tpu.memory_space<hbm>> -> memref<40x128xi32, #tpu.memory_space<hbm>>
        %dma_wait3A_126 = arith.constant 0 : i32
        %dma_wait3A_127 = arith.constant 0 : i32
        %dma_wait3A_128 = tpu.memref_slice %arg6[%dma_wait3A_126, %dma_wait3A_127] : memref<40x128xi32, #tpu.memory_space<vmem>> -> memref<40x128xi32, #tpu.memory_space<vmem>>
        %dma_wait3A_129 = arith.constant 0 : i32
        %dma_wait3A_130 = tpu.memref_slice %arg3[%run_scoped3A, %add3A_45, %dma_wait3A_129] : memref<2x2544x128xi32, #tpu.memory_space<hbm>> -> memref<1x40x128xi32, #tpu.memory_space<hbm>>
        %dma_wait3A_131 = tpu.memref_squeeze %dma_wait3A_130 : memref<1x40x128xi32, #tpu.memory_space<hbm>> -> memref<40x128xi32, #tpu.memory_space<hbm>>
        tpu.wait_dma2 semaphore(%run_scoped3A_108 : memref<!tpu.dma_semaphore, #tpu.memory_space<semaphore_mem>>) src(%dma_wait3A_131 : memref<40x128xi32, #tpu.memory_space<hbm>>) dst(%dma_wait3A_128 : memref<40x128xi32, #tpu.memory_space<vmem>>)
        tpu.yield
      }) : () -> ()
      %run_scoped3A_56 = arith.constant 1 : i32
      "tpu.region"() ({
        %run_scoped3A_108 = tpu.sem_alloc : memref<!tpu.dma_semaphore, #tpu.memory_space<semaphore_mem>>
        %dma_start3A_109 = arith.constant 0 : i32
        %dma_start3A_110 = arith.constant 0 : i32
        %dma_start3A_111 = tpu.memref_slice %arg7[%dma_start3A_109, %dma_start3A_110] : memref<40x128xi32, #tpu.memory_space<vmem>> -> memref<40x128xi32, #tpu.memory_space<vmem>>
        %dma_start3A_112 = arith.constant 0 : i32
        %dma_start3A_113 = tpu.memref_slice %arg3[%run_scoped3A_56, %add3A_45, %dma_start3A_112] : memref<2x2544x128xi32, #tpu.memory_space<hbm>> -> memref<1x40x128xi32, #tpu.memory_space<hbm>>
        %dma_start3A_114 = tpu.memref_squeeze %dma_start3A_113 : memref<1x40x128xi32, #tpu.memory_space<hbm>> -> memref<40x128xi32, #tpu.memory_space<hbm>>
        %dma_start3A_115 = arith.constant 0 : i32
        %dma_start3A_116 = arith.constant 0 : i32
        %dma_start3A_117 = tpu.memref_slice %arg7[%dma_start3A_115, %dma_start3A_116] : memref<40x128xi32, #tpu.memory_space<vmem>> -> memref<40x128xi32, #tpu.memory_space<vmem>>
        %dma_start3A_118 = arith.constant 0 : i32
        %dma_start3A_119 = tpu.memref_slice %arg3[%run_scoped3A_56, %add3A_45, %dma_start3A_118] : memref<2x2544x128xi32, #tpu.memory_space<hbm>> -> memref<1x40x128xi32, #tpu.memory_space<hbm>>
        %dma_start3A_120 = tpu.memref_squeeze %dma_start3A_119 : memref<1x40x128xi32, #tpu.memory_space<hbm>> -> memref<40x128xi32, #tpu.memory_space<hbm>>
        tpu.enqueue_dma source(%dma_start3A_120 : memref<40x128xi32, #tpu.memory_space<hbm>>) target(%dma_start3A_117 : memref<40x128xi32, #tpu.memory_space<vmem>>) target_semaphore(%run_scoped3A_108 : memref<!tpu.dma_semaphore, #tpu.memory_space<semaphore_mem>>)
        %dma_wait3A = arith.constant 0 : i32
        %dma_wait3A_121 = arith.constant 0 : i32
        %dma_wait3A_122 = tpu.memref_slice %arg7[%dma_wait3A, %dma_wait3A_121] : memref<40x128xi32, #tpu.memory_space<vmem>> -> memref<40x128xi32, #tpu.memory_space<vmem>>
        %dma_wait3A_123 = arith.constant 0 : i32
        %dma_wait3A_124 = tpu.memref_slice %arg3[%run_scoped3A_56, %add3A_45, %dma_wait3A_123] : memref<2x2544x128xi32, #tpu.memory_space<hbm>> -> memref<1x40x128xi32, #tpu.memory_space<hbm>>
        %dma_wait3A_125 = tpu.memref_squeeze %dma_wait3A_124 : memref<1x40x128xi32, #tpu.memory_space<hbm>> -> memref<40x128xi32, #tpu.memory_space<hbm>>
        %dma_wait3A_126 = arith.constant 0 : i32
        %dma_wait3A_127 = arith.constant 0 : i32
        %dma_wait3A_128 = tpu.memref_slice %arg7[%dma_wait3A_126, %dma_wait3A_127] : memref<40x128xi32, #tpu.memory_space<vmem>> -> memref<40x128xi32, #tpu.memory_space<vmem>>
        %dma_wait3A_129 = arith.constant 0 : i32
        %dma_wait3A_130 = tpu.memref_slice %arg3[%run_scoped3A_56, %add3A_45, %dma_wait3A_129] : memref<2x2544x128xi32, #tpu.memory_space<hbm>> -> memref<1x40x128xi32, #tpu.memory_space<hbm>>
        %dma_wait3A_131 = tpu.memref_squeeze %dma_wait3A_130 : memref<1x40x128xi32, #tpu.memory_space<hbm>> -> memref<40x128xi32, #tpu.memory_space<hbm>>
        tpu.wait_dma2 semaphore(%run_scoped3A_108 : memref<!tpu.dma_semaphore, #tpu.memory_space<semaphore_mem>>) src(%dma_wait3A_131 : memref<40x128xi32, #tpu.memory_space<hbm>>) dst(%dma_wait3A_128 : memref<40x128xi32, #tpu.memory_space<vmem>>)
        tpu.yield
      }) : () -> ()
      %dma_start3A = arith.constant 0 : i32
      %dma_start3A_57 = arith.constant 0 : i32
      %dma_start3A_58 = arith.constant 0 : i32
      %dma_start3A_59 = arith.constant 0 : i32
      %dma_start3A_60 = arith.constant 0 : i32
      %dma_start3A_61 = tpu.memref_slice %arg8[%dma_start3A_57, %dma_start3A_59, %dma_start3A_60] : memref<2x128x128xf32, #tpu.memory_space<vmem>> -> memref<1x128x128xf32, #tpu.memory_space<vmem>>
      %dma_start3A_62 = tpu.memref_squeeze %dma_start3A_61 : memref<1x128x128xf32, #tpu.memory_space<vmem>> -> memref<128x128xf32, #tpu.memory_space<vmem>>
      %dma_start3A_63 = arith.constant 0 : i32
      %dma_start3A_64 = tpu.memref_slice %arg6[%dma_start3A, %dma_start3A_63] : memref<40x128xi32, #tpu.memory_space<vmem>> -> memref<1x128xi32, #tpu.memory_space<vmem>>
      %dma_start3A_65 = tpu.memref_squeeze %dma_start3A_64 : memref<1x128xi32, #tpu.memory_space<vmem>> -> memref<128xi32, #tpu.memory_space<vmem>>
      %dma_start3A_66 = arith.constant 0 : i32
      %dma_start3A_67 = arith.constant 0 : i32
      %dma_start3A_68 = tpu.memref_slice %arg2[%dma_start3A_66, %dma_start3A_67] : memref<10240x128xf32, #tpu.memory_space<hbm>> -> memref<10240x128xf32, #tpu.memory_space<hbm>>
      %dma_start3A_69 = tpu.memref_slice %arg10[%dma_start3A_58] : memref<2x!tpu.dma_semaphore, #tpu.memory_space<semaphore_mem>> -> memref<1x!tpu.dma_semaphore, #tpu.memory_space<semaphore_mem>>
      %dma_start3A_70 = tpu.memref_squeeze %dma_start3A_69 : memref<1x!tpu.dma_semaphore, #tpu.memory_space<semaphore_mem>> -> memref<!tpu.dma_semaphore, #tpu.memory_space<semaphore_mem>>
      tpu.enqueue_indirect_dma source(%dma_start3A_68 : memref<10240x128xf32, #tpu.memory_space<hbm>>) target(%dma_start3A_62 : memref<128x128xf32, #tpu.memory_space<vmem>>) offsets(%dma_start3A_65 : memref<128xi32, #tpu.memory_space<vmem>>) semaphore(%dma_start3A_70 : memref<!tpu.dma_semaphore, #tpu.memory_space<semaphore_mem>>)
      %dma_start3A_71 = arith.constant 1 : i32
      %dma_start3A_72 = arith.constant 1 : i32
      %dma_start3A_73 = arith.constant 1 : i32
      %dma_start3A_74 = arith.constant 0 : i32
      %dma_start3A_75 = arith.constant 0 : i32
      %dma_start3A_76 = tpu.memref_slice %arg8[%dma_start3A_72, %dma_start3A_74, %dma_start3A_75] : memref<2x128x128xf32, #tpu.memory_space<vmem>> -> memref<1x128x128xf32, #tpu.memory_space<vmem>>
      %dma_start3A_77 = tpu.memref_squeeze %dma_start3A_76 : memref<1x128x128xf32, #tpu.memory_space<vmem>> -> memref<128x128xf32, #tpu.memory_space<vmem>>
      %dma_start3A_78 = arith.constant 0 : i32
      %dma_start3A_79 = tpu.memref_slice %arg6[%dma_start3A_71, %dma_start3A_78] : memref<40x128xi32, #tpu.memory_space<vmem>> -> memref<1x128xi32, #tpu.memory_space<vmem>>
      %dma_start3A_80 = tpu.memref_squeeze %dma_start3A_79 : memref<1x128xi32, #tpu.memory_space<vmem>> -> memref<128xi32, #tpu.memory_space<vmem>>
      %dma_start3A_81 = arith.constant 0 : i32
      %dma_start3A_82 = arith.constant 0 : i32
      %dma_start3A_83 = tpu.memref_slice %arg2[%dma_start3A_81, %dma_start3A_82] : memref<10240x128xf32, #tpu.memory_space<hbm>> -> memref<10240x128xf32, #tpu.memory_space<hbm>>
      %dma_start3A_84 = tpu.memref_slice %arg10[%dma_start3A_73] : memref<2x!tpu.dma_semaphore, #tpu.memory_space<semaphore_mem>> -> memref<1x!tpu.dma_semaphore, #tpu.memory_space<semaphore_mem>>
      %dma_start3A_85 = tpu.memref_squeeze %dma_start3A_84 : memref<1x!tpu.dma_semaphore, #tpu.memory_space<semaphore_mem>> -> memref<!tpu.dma_semaphore, #tpu.memory_space<semaphore_mem>>
      tpu.enqueue_indirect_dma source(%dma_start3A_83 : memref<10240x128xf32, #tpu.memory_space<hbm>>) target(%dma_start3A_77 : memref<128x128xf32, #tpu.memory_space<vmem>>) offsets(%dma_start3A_80 : memref<128xi32, #tpu.memory_space<vmem>>) semaphore(%dma_start3A_85 : memref<!tpu.dma_semaphore, #tpu.memory_space<semaphore_mem>>)
      %sub3A_86 = arith.constant 2 : i32
      %sub3A_87 = arith.subi %sub3A_42, %sub3A_86 : i32
      %while3A = arith.constant 0 : i32
      %while3A_88 = arith.constant 0 : i32
      %while3A_89 = arith.subi %sub3A_87, %while3A_88 : i32
      %while3A_90 = arith.addi %while3A_88, %while3A_89 : i32
      %while3A_91 = arith.constant 1 : i32
      %while3A_92 = arith.divsi %while3A_89, %while3A_91 : i32
      %while3A_93 = arith.muli %while3A_92, %while3A_91 : i32
      %while3A_94 = arith.addi %while3A_88, %while3A_93 : i32
      %while3A_95 = arith.constant 1 : i32
      scf.for %while3A_108 = %while3A_88 to %while3A_94 step %while3A_95  : i32 {
        %jit3A_109 = arith.constant 2 : i32
        %eq3A_110 = arith.constant 0 : i32
        %eq3A_111 = arith.cmpi eq, %jit3A_109, %eq3A_110 : i32
        %jit3A_112 = arith.constant 1 : i32
        %select_n3A_113 = arith.select %eq3A_111, %jit3A_112, %jit3A_109 : i32
        %rem3A_114 = arith.remsi %while3A_108, %select_n3A_113 : i32
        %ne3A_115 = arith.constant 0 : i32
        %ne3A_116 = arith.cmpi ne, %rem3A_114, %ne3A_115 : i32
        %lt3A_117 = arith.constant 0 : i32
        %lt3A_118 = arith.cmpi slt, %rem3A_114, %lt3A_117 : i32
        %lt3A_119 = arith.constant 0 : i32
        %lt3A_120 = arith.cmpi slt, %select_n3A_113, %lt3A_119 : i32
        %ne3A_121 = arith.xori %lt3A_118, %lt3A_120 : i1
        %and3A_122 = arith.andi %ne3A_121, %ne3A_116 : i1
        %add3A_123 = arith.addi %rem3A_114, %select_n3A_113 : i32
        %select_n3A_124 = arith.select %and3A_122, %add3A_123, %rem3A_114 : i32
        %dma_wait3A = arith.constant 0 : i32
        %dma_wait3A_125 = arith.constant 0 : i32
        %dma_wait3A_126 = tpu.memref_slice %arg8[%select_n3A_124, %dma_wait3A, %dma_wait3A_125] : memref<2x128x128xf32, #tpu.memory_space<vmem>> -> memref<1x128x128xf32, #tpu.memory_space<vmem>>
        %dma_wait3A_127 = tpu.memref_squeeze %dma_wait3A_126 : memref<1x128x128xf32, #tpu.memory_space<vmem>> -> memref<128x128xf32, #tpu.memory_space<vmem>>
        %dma_wait3A_128 = arith.constant 0 : i32
        %dma_wait3A_129 = tpu.memref_slice %arg6[%while3A_108, %dma_wait3A_128] : memref<40x128xi32, #tpu.memory_space<vmem>> -> memref<1x128xi32, #tpu.memory_space<vmem>>
        %dma_wait3A_130 = tpu.memref_squeeze %dma_wait3A_129 : memref<1x128xi32, #tpu.memory_space<vmem>> -> memref<128xi32, #tpu.memory_space<vmem>>
        %dma_wait3A_131 = arith.constant 0 : i32
        %dma_wait3A_132 = arith.constant 0 : i32
        %dma_wait3A_133 = tpu.memref_slice %arg2[%dma_wait3A_131, %dma_wait3A_132] : memref<10240x128xf32, #tpu.memory_space<hbm>> -> memref<10240x128xf32, #tpu.memory_space<hbm>>
        %dma_wait3A_134 = tpu.memref_slice %arg10[%select_n3A_124] : memref<2x!tpu.dma_semaphore, #tpu.memory_space<semaphore_mem>> -> memref<1x!tpu.dma_semaphore, #tpu.memory_space<semaphore_mem>>
        %dma_wait3A_135 = tpu.memref_squeeze %dma_wait3A_134 : memref<1x!tpu.dma_semaphore, #tpu.memory_space<semaphore_mem>> -> memref<!tpu.dma_semaphore, #tpu.memory_space<semaphore_mem>>
        tpu.wait_indirect_dma semaphore(%dma_wait3A_135 : memref<!tpu.dma_semaphore, #tpu.memory_space<semaphore_mem>>) src(%dma_wait3A_133 : memref<10240x128xf32, #tpu.memory_space<hbm>>) dst(%dma_wait3A_127 : memref<128x128xf32, #tpu.memory_space<vmem>>)
        %dma_start3A_136 = arith.constant 0 : i32
        %dma_start3A_137 = arith.constant 0 : i32
        %dma_start3A_138 = tpu.memref_slice %arg8[%select_n3A_124, %dma_start3A_136, %dma_start3A_137] : memref<2x128x128xf32, #tpu.memory_space<vmem>> -> memref<1x128x128xf32, #tpu.memory_space<vmem>>
        %dma_start3A_139 = tpu.memref_squeeze %dma_start3A_138 : memref<1x128x128xf32, #tpu.memory_space<vmem>> -> memref<128x128xf32, #tpu.memory_space<vmem>>
        %dma_start3A_140 = arith.constant 0 : i32
        %dma_start3A_141 = tpu.memref_slice %arg7[%while3A_108, %dma_start3A_140] : memref<40x128xi32, #tpu.memory_space<vmem>> -> memref<1x128xi32, #tpu.memory_space<vmem>>
        %dma_start3A_142 = tpu.memref_squeeze %dma_start3A_141 : memref<1x128xi32, #tpu.memory_space<vmem>> -> memref<128xi32, #tpu.memory_space<vmem>>
        %dma_start3A_143 = arith.constant 0 : i32
        %dma_start3A_144 = arith.constant 0 : i32
        %dma_start3A_145 = tpu.memref_slice %arg9[%dma_start3A_143, %dma_start3A_144] : memref<10240x128xf32, #tpu.memory_space<vmem_shared>> -> memref<10240x128xf32, #tpu.memory_space<vmem_shared>>
        %dma_start3A_146 = tpu.memref_slice %arg11[%select_n3A_124] : memref<2x!tpu.dma_semaphore, #tpu.memory_space<semaphore_mem>> -> memref<1x!tpu.dma_semaphore, #tpu.memory_space<semaphore_mem>>
        %dma_start3A_147 = tpu.memref_squeeze %dma_start3A_146 : memref<1x!tpu.dma_semaphore, #tpu.memory_space<semaphore_mem>> -> memref<!tpu.dma_semaphore, #tpu.memory_space<semaphore_mem>>
        tpu.enqueue_indirect_dma source(%dma_start3A_139 : memref<128x128xf32, #tpu.memory_space<vmem>>) target(%dma_start3A_145 : memref<10240x128xf32, #tpu.memory_space<vmem_shared>>) offsets(%dma_start3A_142 : memref<128xi32, #tpu.memory_space<vmem>>) semaphore(%dma_start3A_147 : memref<!tpu.dma_semaphore, #tpu.memory_space<semaphore_mem>>) {add = true}
        %dma_wait3A_148 = arith.constant 0 : i32
        %dma_wait3A_149 = arith.constant 0 : i32
        %dma_wait3A_150 = tpu.memref_slice %arg8[%select_n3A_124, %dma_wait3A_148, %dma_wait3A_149] : memref<2x128x128xf32, #tpu.memory_space<vmem>> -> memref<1x128x128xf32, #tpu.memory_space<vmem>>
        %dma_wait3A_151 = tpu.memref_squeeze %dma_wait3A_150 : memref<1x128x128xf32, #tpu.memory_space<vmem>> -> memref<128x128xf32, #tpu.memory_space<vmem>>
        %dma_wait3A_152 = arith.constant 0 : i32
        %dma_wait3A_153 = tpu.memref_slice %arg7[%while3A_108, %dma_wait3A_152] : memref<40x128xi32, #tpu.memory_space<vmem>> -> memref<1x128xi32, #tpu.memory_space<vmem>>
        %dma_wait3A_154 = tpu.memref_squeeze %dma_wait3A_153 : memref<1x128xi32, #tpu.memory_space<vmem>> -> memref<128xi32, #tpu.memory_space<vmem>>
        %dma_wait3A_155 = arith.constant 0 : i32
        %dma_wait3A_156 = arith.constant 0 : i32
        %dma_wait3A_157 = tpu.memref_slice %arg9[%dma_wait3A_155, %dma_wait3A_156] : memref<10240x128xf32, #tpu.memory_space<vmem_shared>> -> memref<10240x128xf32, #tpu.memory_space<vmem_shared>>
        %dma_wait3A_158 = tpu.memref_slice %arg11[%select_n3A_124] : memref<2x!tpu.dma_semaphore, #tpu.memory_space<semaphore_mem>> -> memref<1x!tpu.dma_semaphore, #tpu.memory_space<semaphore_mem>>
        %dma_wait3A_159 = tpu.memref_squeeze %dma_wait3A_158 : memref<1x!tpu.dma_semaphore, #tpu.memory_space<semaphore_mem>> -> memref<!tpu.dma_semaphore, #tpu.memory_space<semaphore_mem>>
        tpu.wait_indirect_dma semaphore(%dma_wait3A_159 : memref<!tpu.dma_semaphore, #tpu.memory_space<semaphore_mem>>) src(%dma_wait3A_151 : memref<128x128xf32, #tpu.memory_space<vmem>>) dst(%dma_wait3A_157 : memref<10240x128xf32, #tpu.memory_space<vmem_shared>>)
        %add3A_160 = arith.constant 2 : i32
        %add3A_161 = arith.addi %while3A_108, %add3A_160 : i32
        %dma_start3A_162 = arith.constant 0 : i32
        %dma_start3A_163 = arith.constant 0 : i32
        %dma_start3A_164 = tpu.memref_slice %arg8[%select_n3A_124, %dma_start3A_162, %dma_start3A_163] : memref<2x128x128xf32, #tpu.memory_space<vmem>> -> memref<1x128x128xf32, #tpu.memory_space<vmem>>
        %dma_start3A_165 = tpu.memref_squeeze %dma_start3A_164 : memref<1x128x128xf32, #tpu.memory_space<vmem>> -> memref<128x128xf32, #tpu.memory_space<vmem>>
        %dma_start3A_166 = arith.constant 0 : i32
        %dma_start3A_167 = tpu.memref_slice %arg6[%add3A_161, %dma_start3A_166] : memref<40x128xi32, #tpu.memory_space<vmem>> -> memref<1x128xi32, #tpu.memory_space<vmem>>
        %dma_start3A_168 = tpu.memref_squeeze %dma_start3A_167 : memref<1x128xi32, #tpu.memory_space<vmem>> -> memref<128xi32, #tpu.memory_space<vmem>>
        %dma_start3A_169 = arith.constant 0 : i32
        %dma_start3A_170 = arith.constant 0 : i32
        %dma_start3A_171 = tpu.memref_slice %arg2[%dma_start3A_169, %dma_start3A_170] : memref<10240x128xf32, #tpu.memory_space<hbm>> -> memref<10240x128xf32, #tpu.memory_space<hbm>>
        %dma_start3A_172 = tpu.memref_slice %arg10[%select_n3A_124] : memref<2x!tpu.dma_semaphore, #tpu.memory_space<semaphore_mem>> -> memref<1x!tpu.dma_semaphore, #tpu.memory_space<semaphore_mem>>
        %dma_start3A_173 = tpu.memref_squeeze %dma_start3A_172 : memref<1x!tpu.dma_semaphore, #tpu.memory_space<semaphore_mem>> -> memref<!tpu.dma_semaphore, #tpu.memory_space<semaphore_mem>>
        tpu.enqueue_indirect_dma source(%dma_start3A_171 : memref<10240x128xf32, #tpu.memory_space<hbm>>) target(%dma_start3A_165 : memref<128x128xf32, #tpu.memory_space<vmem>>) offsets(%dma_start3A_168 : memref<128xi32, #tpu.memory_space<vmem>>) semaphore(%dma_start3A_173 : memref<!tpu.dma_semaphore, #tpu.memory_space<semaphore_mem>>)
      }
      %while3A_96 = arith.constant 1 : i32
      scf.for %while3A_108 = %while3A_94 to %while3A_90 step %while3A_96  : i32 {
        %jit3A_109 = arith.constant 2 : i32
        %eq3A_110 = arith.constant 0 : i32
        %eq3A_111 = arith.cmpi eq, %jit3A_109, %eq3A_110 : i32
        %jit3A_112 = arith.constant 1 : i32
        %select_n3A_113 = arith.select %eq3A_111, %jit3A_112, %jit3A_109 : i32
        %rem3A_114 = arith.remsi %while3A_108, %select_n3A_113 : i32
        %ne3A_115 = arith.constant 0 : i32
        %ne3A_116 = arith.cmpi ne, %rem3A_114, %ne3A_115 : i32
        %lt3A_117 = arith.constant 0 : i32
        %lt3A_118 = arith.cmpi slt, %rem3A_114, %lt3A_117 : i32
        %lt3A_119 = arith.constant 0 : i32
        %lt3A_120 = arith.cmpi slt, %select_n3A_113, %lt3A_119 : i32
        %ne3A_121 = arith.xori %lt3A_118, %lt3A_120 : i1
        %and3A_122 = arith.andi %ne3A_121, %ne3A_116 : i1
        %add3A_123 = arith.addi %rem3A_114, %select_n3A_113 : i32
        %select_n3A_124 = arith.select %and3A_122, %add3A_123, %rem3A_114 : i32
        %dma_wait3A = arith.constant 0 : i32
        %dma_wait3A_125 = arith.constant 0 : i32
        %dma_wait3A_126 = tpu.memref_slice %arg8[%select_n3A_124, %dma_wait3A, %dma_wait3A_125] : memref<2x128x128xf32, #tpu.memory_space<vmem>> -> memref<1x128x128xf32, #tpu.memory_space<vmem>>
        %dma_wait3A_127 = tpu.memref_squeeze %dma_wait3A_126 : memref<1x128x128xf32, #tpu.memory_space<vmem>> -> memref<128x128xf32, #tpu.memory_space<vmem>>
        %dma_wait3A_128 = arith.constant 0 : i32
        %dma_wait3A_129 = tpu.memref_slice %arg6[%while3A_108, %dma_wait3A_128] : memref<40x128xi32, #tpu.memory_space<vmem>> -> memref<1x128xi32, #tpu.memory_space<vmem>>
        %dma_wait3A_130 = tpu.memref_squeeze %dma_wait3A_129 : memref<1x128xi32, #tpu.memory_space<vmem>> -> memref<128xi32, #tpu.memory_space<vmem>>
        %dma_wait3A_131 = arith.constant 0 : i32
        %dma_wait3A_132 = arith.constant 0 : i32
        %dma_wait3A_133 = tpu.memref_slice %arg2[%dma_wait3A_131, %dma_wait3A_132] : memref<10240x128xf32, #tpu.memory_space<hbm>> -> memref<10240x128xf32, #tpu.memory_space<hbm>>
        %dma_wait3A_134 = tpu.memref_slice %arg10[%select_n3A_124] : memref<2x!tpu.dma_semaphore, #tpu.memory_space<semaphore_mem>> -> memref<1x!tpu.dma_semaphore, #tpu.memory_space<semaphore_mem>>
        %dma_wait3A_135 = tpu.memref_squeeze %dma_wait3A_134 : memref<1x!tpu.dma_semaphore, #tpu.memory_space<semaphore_mem>> -> memref<!tpu.dma_semaphore, #tpu.memory_space<semaphore_mem>>
        tpu.wait_indirect_dma semaphore(%dma_wait3A_135 : memref<!tpu.dma_semaphore, #tpu.memory_space<semaphore_mem>>) src(%dma_wait3A_133 : memref<10240x128xf32, #tpu.memory_space<hbm>>) dst(%dma_wait3A_127 : memref<128x128xf32, #tpu.memory_space<vmem>>)
        %dma_start3A_136 = arith.constant 0 : i32
        %dma_start3A_137 = arith.constant 0 : i32
        %dma_start3A_138 = tpu.memref_slice %arg8[%select_n3A_124, %dma_start3A_136, %dma_start3A_137] : memref<2x128x128xf32, #tpu.memory_space<vmem>> -> memref<1x128x128xf32, #tpu.memory_space<vmem>>
        %dma_start3A_139 = tpu.memref_squeeze %dma_start3A_138 : memref<1x128x128xf32, #tpu.memory_space<vmem>> -> memref<128x128xf32, #tpu.memory_space<vmem>>
        %dma_start3A_140 = arith.constant 0 : i32
        %dma_start3A_141 = tpu.memref_slice %arg7[%while3A_108, %dma_start3A_140] : memref<40x128xi32, #tpu.memory_space<vmem>> -> memref<1x128xi32, #tpu.memory_space<vmem>>
        %dma_start3A_142 = tpu.memref_squeeze %dma_start3A_141 : memref<1x128xi32, #tpu.memory_space<vmem>> -> memref<128xi32, #tpu.memory_space<vmem>>
        %dma_start3A_143 = arith.constant 0 : i32
        %dma_start3A_144 = arith.constant 0 : i32
        %dma_start3A_145 = tpu.memref_slice %arg9[%dma_start3A_143, %dma_start3A_144] : memref<10240x128xf32, #tpu.memory_space<vmem_shared>> -> memref<10240x128xf32, #tpu.memory_space<vmem_shared>>
        %dma_start3A_146 = tpu.memref_slice %arg11[%select_n3A_124] : memref<2x!tpu.dma_semaphore, #tpu.memory_space<semaphore_mem>> -> memref<1x!tpu.dma_semaphore, #tpu.memory_space<semaphore_mem>>
        %dma_start3A_147 = tpu.memref_squeeze %dma_start3A_146 : memref<1x!tpu.dma_semaphore, #tpu.memory_space<semaphore_mem>> -> memref<!tpu.dma_semaphore, #tpu.memory_space<semaphore_mem>>
        tpu.enqueue_indirect_dma source(%dma_start3A_139 : memref<128x128xf32, #tpu.memory_space<vmem>>) target(%dma_start3A_145 : memref<10240x128xf32, #tpu.memory_space<vmem_shared>>) offsets(%dma_start3A_142 : memref<128xi32, #tpu.memory_space<vmem>>) semaphore(%dma_start3A_147 : memref<!tpu.dma_semaphore, #tpu.memory_space<semaphore_mem>>) {add = true}
        %dma_wait3A_148 = arith.constant 0 : i32
        %dma_wait3A_149 = arith.constant 0 : i32
        %dma_wait3A_150 = tpu.memref_slice %arg8[%select_n3A_124, %dma_wait3A_148, %dma_wait3A_149] : memref<2x128x128xf32, #tpu.memory_space<vmem>> -> memref<1x128x128xf32, #tpu.memory_space<vmem>>
        %dma_wait3A_151 = tpu.memref_squeeze %dma_wait3A_150 : memref<1x128x128xf32, #tpu.memory_space<vmem>> -> memref<128x128xf32, #tpu.memory_space<vmem>>
        %dma_wait3A_152 = arith.constant 0 : i32
        %dma_wait3A_153 = tpu.memref_slice %arg7[%while3A_108, %dma_wait3A_152] : memref<40x128xi32, #tpu.memory_space<vmem>> -> memref<1x128xi32, #tpu.memory_space<vmem>>
        %dma_wait3A_154 = tpu.memref_squeeze %dma_wait3A_153 : memref<1x128xi32, #tpu.memory_space<vmem>> -> memref<128xi32, #tpu.memory_space<vmem>>
        %dma_wait3A_155 = arith.constant 0 : i32
        %dma_wait3A_156 = arith.constant 0 : i32
        %dma_wait3A_157 = tpu.memref_slice %arg9[%dma_wait3A_155, %dma_wait3A_156] : memref<10240x128xf32, #tpu.memory_space<vmem_shared>> -> memref<10240x128xf32, #tpu.memory_space<vmem_shared>>
        %dma_wait3A_158 = tpu.memref_slice %arg11[%select_n3A_124] : memref<2x!tpu.dma_semaphore, #tpu.memory_space<semaphore_mem>> -> memref<1x!tpu.dma_semaphore, #tpu.memory_space<semaphore_mem>>
        %dma_wait3A_159 = tpu.memref_squeeze %dma_wait3A_158 : memref<1x!tpu.dma_semaphore, #tpu.memory_space<semaphore_mem>> -> memref<!tpu.dma_semaphore, #tpu.memory_space<semaphore_mem>>
        tpu.wait_indirect_dma semaphore(%dma_wait3A_159 : memref<!tpu.dma_semaphore, #tpu.memory_space<semaphore_mem>>) src(%dma_wait3A_151 : memref<128x128xf32, #tpu.memory_space<vmem>>) dst(%dma_wait3A_157 : memref<10240x128xf32, #tpu.memory_space<vmem_shared>>)
        %add3A_160 = arith.constant 2 : i32
        %add3A_161 = arith.addi %while3A_108, %add3A_160 : i32
        %dma_start3A_162 = arith.constant 0 : i32
        %dma_start3A_163 = arith.constant 0 : i32
        %dma_start3A_164 = tpu.memref_slice %arg8[%select_n3A_124, %dma_start3A_162, %dma_start3A_163] : memref<2x128x128xf32, #tpu.memory_space<vmem>> -> memref<1x128x128xf32, #tpu.memory_space<vmem>>
        %dma_start3A_165 = tpu.memref_squeeze %dma_start3A_164 : memref<1x128x128xf32, #tpu.memory_space<vmem>> -> memref<128x128xf32, #tpu.memory_space<vmem>>
        %dma_start3A_166 = arith.constant 0 : i32
        %dma_start3A_167 = tpu.memref_slice %arg6[%add3A_161, %dma_start3A_166] : memref<40x128xi32, #tpu.memory_space<vmem>> -> memref<1x128xi32, #tpu.memory_space<vmem>>
        %dma_start3A_168 = tpu.memref_squeeze %dma_start3A_167 : memref<1x128xi32, #tpu.memory_space<vmem>> -> memref<128xi32, #tpu.memory_space<vmem>>
        %dma_start3A_169 = arith.constant 0 : i32
        %dma_start3A_170 = arith.constant 0 : i32
        %dma_start3A_171 = tpu.memref_slice %arg2[%dma_start3A_169, %dma_start3A_170] : memref<10240x128xf32, #tpu.memory_space<hbm>> -> memref<10240x128xf32, #tpu.memory_space<hbm>>
        %dma_start3A_172 = tpu.memref_slice %arg10[%select_n3A_124] : memref<2x!tpu.dma_semaphore, #tpu.memory_space<semaphore_mem>> -> memref<1x!tpu.dma_semaphore, #tpu.memory_space<semaphore_mem>>
        %dma_start3A_173 = tpu.memref_squeeze %dma_start3A_172 : memref<1x!tpu.dma_semaphore, #tpu.memory_space<semaphore_mem>> -> memref<!tpu.dma_semaphore, #tpu.memory_space<semaphore_mem>>
        tpu.enqueue_indirect_dma source(%dma_start3A_171 : memref<10240x128xf32, #tpu.memory_space<hbm>>) target(%dma_start3A_165 : memref<128x128xf32, #tpu.memory_space<vmem>>) offsets(%dma_start3A_168 : memref<128xi32, #tpu.memory_space<vmem>>) semaphore(%dma_start3A_173 : memref<!tpu.dma_semaphore, #tpu.memory_space<semaphore_mem>>)
      }
      %sub3A_97 = arith.constant 2 : i32
      %sub3A_98 = arith.subi %sub3A_42, %sub3A_97 : i32
      %while3A_99 = arith.constant 0 : i32
      %while3A_100 = arith.subi %sub3A_42, %sub3A_98 : i32
      %while3A_101 = arith.addi %sub3A_98, %while3A_100 : i32
      %while3A_102 = arith.constant 1 : i32
      %while3A_103 = arith.divsi %while3A_100, %while3A_102 : i32
      %while3A_104 = arith.muli %while3A_103, %while3A_102 : i32
      %while3A_105 = arith.addi %sub3A_98, %while3A_104 : i32
      %while3A_106 = arith.constant 1 : i32
      scf.for %while3A_108 = %sub3A_98 to %while3A_105 step %while3A_106  : i32 {
        %jit3A_109 = arith.constant 2 : i32
        %eq3A_110 = arith.constant 0 : i32
        %eq3A_111 = arith.cmpi eq, %jit3A_109, %eq3A_110 : i32
        %jit3A_112 = arith.constant 1 : i32
        %select_n3A_113 = arith.select %eq3A_111, %jit3A_112, %jit3A_109 : i32
        %rem3A_114 = arith.remsi %while3A_108, %select_n3A_113 : i32
        %ne3A_115 = arith.constant 0 : i32
        %ne3A_116 = arith.cmpi ne, %rem3A_114, %ne3A_115 : i32
        %lt3A_117 = arith.constant 0 : i32
        %lt3A_118 = arith.cmpi slt, %rem3A_114, %lt3A_117 : i32
        %lt3A_119 = arith.constant 0 : i32
        %lt3A_120 = arith.cmpi slt, %select_n3A_113, %lt3A_119 : i32
        %ne3A_121 = arith.xori %lt3A_118, %lt3A_120 : i1
        %and3A_122 = arith.andi %ne3A_121, %ne3A_116 : i1
        %add3A_123 = arith.addi %rem3A_114, %select_n3A_113 : i32
        %select_n3A_124 = arith.select %and3A_122, %add3A_123, %rem3A_114 : i32
        %dma_wait3A = arith.constant 0 : i32
        %dma_wait3A_125 = arith.constant 0 : i32
        %dma_wait3A_126 = tpu.memref_slice %arg8[%select_n3A_124, %dma_wait3A, %dma_wait3A_125] : memref<2x128x128xf32, #tpu.memory_space<vmem>> -> memref<1x128x128xf32, #tpu.memory_space<vmem>>
        %dma_wait3A_127 = tpu.memref_squeeze %dma_wait3A_126 : memref<1x128x128xf32, #tpu.memory_space<vmem>> -> memref<128x128xf32, #tpu.memory_space<vmem>>
        %dma_wait3A_128 = arith.constant 0 : i32
        %dma_wait3A_129 = tpu.memref_slice %arg6[%while3A_108, %dma_wait3A_128] : memref<40x128xi32, #tpu.memory_space<vmem>> -> memref<1x128xi32, #tpu.memory_space<vmem>>
        %dma_wait3A_130 = tpu.memref_squeeze %dma_wait3A_129 : memref<1x128xi32, #tpu.memory_space<vmem>> -> memref<128xi32, #tpu.memory_space<vmem>>
        %dma_wait3A_131 = arith.constant 0 : i32
        %dma_wait3A_132 = arith.constant 0 : i32
        %dma_wait3A_133 = tpu.memref_slice %arg2[%dma_wait3A_131, %dma_wait3A_132] : memref<10240x128xf32, #tpu.memory_space<hbm>> -> memref<10240x128xf32, #tpu.memory_space<hbm>>
        %dma_wait3A_134 = tpu.memref_slice %arg10[%select_n3A_124] : memref<2x!tpu.dma_semaphore, #tpu.memory_space<semaphore_mem>> -> memref<1x!tpu.dma_semaphore, #tpu.memory_space<semaphore_mem>>
        %dma_wait3A_135 = tpu.memref_squeeze %dma_wait3A_134 : memref<1x!tpu.dma_semaphore, #tpu.memory_space<semaphore_mem>> -> memref<!tpu.dma_semaphore, #tpu.memory_space<semaphore_mem>>
        tpu.wait_indirect_dma semaphore(%dma_wait3A_135 : memref<!tpu.dma_semaphore, #tpu.memory_space<semaphore_mem>>) src(%dma_wait3A_133 : memref<10240x128xf32, #tpu.memory_space<hbm>>) dst(%dma_wait3A_127 : memref<128x128xf32, #tpu.memory_space<vmem>>)
        %dma_start3A_136 = arith.constant 0 : i32
        %dma_start3A_137 = arith.constant 0 : i32
        %dma_start3A_138 = tpu.memref_slice %arg8[%select_n3A_124, %dma_start3A_136, %dma_start3A_137] : memref<2x128x128xf32, #tpu.memory_space<vmem>> -> memref<1x128x128xf32, #tpu.memory_space<vmem>>
        %dma_start3A_139 = tpu.memref_squeeze %dma_start3A_138 : memref<1x128x128xf32, #tpu.memory_space<vmem>> -> memref<128x128xf32, #tpu.memory_space<vmem>>
        %dma_start3A_140 = arith.constant 0 : i32
        %dma_start3A_141 = tpu.memref_slice %arg7[%while3A_108, %dma_start3A_140] : memref<40x128xi32, #tpu.memory_space<vmem>> -> memref<1x128xi32, #tpu.memory_space<vmem>>
        %dma_start3A_142 = tpu.memref_squeeze %dma_start3A_141 : memref<1x128xi32, #tpu.memory_space<vmem>> -> memref<128xi32, #tpu.memory_space<vmem>>
        %dma_start3A_143 = arith.constant 0 : i32
        %dma_start3A_144 = arith.constant 0 : i32
        %dma_start3A_145 = tpu.memref_slice %arg9[%dma_start3A_143, %dma_start3A_144] : memref<10240x128xf32, #tpu.memory_space<vmem_shared>> -> memref<10240x128xf32, #tpu.memory_space<vmem_shared>>
        %dma_start3A_146 = tpu.memref_slice %arg11[%select_n3A_124] : memref<2x!tpu.dma_semaphore, #tpu.memory_space<semaphore_mem>> -> memref<1x!tpu.dma_semaphore, #tpu.memory_space<semaphore_mem>>
        %dma_start3A_147 = tpu.memref_squeeze %dma_start3A_146 : memref<1x!tpu.dma_semaphore, #tpu.memory_space<semaphore_mem>> -> memref<!tpu.dma_semaphore, #tpu.memory_space<semaphore_mem>>
        tpu.enqueue_indirect_dma source(%dma_start3A_139 : memref<128x128xf32, #tpu.memory_space<vmem>>) target(%dma_start3A_145 : memref<10240x128xf32, #tpu.memory_space<vmem_shared>>) offsets(%dma_start3A_142 : memref<128xi32, #tpu.memory_space<vmem>>) semaphore(%dma_start3A_147 : memref<!tpu.dma_semaphore, #tpu.memory_space<semaphore_mem>>) {add = true}
        %dma_wait3A_148 = arith.constant 0 : i32
        %dma_wait3A_149 = arith.constant 0 : i32
        %dma_wait3A_150 = tpu.memref_slice %arg8[%select_n3A_124, %dma_wait3A_148, %dma_wait3A_149] : memref<2x128x128xf32, #tpu.memory_space<vmem>> -> memref<1x128x128xf32, #tpu.memory_space<vmem>>
        %dma_wait3A_151 = tpu.memref_squeeze %dma_wait3A_150 : memref<1x128x128xf32, #tpu.memory_space<vmem>> -> memref<128x128xf32, #tpu.memory_space<vmem>>
        %dma_wait3A_152 = arith.constant 0 : i32
        %dma_wait3A_153 = tpu.memref_slice %arg7[%while3A_108, %dma_wait3A_152] : memref<40x128xi32, #tpu.memory_space<vmem>> -> memref<1x128xi32, #tpu.memory_space<vmem>>
        %dma_wait3A_154 = tpu.memref_squeeze %dma_wait3A_153 : memref<1x128xi32, #tpu.memory_space<vmem>> -> memref<128xi32, #tpu.memory_space<vmem>>
        %dma_wait3A_155 = arith.constant 0 : i32
        %dma_wait3A_156 = arith.constant 0 : i32
        %dma_wait3A_157 = tpu.memref_slice %arg9[%dma_wait3A_155, %dma_wait3A_156] : memref<10240x128xf32, #tpu.memory_space<vmem_shared>> -> memref<10240x128xf32, #tpu.memory_space<vmem_shared>>
        %dma_wait3A_158 = tpu.memref_slice %arg11[%select_n3A_124] : memref<2x!tpu.dma_semaphore, #tpu.memory_space<semaphore_mem>> -> memref<1x!tpu.dma_semaphore, #tpu.memory_space<semaphore_mem>>
        %dma_wait3A_159 = tpu.memref_squeeze %dma_wait3A_158 : memref<1x!tpu.dma_semaphore, #tpu.memory_space<semaphore_mem>> -> memref<!tpu.dma_semaphore, #tpu.memory_space<semaphore_mem>>
        tpu.wait_indirect_dma semaphore(%dma_wait3A_159 : memref<!tpu.dma_semaphore, #tpu.memory_space<semaphore_mem>>) src(%dma_wait3A_151 : memref<128x128xf32, #tpu.memory_space<vmem>>) dst(%dma_wait3A_157 : memref<10240x128xf32, #tpu.memory_space<vmem_shared>>)
      }
      %while3A_107 = arith.constant 1 : i32
      scf.for %while3A_108 = %while3A_105 to %while3A_101 step %while3A_107  : i32 {
        %jit3A_109 = arith.constant 2 : i32
        %eq3A_110 = arith.constant 0 : i32
        %eq3A_111 = arith.cmpi eq, %jit3A_109, %eq3A_110 : i32
        %jit3A_112 = arith.constant 1 : i32
        %select_n3A_113 = arith.select %eq3A_111, %jit3A_112, %jit3A_109 : i32
        %rem3A_114 = arith.remsi %while3A_108, %select_n3A_113 : i32
        %ne3A_115 = arith.constant 0 : i32
        %ne3A_116 = arith.cmpi ne, %rem3A_114, %ne3A_115 : i32
        %lt3A_117 = arith.constant 0 : i32
        %lt3A_118 = arith.cmpi slt, %rem3A_114, %lt3A_117 : i32
        %lt3A_119 = arith.constant 0 : i32
        %lt3A_120 = arith.cmpi slt, %select_n3A_113, %lt3A_119 : i32
        %ne3A_121 = arith.xori %lt3A_118, %lt3A_120 : i1
        %and3A_122 = arith.andi %ne3A_121, %ne3A_116 : i1
        %add3A_123 = arith.addi %rem3A_114, %select_n3A_113 : i32
        %select_n3A_124 = arith.select %and3A_122, %add3A_123, %rem3A_114 : i32
        %dma_wait3A = arith.constant 0 : i32
        %dma_wait3A_125 = arith.constant 0 : i32
        %dma_wait3A_126 = tpu.memref_slice %arg8[%select_n3A_124, %dma_wait3A, %dma_wait3A_125] : memref<2x128x128xf32, #tpu.memory_space<vmem>> -> memref<1x128x128xf32, #tpu.memory_space<vmem>>
        %dma_wait3A_127 = tpu.memref_squeeze %dma_wait3A_126 : memref<1x128x128xf32, #tpu.memory_space<vmem>> -> memref<128x128xf32, #tpu.memory_space<vmem>>
        %dma_wait3A_128 = arith.constant 0 : i32
        %dma_wait3A_129 = tpu.memref_slice %arg6[%while3A_108, %dma_wait3A_128] : memref<40x128xi32, #tpu.memory_space<vmem>> -> memref<1x128xi32, #tpu.memory_space<vmem>>
        %dma_wait3A_130 = tpu.memref_squeeze %dma_wait3A_129 : memref<1x128xi32, #tpu.memory_space<vmem>> -> memref<128xi32, #tpu.memory_space<vmem>>
        %dma_wait3A_131 = arith.constant 0 : i32
        %dma_wait3A_132 = arith.constant 0 : i32
        %dma_wait3A_133 = tpu.memref_slice %arg2[%dma_wait3A_131, %dma_wait3A_132] : memref<10240x128xf32, #tpu.memory_space<hbm>> -> memref<10240x128xf32, #tpu.memory_space<hbm>>
        %dma_wait3A_134 = tpu.memref_slice %arg10[%select_n3A_124] : memref<2x!tpu.dma_semaphore, #tpu.memory_space<semaphore_mem>> -> memref<1x!tpu.dma_semaphore, #tpu.memory_space<semaphore_mem>>
        %dma_wait3A_135 = tpu.memref_squeeze %dma_wait3A_134 : memref<1x!tpu.dma_semaphore, #tpu.memory_space<semaphore_mem>> -> memref<!tpu.dma_semaphore, #tpu.memory_space<semaphore_mem>>
        tpu.wait_indirect_dma semaphore(%dma_wait3A_135 : memref<!tpu.dma_semaphore, #tpu.memory_space<semaphore_mem>>) src(%dma_wait3A_133 : memref<10240x128xf32, #tpu.memory_space<hbm>>) dst(%dma_wait3A_127 : memref<128x128xf32, #tpu.memory_space<vmem>>)
        %dma_start3A_136 = arith.constant 0 : i32
        %dma_start3A_137 = arith.constant 0 : i32
        %dma_start3A_138 = tpu.memref_slice %arg8[%select_n3A_124, %dma_start3A_136, %dma_start3A_137] : memref<2x128x128xf32, #tpu.memory_space<vmem>> -> memref<1x128x128xf32, #tpu.memory_space<vmem>>
        %dma_start3A_139 = tpu.memref_squeeze %dma_start3A_138 : memref<1x128x128xf32, #tpu.memory_space<vmem>> -> memref<128x128xf32, #tpu.memory_space<vmem>>
        %dma_start3A_140 = arith.constant 0 : i32
        %dma_start3A_141 = tpu.memref_slice %arg7[%while3A_108, %dma_start3A_140] : memref<40x128xi32, #tpu.memory_space<vmem>> -> memref<1x128xi32, #tpu.memory_space<vmem>>
        %dma_start3A_142 = tpu.memref_squeeze %dma_start3A_141 : memref<1x128xi32, #tpu.memory_space<vmem>> -> memref<128xi32, #tpu.memory_space<vmem>>
        %dma_start3A_143 = arith.constant 0 : i32
        %dma_start3A_144 = arith.constant 0 : i32
        %dma_start3A_145 = tpu.memref_slice %arg9[%dma_start3A_143, %dma_start3A_144] : memref<10240x128xf32, #tpu.memory_space<vmem_shared>> -> memref<10240x128xf32, #tpu.memory_space<vmem_shared>>
        %dma_start3A_146 = tpu.memref_slice %arg11[%select_n3A_124] : memref<2x!tpu.dma_semaphore, #tpu.memory_space<semaphore_mem>> -> memref<1x!tpu.dma_semaphore, #tpu.memory_space<semaphore_mem>>
        %dma_start3A_147 = tpu.memref_squeeze %dma_start3A_146 : memref<1x!tpu.dma_semaphore, #tpu.memory_space<semaphore_mem>> -> memref<!tpu.dma_semaphore, #tpu.memory_space<semaphore_mem>>
        tpu.enqueue_indirect_dma source(%dma_start3A_139 : memref<128x128xf32, #tpu.memory_space<vmem>>) target(%dma_start3A_145 : memref<10240x128xf32, #tpu.memory_space<vmem_shared>>) offsets(%dma_start3A_142 : memref<128xi32, #tpu.memory_space<vmem>>) semaphore(%dma_start3A_147 : memref<!tpu.dma_semaphore, #tpu.memory_space<semaphore_mem>>) {add = true}
        %dma_wait3A_148 = arith.constant 0 : i32
        %dma_wait3A_149 = arith.constant 0 : i32
        %dma_wait3A_150 = tpu.memref_slice %arg8[%select_n3A_124, %dma_wait3A_148, %dma_wait3A_149] : memref<2x128x128xf32, #tpu.memory_space<vmem>> -> memref<1x128x128xf32, #tpu.memory_space<vmem>>
        %dma_wait3A_151 = tpu.memref_squeeze %dma_wait3A_150 : memref<1x128x128xf32, #tpu.memory_space<vmem>> -> memref<128x128xf32, #tpu.memory_space<vmem>>
        %dma_wait3A_152 = arith.constant 0 : i32
        %dma_wait3A_153 = tpu.memref_slice %arg7[%while3A_108, %dma_wait3A_152] : memref<40x128xi32, #tpu.memory_space<vmem>> -> memref<1x128xi32, #tpu.memory_space<vmem>>
        %dma_wait3A_154 = tpu.memref_squeeze %dma_wait3A_153 : memref<1x128xi32, #tpu.memory_space<vmem>> -> memref<128xi32, #tpu.memory_space<vmem>>
        %dma_wait3A_155 = arith.constant 0 : i32
        %dma_wait3A_156 = arith.constant 0 : i32
        %dma_wait3A_157 = tpu.memref_slice %arg9[%dma_wait3A_155, %dma_wait3A_156] : memref<10240x128xf32, #tpu.memory_space<vmem_shared>> -> memref<10240x128xf32, #tpu.memory_space<vmem_shared>>
        %dma_wait3A_158 = tpu.memref_slice %arg11[%select_n3A_124] : memref<2x!tpu.dma_semaphore, #tpu.memory_space<semaphore_mem>> -> memref<1x!tpu.dma_semaphore, #tpu.memory_space<semaphore_mem>>
        %dma_wait3A_159 = tpu.memref_squeeze %dma_wait3A_158 : memref<1x!tpu.dma_semaphore, #tpu.memory_space<semaphore_mem>> -> memref<!tpu.dma_semaphore, #tpu.memory_space<semaphore_mem>>
        tpu.wait_indirect_dma semaphore(%dma_wait3A_159 : memref<!tpu.dma_semaphore, #tpu.memory_space<semaphore_mem>>) src(%dma_wait3A_151 : memref<128x128xf32, #tpu.memory_space<vmem>>) dst(%dma_wait3A_157 : memref<10240x128xf32, #tpu.memory_space<vmem_shared>>)
      }
    } else {
    }
    %barrier3A_51 = arith.constant 0 : index
    tpu.barrier barrier_id(%barrier3A_51)
    %mul3A_52 = arith.constant 640 : i32
    %mul3A_53 = arith.muli %arg1, %mul3A_52 : i32
    %mul3A_54 = arith.constant 640 : i32
    %mul3A_55 = arith.muli %arg1, %mul3A_54 : i32
    "tpu.region"() ({
      %run_scoped3A = tpu.sem_alloc : memref<!tpu.dma_semaphore, #tpu.memory_space<semaphore_mem>>
      %dma_start3A = arith.constant 0 : i32
      %dma_start3A_56 = tpu.memref_slice %arg5[%arg0, %mul3A_55, %dma_start3A] : memref<2x10240x128xf32, #tpu.memory_space<hbm>> -> memref<1x640x128xf32, #tpu.memory_space<hbm>>
      %dma_start3A_57 = tpu.memref_squeeze %dma_start3A_56 : memref<1x640x128xf32, #tpu.memory_space<hbm>> -> memref<640x128xf32, #tpu.memory_space<hbm>>
      %dma_start3A_58 = arith.constant 0 : i32
      %dma_start3A_59 = tpu.memref_slice %arg9[%mul3A_53, %dma_start3A_58] : memref<10240x128xf32, #tpu.memory_space<vmem_shared>> -> memref<640x128xf32, #tpu.memory_space<vmem_shared>>
      tpu.enqueue_dma source(%dma_start3A_59 : memref<640x128xf32, #tpu.memory_space<vmem_shared>>) target(%dma_start3A_57 : memref<640x128xf32, #tpu.memory_space<hbm>>) target_semaphore(%run_scoped3A : memref<!tpu.dma_semaphore, #tpu.memory_space<semaphore_mem>>)
      %dma_wait3A = arith.constant 0 : i32
      %dma_wait3A_60 = tpu.memref_slice %arg5[%arg0, %mul3A_55, %dma_wait3A] : memref<2x10240x128xf32, #tpu.memory_space<hbm>> -> memref<1x640x128xf32, #tpu.memory_space<hbm>>
      %dma_wait3A_61 = tpu.memref_squeeze %dma_wait3A_60 : memref<1x640x128xf32, #tpu.memory_space<hbm>> -> memref<640x128xf32, #tpu.memory_space<hbm>>
      %dma_wait3A_62 = arith.constant 0 : i32
      %dma_wait3A_63 = tpu.memref_slice %arg9[%mul3A_53, %dma_wait3A_62] : memref<10240x128xf32, #tpu.memory_space<vmem_shared>> -> memref<640x128xf32, #tpu.memory_space<vmem_shared>>
      tpu.wait_dma2 semaphore(%run_scoped3A : memref<!tpu.dma_semaphore, #tpu.memory_space<semaphore_mem>>) src(%dma_wait3A_63 : memref<640x128xf32, #tpu.memory_space<vmem_shared>>) dst(%dma_wait3A_61 : memref<640x128xf32, #tpu.memory_space<hbm>>)
      tpu.yield
    }) : () -> ()
    return
  }
}

#map = affine_map<(d0, d1) -> (0, 0, 0)>
#map1 = affine_map<(d0, d1) -> (0)>
#map2 = affine_map<(d0, d1) -> (0, 0)>
module attributes {stable_mosaic.version = 14 : i64} {
  func.func @deg_kernel(%arg0: i32, %arg1: i32, %arg2: memref<2x2544x128xi32, #tpu.memory_space<hbm>>, %arg3: memref<10240xf32, #tpu.memory_space<hbm>>, %arg4: memref<32x10240xf32, #tpu.memory_space<hbm>>, %arg5: memref<80x128xi32, #tpu.memory_space<vmem>>, %arg6: memref<10240xf32, #tpu.memory_space<vmem>>) attributes {dimension_semantics = [#tpu.dimension_semantics<core_parallel>, #tpu.dimension_semantics<subcore_parallel>], iteration_bounds = array<i64: 2, 16>, scalar_prefetch = 0 : i64, scratch_operands = 2 : i64, tpu.core_type = #tpu.core_type<sc_vector_subcore>, window_params = [{transform_indices = #map}, {transform_indices = #map1}, {transform_indices = #map2}]} {
    %mul3A = arith.constant 2 : i32
    %mul3A_0 = arith.muli %arg1, %mul3A : i32
    %add3A = arith.addi %mul3A_0, %arg0 : i32
    %mul3A_1 = arith.constant 9 : i32
    %mul3A_2 = arith.muli %mul3A_1, %add3A : i32
    %min3A = arith.constant 25 : i32
    %min3A_3 = arith.minsi %add3A, %min3A : i32
    %add3A_4 = arith.addi %mul3A_2, %min3A_3 : i32
    %mul3A_5 = arith.constant 8 : i32
    %mul3A_6 = arith.muli %mul3A_5, %add3A_4 : i32
    %multiple_of3A = tpu.assume_multiple %mul3A_6, 8 : i32
    %lt3A = arith.constant 25 : i32
    %lt3A_7 = arith.cmpi slt, %add3A, %lt3A : i32
    %jit3A = arith.constant 8 : i32
    %jit3A_8 = arith.constant 0 : i32
    %select_n3A = arith.select %lt3A_7, %jit3A, %jit3A_8 : i32
    %add3A_9 = arith.constant 72 : i32
    %add3A_10 = arith.addi %add3A_9, %select_n3A : i32
    %lt3A_11 = arith.constant 25 : i32
    %lt3A_12 = arith.cmpi slt, %add3A, %lt3A_11 : i32
    %convert_element_type3A = arith.extui %lt3A_12 : i1 to i32
    %cond3A = arith.constant 0 : i32
    %cond3A_13 = arith.cmpi ne, %convert_element_type3A, %cond3A : i32
    scf.if %cond3A_13 {
      %run_scoped3A = arith.constant 1 : i32
      "tpu.region"() ({
        %run_scoped3A_28 = tpu.sem_alloc : memref<!tpu.dma_semaphore, #tpu.memory_space<semaphore_mem>>
        %dma_start3A = arith.constant 0 : i32
        %dma_start3A_29 = arith.constant 0 : i32
        %dma_start3A_30 = tpu.memref_slice %arg5[%dma_start3A, %dma_start3A_29] : memref<80x128xi32, #tpu.memory_space<vmem>> -> memref<80x128xi32, #tpu.memory_space<vmem>>
        %dma_start3A_31 = arith.constant 0 : i32
        %dma_start3A_32 = tpu.memref_slice %arg2[%run_scoped3A, %multiple_of3A, %dma_start3A_31] : memref<2x2544x128xi32, #tpu.memory_space<hbm>> -> memref<1x80x128xi32, #tpu.memory_space<hbm>>
        %dma_start3A_33 = tpu.memref_squeeze %dma_start3A_32 : memref<1x80x128xi32, #tpu.memory_space<hbm>> -> memref<80x128xi32, #tpu.memory_space<hbm>>
        %dma_start3A_34 = arith.constant 0 : i32
        %dma_start3A_35 = arith.constant 0 : i32
        %dma_start3A_36 = tpu.memref_slice %arg5[%dma_start3A_34, %dma_start3A_35] : memref<80x128xi32, #tpu.memory_space<vmem>> -> memref<80x128xi32, #tpu.memory_space<vmem>>
        %dma_start3A_37 = arith.constant 0 : i32
        %dma_start3A_38 = tpu.memref_slice %arg2[%run_scoped3A, %multiple_of3A, %dma_start3A_37] : memref<2x2544x128xi32, #tpu.memory_space<hbm>> -> memref<1x80x128xi32, #tpu.memory_space<hbm>>
        %dma_start3A_39 = tpu.memref_squeeze %dma_start3A_38 : memref<1x80x128xi32, #tpu.memory_space<hbm>> -> memref<80x128xi32, #tpu.memory_space<hbm>>
        tpu.enqueue_dma source(%dma_start3A_39 : memref<80x128xi32, #tpu.memory_space<hbm>>) target(%dma_start3A_36 : memref<80x128xi32, #tpu.memory_space<vmem>>) target_semaphore(%run_scoped3A_28 : memref<!tpu.dma_semaphore, #tpu.memory_space<semaphore_mem>>)
        %dma_wait3A = arith.constant 0 : i32
        %dma_wait3A_40 = arith.constant 0 : i32
        %dma_wait3A_41 = tpu.memref_slice %arg5[%dma_wait3A, %dma_wait3A_40] : memref<80x128xi32, #tpu.memory_space<vmem>> -> memref<80x128xi32, #tpu.memory_space<vmem>>
        %dma_wait3A_42 = arith.constant 0 : i32
        %dma_wait3A_43 = tpu.memref_slice %arg2[%run_scoped3A, %multiple_of3A, %dma_wait3A_42] : memref<2x2544x128xi32, #tpu.memory_space<hbm>> -> memref<1x80x128xi32, #tpu.memory_space<hbm>>
        %dma_wait3A_44 = tpu.memref_squeeze %dma_wait3A_43 : memref<1x80x128xi32, #tpu.memory_space<hbm>> -> memref<80x128xi32, #tpu.memory_space<hbm>>
        %dma_wait3A_45 = arith.constant 0 : i32
        %dma_wait3A_46 = arith.constant 0 : i32
        %dma_wait3A_47 = tpu.memref_slice %arg5[%dma_wait3A_45, %dma_wait3A_46] : memref<80x128xi32, #tpu.memory_space<vmem>> -> memref<80x128xi32, #tpu.memory_space<vmem>>
        %dma_wait3A_48 = arith.constant 0 : i32
        %dma_wait3A_49 = tpu.memref_slice %arg2[%run_scoped3A, %multiple_of3A, %dma_wait3A_48] : memref<2x2544x128xi32, #tpu.memory_space<hbm>> -> memref<1x80x128xi32, #tpu.memory_space<hbm>>
        %dma_wait3A_50 = tpu.memref_squeeze %dma_wait3A_49 : memref<1x80x128xi32, #tpu.memory_space<hbm>> -> memref<80x128xi32, #tpu.memory_space<hbm>>
        tpu.wait_dma2 semaphore(%run_scoped3A_28 : memref<!tpu.dma_semaphore, #tpu.memory_space<semaphore_mem>>) src(%dma_wait3A_50 : memref<80x128xi32, #tpu.memory_space<hbm>>) dst(%dma_wait3A_47 : memref<80x128xi32, #tpu.memory_space<vmem>>)
        tpu.yield
      }) : () -> ()
    } else {
    }
    %ge3A = arith.constant 25 : i32
    %ge3A_14 = arith.cmpi sge, %add3A, %ge3A : i32
    %convert_element_type3A_15 = arith.extui %ge3A_14 : i1 to i32
    %cond3A_16 = arith.constant 0 : i32
    %cond3A_17 = arith.cmpi ne, %convert_element_type3A_15, %cond3A_16 : i32
    scf.if %cond3A_17 {
      %run_scoped3A = arith.constant 1 : i32
      "tpu.region"() ({
        %run_scoped3A_28 = tpu.sem_alloc : memref<!tpu.dma_semaphore, #tpu.memory_space<semaphore_mem>>
        %dma_start3A = arith.constant 0 : i32
        %dma_start3A_29 = arith.constant 0 : i32
        %dma_start3A_30 = tpu.memref_slice %arg5[%dma_start3A, %dma_start3A_29] : memref<80x128xi32, #tpu.memory_space<vmem>> -> memref<72x128xi32, #tpu.memory_space<vmem>>
        %dma_start3A_31 = arith.constant 0 : i32
        %dma_start3A_32 = tpu.memref_slice %arg2[%run_scoped3A, %multiple_of3A, %dma_start3A_31] : memref<2x2544x128xi32, #tpu.memory_space<hbm>> -> memref<1x72x128xi32, #tpu.memory_space<hbm>>
        %dma_start3A_33 = tpu.memref_squeeze %dma_start3A_32 : memref<1x72x128xi32, #tpu.memory_space<hbm>> -> memref<72x128xi32, #tpu.memory_space<hbm>>
        %dma_start3A_34 = arith.constant 0 : i32
        %dma_start3A_35 = arith.constant 0 : i32
        %dma_start3A_36 = tpu.memref_slice %arg5[%dma_start3A_34, %dma_start3A_35] : memref<80x128xi32, #tpu.memory_space<vmem>> -> memref<72x128xi32, #tpu.memory_space<vmem>>
        %dma_start3A_37 = arith.constant 0 : i32
        %dma_start3A_38 = tpu.memref_slice %arg2[%run_scoped3A, %multiple_of3A, %dma_start3A_37] : memref<2x2544x128xi32, #tpu.memory_space<hbm>> -> memref<1x72x128xi32, #tpu.memory_space<hbm>>
        %dma_start3A_39 = tpu.memref_squeeze %dma_start3A_38 : memref<1x72x128xi32, #tpu.memory_space<hbm>> -> memref<72x128xi32, #tpu.memory_space<hbm>>
        tpu.enqueue_dma source(%dma_start3A_39 : memref<72x128xi32, #tpu.memory_space<hbm>>) target(%dma_start3A_36 : memref<72x128xi32, #tpu.memory_space<vmem>>) target_semaphore(%run_scoped3A_28 : memref<!tpu.dma_semaphore, #tpu.memory_space<semaphore_mem>>)
        %dma_wait3A = arith.constant 0 : i32
        %dma_wait3A_40 = arith.constant 0 : i32
        %dma_wait3A_41 = tpu.memref_slice %arg5[%dma_wait3A, %dma_wait3A_40] : memref<80x128xi32, #tpu.memory_space<vmem>> -> memref<72x128xi32, #tpu.memory_space<vmem>>
        %dma_wait3A_42 = arith.constant 0 : i32
        %dma_wait3A_43 = tpu.memref_slice %arg2[%run_scoped3A, %multiple_of3A, %dma_wait3A_42] : memref<2x2544x128xi32, #tpu.memory_space<hbm>> -> memref<1x72x128xi32, #tpu.memory_space<hbm>>
        %dma_wait3A_44 = tpu.memref_squeeze %dma_wait3A_43 : memref<1x72x128xi32, #tpu.memory_space<hbm>> -> memref<72x128xi32, #tpu.memory_space<hbm>>
        %dma_wait3A_45 = arith.constant 0 : i32
        %dma_wait3A_46 = arith.constant 0 : i32
        %dma_wait3A_47 = tpu.memref_slice %arg5[%dma_wait3A_45, %dma_wait3A_46] : memref<80x128xi32, #tpu.memory_space<vmem>> -> memref<72x128xi32, #tpu.memory_space<vmem>>
        %dma_wait3A_48 = arith.constant 0 : i32
        %dma_wait3A_49 = tpu.memref_slice %arg2[%run_scoped3A, %multiple_of3A, %dma_wait3A_48] : memref<2x2544x128xi32, #tpu.memory_space<hbm>> -> memref<1x72x128xi32, #tpu.memory_space<hbm>>
        %dma_wait3A_50 = tpu.memref_squeeze %dma_wait3A_49 : memref<1x72x128xi32, #tpu.memory_space<hbm>> -> memref<72x128xi32, #tpu.memory_space<hbm>>
        tpu.wait_dma2 semaphore(%run_scoped3A_28 : memref<!tpu.dma_semaphore, #tpu.memory_space<semaphore_mem>>) src(%dma_wait3A_50 : memref<72x128xi32, #tpu.memory_space<hbm>>) dst(%dma_wait3A_47 : memref<72x128xi32, #tpu.memory_space<vmem>>)
        tpu.yield
      }) : () -> ()
    } else {
    }
    "tpu.region"() ({
      %run_scoped3A = tpu.sem_alloc : memref<!tpu.dma_semaphore, #tpu.memory_space<semaphore_mem>>
      tpu.enqueue_dma source(%arg3 : memref<10240xf32, #tpu.memory_space<hbm>>) target(%arg6 : memref<10240xf32, #tpu.memory_space<vmem>>) target_semaphore(%run_scoped3A : memref<!tpu.dma_semaphore, #tpu.memory_space<semaphore_mem>>)
      tpu.wait_dma2 semaphore(%run_scoped3A : memref<!tpu.dma_semaphore, #tpu.memory_space<semaphore_mem>>) src(%arg3 : memref<10240xf32, #tpu.memory_space<hbm>>) dst(%arg6 : memref<10240xf32, #tpu.memory_space<vmem>>)
      tpu.yield
    }) : () -> ()
    %broadcast_in_dim3A = arith.constant 1.000000e+00 : f32
    %broadcast_in_dim3A_18 = vector.broadcast %broadcast_in_dim3A : f32 to vector<16xf32>
    %while3A = arith.constant 0 : i32
    %while3A_19 = arith.constant 0 : i32
    %while3A_20 = arith.subi %add3A_10, %while3A_19 : i32
    %while3A_21 = arith.addi %while3A_19, %while3A_20 : i32
    %while3A_22 = arith.constant 1 : i32
    %while3A_23 = arith.divsi %while3A_20, %while3A_22 : i32
    %while3A_24 = arith.muli %while3A_23, %while3A_22 : i32
    %while3A_25 = arith.addi %while3A_19, %while3A_24 : i32
    %while3A_26 = arith.constant 1 : i32
    scf.for %while3A_28 = %while3A_19 to %while3A_25 step %while3A_26  : i32 {
      %get3A = arith.index_cast %while3A_28 : i32 to index
      %get3A_29 = arith.constant 0 : index
      %get3A_30 = tpu.vector_load %arg5[%get3A, %get3A_29] {strides = array<i32>} : memref<80x128xi32, #tpu.memory_space<vmem>>, vector<16xi32>,
      tpu.vector_store_idx %arg6[%get3A_30], %broadcast_in_dim3A_18 {add = true} : memref<10240xf32, #tpu.memory_space<vmem>>[vector<16xi32>], vector<16xf32>,
      %get3A_31 = arith.index_cast %while3A_28 : i32 to index
      %get3A_32 = arith.constant 16 : index
      %get3A_33 = tpu.vector_load %arg5[%get3A_31, %get3A_32] {strides = array<i32>} : memref<80x128xi32, #tpu.memory_space<vmem>>, vector<16xi32>,
      tpu.vector_store_idx %arg6[%get3A_33], %broadcast_in_dim3A_18 {add = true} : memref<10240xf32, #tpu.memory_space<vmem>>[vector<16xi32>], vector<16xf32>,
      %get3A_34 = arith.index_cast %while3A_28 : i32 to index
      %get3A_35 = arith.constant 32 : index
      %get3A_36 = tpu.vector_load %arg5[%get3A_34, %get3A_35] {strides = array<i32>} : memref<80x128xi32, #tpu.memory_space<vmem>>, vector<16xi32>,
      tpu.vector_store_idx %arg6[%get3A_36], %broadcast_in_dim3A_18 {add = true} : memref<10240xf32, #tpu.memory_space<vmem>>[vector<16xi32>], vector<16xf32>,
      %get3A_37 = arith.index_cast %while3A_28 : i32 to index
      %get3A_38 = arith.constant 48 : index
      %get3A_39 = tpu.vector_load %arg5[%get3A_37, %get3A_38] {strides = array<i32>} : memref<80x128xi32, #tpu.memory_space<vmem>>, vector<16xi32>,
      tpu.vector_store_idx %arg6[%get3A_39], %broadcast_in_dim3A_18 {add = true} : memref<10240xf32, #tpu.memory_space<vmem>>[vector<16xi32>], vector<16xf32>,
      %get3A_40 = arith.index_cast %while3A_28 : i32 to index
      %get3A_41 = arith.constant 64 : index
      %get3A_42 = tpu.vector_load %arg5[%get3A_40, %get3A_41] {strides = array<i32>} : memref<80x128xi32, #tpu.memory_space<vmem>>, vector<16xi32>,
      tpu.vector_store_idx %arg6[%get3A_42], %broadcast_in_dim3A_18 {add = true} : memref<10240xf32, #tpu.memory_space<vmem>>[vector<16xi32>], vector<16xf32>,
      %get3A_43 = arith.index_cast %while3A_28 : i32 to index
      %get3A_44 = arith.constant 80 : index
      %get3A_45 = tpu.vector_load %arg5[%get3A_43, %get3A_44] {strides = array<i32>} : memref<80x128xi32, #tpu.memory_space<vmem>>, vector<16xi32>,
      tpu.vector_store_idx %arg6[%get3A_45], %broadcast_in_dim3A_18 {add = true} : memref<10240xf32, #tpu.memory_space<vmem>>[vector<16xi32>], vector<16xf32>,
      %get3A_46 = arith.index_cast %while3A_28 : i32 to index
      %get3A_47 = arith.constant 96 : index
      %get3A_48 = tpu.vector_load %arg5[%get3A_46, %get3A_47] {strides = array<i32>} : memref<80x128xi32, #tpu.memory_space<vmem>>, vector<16xi32>,
      tpu.vector_store_idx %arg6[%get3A_48], %broadcast_in_dim3A_18 {add = true} : memref<10240xf32, #tpu.memory_space<vmem>>[vector<16xi32>], vector<16xf32>,
      %get3A_49 = arith.index_cast %while3A_28 : i32 to index
      %get3A_50 = arith.constant 112 : index
      %get3A_51 = tpu.vector_load %arg5[%get3A_49, %get3A_50] {strides = array<i32>} : memref<80x128xi32, #tpu.memory_space<vmem>>, vector<16xi32>,
      tpu.vector_store_idx %arg6[%get3A_51], %broadcast_in_dim3A_18 {add = true} : memref<10240xf32, #tpu.memory_space<vmem>>[vector<16xi32>], vector<16xf32>,
    }
    %while3A_27 = arith.constant 1 : i32
    scf.for %while3A_28 = %while3A_25 to %while3A_21 step %while3A_27  : i32 {
      %get3A = arith.index_cast %while3A_28 : i32 to index
      %get3A_29 = arith.constant 0 : index
      %get3A_30 = tpu.vector_load %arg5[%get3A, %get3A_29] {strides = array<i32>} : memref<80x128xi32, #tpu.memory_space<vmem>>, vector<16xi32>,
      tpu.vector_store_idx %arg6[%get3A_30], %broadcast_in_dim3A_18 {add = true} : memref<10240xf32, #tpu.memory_space<vmem>>[vector<16xi32>], vector<16xf32>,
      %get3A_31 = arith.index_cast %while3A_28 : i32 to index
      %get3A_32 = arith.constant 16 : index
      %get3A_33 = tpu.vector_load %arg5[%get3A_31, %get3A_32] {strides = array<i32>} : memref<80x128xi32, #tpu.memory_space<vmem>>, vector<16xi32>,
      tpu.vector_store_idx %arg6[%get3A_33], %broadcast_in_dim3A_18 {add = true} : memref<10240xf32, #tpu.memory_space<vmem>>[vector<16xi32>], vector<16xf32>,
      %get3A_34 = arith.index_cast %while3A_28 : i32 to index
      %get3A_35 = arith.constant 32 : index
      %get3A_36 = tpu.vector_load %arg5[%get3A_34, %get3A_35] {strides = array<i32>} : memref<80x128xi32, #tpu.memory_space<vmem>>, vector<16xi32>,
      tpu.vector_store_idx %arg6[%get3A_36], %broadcast_in_dim3A_18 {add = true} : memref<10240xf32, #tpu.memory_space<vmem>>[vector<16xi32>], vector<16xf32>,
      %get3A_37 = arith.index_cast %while3A_28 : i32 to index
      %get3A_38 = arith.constant 48 : index
      %get3A_39 = tpu.vector_load %arg5[%get3A_37, %get3A_38] {strides = array<i32>} : memref<80x128xi32, #tpu.memory_space<vmem>>, vector<16xi32>,
      tpu.vector_store_idx %arg6[%get3A_39], %broadcast_in_dim3A_18 {add = true} : memref<10240xf32, #tpu.memory_space<vmem>>[vector<16xi32>], vector<16xf32>,
      %get3A_40 = arith.index_cast %while3A_28 : i32 to index
      %get3A_41 = arith.constant 64 : index
      %get3A_42 = tpu.vector_load %arg5[%get3A_40, %get3A_41] {strides = array<i32>} : memref<80x128xi32, #tpu.memory_space<vmem>>, vector<16xi32>,
      tpu.vector_store_idx %arg6[%get3A_42], %broadcast_in_dim3A_18 {add = true} : memref<10240xf32, #tpu.memory_space<vmem>>[vector<16xi32>], vector<16xf32>,
      %get3A_43 = arith.index_cast %while3A_28 : i32 to index
      %get3A_44 = arith.constant 80 : index
      %get3A_45 = tpu.vector_load %arg5[%get3A_43, %get3A_44] {strides = array<i32>} : memref<80x128xi32, #tpu.memory_space<vmem>>, vector<16xi32>,
      tpu.vector_store_idx %arg6[%get3A_45], %broadcast_in_dim3A_18 {add = true} : memref<10240xf32, #tpu.memory_space<vmem>>[vector<16xi32>], vector<16xf32>,
      %get3A_46 = arith.index_cast %while3A_28 : i32 to index
      %get3A_47 = arith.constant 96 : index
      %get3A_48 = tpu.vector_load %arg5[%get3A_46, %get3A_47] {strides = array<i32>} : memref<80x128xi32, #tpu.memory_space<vmem>>, vector<16xi32>,
      tpu.vector_store_idx %arg6[%get3A_48], %broadcast_in_dim3A_18 {add = true} : memref<10240xf32, #tpu.memory_space<vmem>>[vector<16xi32>], vector<16xf32>,
      %get3A_49 = arith.index_cast %while3A_28 : i32 to index
      %get3A_50 = arith.constant 112 : index
      %get3A_51 = tpu.vector_load %arg5[%get3A_49, %get3A_50] {strides = array<i32>} : memref<80x128xi32, #tpu.memory_space<vmem>>, vector<16xi32>,
      tpu.vector_store_idx %arg6[%get3A_51], %broadcast_in_dim3A_18 {add = true} : memref<10240xf32, #tpu.memory_space<vmem>>[vector<16xi32>], vector<16xf32>,
    }
    "tpu.region"() ({
      %run_scoped3A = tpu.sem_alloc : memref<!tpu.dma_semaphore, #tpu.memory_space<semaphore_mem>>
      %dma_start3A = arith.constant 0 : i32
      %dma_start3A_28 = tpu.memref_slice %arg4[%add3A, %dma_start3A] : memref<32x10240xf32, #tpu.memory_space<hbm>> -> memref<1x10240xf32, #tpu.memory_space<hbm>>
      %dma_start3A_29 = tpu.memref_squeeze %dma_start3A_28 : memref<1x10240xf32, #tpu.memory_space<hbm>> -> memref<10240xf32, #tpu.memory_space<hbm>>
      %dma_start3A_30 = arith.constant 0 : i32
      %dma_start3A_31 = tpu.memref_slice %arg4[%add3A, %dma_start3A_30] : memref<32x10240xf32, #tpu.memory_space<hbm>> -> memref<1x10240xf32, #tpu.memory_space<hbm>>
      %dma_start3A_32 = tpu.memref_squeeze %dma_start3A_31 : memref<1x10240xf32, #tpu.memory_space<hbm>> -> memref<10240xf32, #tpu.memory_space<hbm>>
      tpu.enqueue_dma source(%arg6 : memref<10240xf32, #tpu.memory_space<vmem>>) target(%dma_start3A_32 : memref<10240xf32, #tpu.memory_space<hbm>>) target_semaphore(%run_scoped3A : memref<!tpu.dma_semaphore, #tpu.memory_space<semaphore_mem>>)
      %dma_wait3A = arith.constant 0 : i32
      %dma_wait3A_33 = tpu.memref_slice %arg4[%add3A, %dma_wait3A] : memref<32x10240xf32, #tpu.memory_space<hbm>> -> memref<1x10240xf32, #tpu.memory_space<hbm>>
      %dma_wait3A_34 = tpu.memref_squeeze %dma_wait3A_33 : memref<1x10240xf32, #tpu.memory_space<hbm>> -> memref<10240xf32, #tpu.memory_space<hbm>>
      %dma_wait3A_35 = arith.constant 0 : i32
      %dma_wait3A_36 = tpu.memref_slice %arg4[%add3A, %dma_wait3A_35] : memref<32x10240xf32, #tpu.memory_space<hbm>> -> memref<1x10240xf32, #tpu.memory_space<hbm>>
      %dma_wait3A_37 = tpu.memref_squeeze %dma_wait3A_36 : memref<1x10240xf32, #tpu.memory_space<hbm>> -> memref<10240xf32, #tpu.memory_space<hbm>>
      tpu.wait_dma2 semaphore(%run_scoped3A : memref<!tpu.dma_semaphore, #tpu.memory_space<semaphore_mem>>) src(%arg6 : memref<10240xf32, #tpu.memory_space<vmem>>) dst(%dma_wait3A_37 : memref<10240xf32, #tpu.memory_space<hbm>>)
      tpu.yield
    }) : () -> ()
    return
  }
}

#map = affine_map<(d0, d1) -> (0, 0)>
#map1 = affine_map<(d0, d1) -> (0, 0, 0)>
module attributes {stable_mosaic.version = 14 : i64} {
  func.func @agg_kernel(%arg0: i32, %arg1: i32, %arg2: memref<10240x128xf32, #tpu.memory_space<hbm>>, %arg3: memref<2x2544x128xi32, #tpu.memory_space<hbm>>, %arg4: memref<640x128xf32, #tpu.memory_space<hbm>>, %arg5: memref<2x10240x128xf32, #tpu.memory_space<hbm>>, %arg6: memref<40x128xi32, #tpu.memory_space<vmem>>, %arg7: memref<40x128xi32, #tpu.memory_space<vmem>>, %arg8: memref<2x128x128xf32, #tpu.memory_space<vmem>>, %arg9: memref<10240x128xf32, #tpu.memory_space<vmem_shared>>, %arg10: memref<2x!tpu.dma_semaphore, #tpu.memory_space<semaphore_mem>>, %arg11: memref<2x!tpu.dma_semaphore, #tpu.memory_space<semaphore_mem>>) attributes {dimension_semantics = [#tpu.dimension_semantics<core_parallel>, #tpu.dimension_semantics<subcore_parallel>], iteration_bounds = array<i64: 2, 16>, scalar_prefetch = 0 : i64, scratch_operands = 6 : i64, tpu.core_type = #tpu.core_type<sc_vector_subcore>, window_params = [{transform_indices = #map}, {transform_indices = #map1}, {transform_indices = #map}, {transform_indices = #map1}]} {
    %mul3A = arith.constant 9 : i32
    %mul3A_0 = arith.muli %mul3A, %arg1 : i32
    %min3A = arith.constant 9 : i32
    %min3A_1 = arith.minsi %arg1, %min3A : i32
    %add3A = arith.addi %mul3A_0, %min3A_1 : i32
    %mul3A_2 = arith.constant 8 : i32
    %mul3A_3 = arith.muli %mul3A_2, %add3A : i32
    %multiple_of3A = tpu.assume_multiple %mul3A_3, 8 : i32
    %lt3A = arith.constant 9 : i32
    %lt3A_4 = arith.cmpi slt, %arg1, %lt3A : i32
    %jit3A = arith.constant 8 : i32
    %jit3A_5 = arith.constant 0 : i32
    %select_n3A = arith.select %lt3A_4, %jit3A, %jit3A_5 : i32
    %add3A_6 = arith.constant 72 : i32
    %add3A_7 = arith.addi %add3A_6, %select_n3A : i32
    %eq3A = arith.constant 0 : i32
    %eq3A_8 = arith.cmpi eq, %arg0, %eq3A : i32
    %mul3A_9 = arith.constant 80 : i32
    %mul3A_10 = arith.muli %arg1, %mul3A_9 : i32
    %add3A_11 = arith.constant 1280 : i32
    %add3A_12 = arith.addi %add3A_11, %multiple_of3A : i32
    %select_n3A_13 = arith.select %eq3A_8, %mul3A_10, %add3A_12 : i32
    %multiple_of3A_14 = tpu.assume_multiple %select_n3A_13, 8 : i32
    %eq3A_15 = arith.constant 0 : i32
    %eq3A_16 = arith.cmpi eq, %arg0, %eq3A_15 : i32
    %jit3A_17 = arith.constant 80 : i32
    %select_n3A_18 = arith.select %eq3A_16, %jit3A_17, %add3A_7 : i32
    %mul3A_19 = arith.constant 640 : i32
    %mul3A_20 = arith.muli %arg1, %mul3A_19 : i32
    "tpu.region"() ({
      %run_scoped3A = tpu.sem_alloc : memref<!tpu.dma_semaphore, #tpu.memory_space<semaphore_mem>>
      %dma_start3A = arith.constant 0 : i32
      %dma_start3A_56 = tpu.memref_slice %arg9[%mul3A_20, %dma_start3A] : memref<10240x128xf32, #tpu.memory_space<vmem_shared>> -> memref<640x128xf32, #tpu.memory_space<vmem_shared>>
      tpu.enqueue_dma source(%arg4 : memref<640x128xf32, #tpu.memory_space<hbm>>) target(%dma_start3A_56 : memref<640x128xf32, #tpu.memory_space<vmem_shared>>) target_semaphore(%run_scoped3A : memref<!tpu.dma_semaphore, #tpu.memory_space<semaphore_mem>>)
      %dma_wait3A = arith.constant 0 : i32
      %dma_wait3A_57 = tpu.memref_slice %arg9[%mul3A_20, %dma_wait3A] : memref<10240x128xf32, #tpu.memory_space<vmem_shared>> -> memref<640x128xf32, #tpu.memory_space<vmem_shared>>
      tpu.wait_dma2 semaphore(%run_scoped3A : memref<!tpu.dma_semaphore, #tpu.memory_space<semaphore_mem>>) src(%arg4 : memref<640x128xf32, #tpu.memory_space<hbm>>) dst(%dma_wait3A_57 : memref<640x128xf32, #tpu.memory_space<vmem_shared>>)
      tpu.yield
    }) : () -> ()
    %barrier3A = arith.constant 0 : index
    tpu.barrier barrier_id(%barrier3A)
    %jit3A_21 = arith.constant 16 : i32
    %div3A = arith.divsi %select_n3A_18, %jit3A_21 : i32
    %sign3A = arith.constant 0 : i32
    %sign3A_22 = arith.cmpi sgt, %select_n3A_18, %sign3A : i32
    %sign3A_23 = arith.extui %sign3A_22 : i1 to i32
    %sign3A_24 = arith.constant 0 : i32
    %sign3A_25 = arith.cmpi slt, %select_n3A_18, %sign3A_24 : i32
    %sign3A_26 = arith.extui %sign3A_25 : i1 to i32
    %sign3A_27 = arith.subi %sign3A_23, %sign3A_26 : i32
    %sign3A_28 = arith.constant 0 : i32
    %sign3A_29 = arith.cmpi sgt, %jit3A_21, %sign3A_28 : i32
    %sign3A_30 = arith.extui %sign3A_29 : i1 to i32
    %sign3A_31 = arith.constant 0 : i32
    %sign3A_32 = arith.cmpi slt, %jit3A_21, %sign3A_31 : i32
    %sign3A_33 = arith.extui %sign3A_32 : i1 to i32
    %sign3A_34 = arith.subi %sign3A_30, %sign3A_33 : i32
    %ne3A = arith.cmpi ne, %sign3A_27, %sign3A_34 : i32
    %rem3A = arith.remsi %select_n3A_18, %jit3A_21 : i32
    %ne3A_35 = arith.constant 0 : i32
    %ne3A_36 = arith.cmpi ne, %rem3A, %ne3A_35 : i32
    %and3A = arith.andi %ne3A, %ne3A_36 : i1
    %sub3A = arith.constant 1 : i32
    %sub3A_37 = arith.subi %div3A, %sub3A : i32
    %select_n3A_38 = arith.select %and3A, %sub3A_37, %div3A : i32
    %mul3A_39 = arith.constant 8 : i32
    %mul3A_40 = arith.muli %select_n3A_38, %mul3A_39 : i32
    %multiple_of3A_41 = tpu.assume_multiple %mul3A_40, 8 : i32
    %sub3A_42 = arith.subi %select_n3A_18, %multiple_of3A_41 : i32
    %gt3A = arith.constant 0 : i32
    %gt3A_43 = arith.cmpi sgt, %multiple_of3A_41, %gt3A : i32
    %convert_element_type3A = arith.extui %gt3A_43 : i1 to i32
    %cond3A = arith.constant 0 : i32
    %cond3A_44 = arith.cmpi ne, %convert_element_type3A, %cond3A : i32
    scf.if %cond3A_44 {
      %run_scoped3A = arith.constant 0 : i32
      "tpu.region"() ({
        %run_scoped3A_108 = tpu.sem_alloc : memref<!tpu.dma_semaphore, #tpu.memory_space<semaphore_mem>>
        %dma_start3A_109 = arith.constant 0 : i32
        %dma_start3A_110 = arith.constant 0 : i32
        %dma_start3A_111 = tpu.memref_slice %arg6[%dma_start3A_109, %dma_start3A_110] : memref<40x128xi32, #tpu.memory_space<vmem>> -> memref<40x128xi32, #tpu.memory_space<vmem>>
        %dma_start3A_112 = arith.constant 0 : i32
        %dma_start3A_113 = tpu.memref_slice %arg3[%run_scoped3A, %multiple_of3A_14, %dma_start3A_112] : memref<2x2544x128xi32, #tpu.memory_space<hbm>> -> memref<1x40x128xi32, #tpu.memory_space<hbm>>
        %dma_start3A_114 = tpu.memref_squeeze %dma_start3A_113 : memref<1x40x128xi32, #tpu.memory_space<hbm>> -> memref<40x128xi32, #tpu.memory_space<hbm>>
        %dma_start3A_115 = arith.constant 0 : i32
        %dma_start3A_116 = arith.constant 0 : i32
        %dma_start3A_117 = tpu.memref_slice %arg6[%dma_start3A_115, %dma_start3A_116] : memref<40x128xi32, #tpu.memory_space<vmem>> -> memref<40x128xi32, #tpu.memory_space<vmem>>
        %dma_start3A_118 = arith.constant 0 : i32
        %dma_start3A_119 = tpu.memref_slice %arg3[%run_scoped3A, %multiple_of3A_14, %dma_start3A_118] : memref<2x2544x128xi32, #tpu.memory_space<hbm>> -> memref<1x40x128xi32, #tpu.memory_space<hbm>>
        %dma_start3A_120 = tpu.memref_squeeze %dma_start3A_119 : memref<1x40x128xi32, #tpu.memory_space<hbm>> -> memref<40x128xi32, #tpu.memory_space<hbm>>
        tpu.enqueue_dma source(%dma_start3A_120 : memref<40x128xi32, #tpu.memory_space<hbm>>) target(%dma_start3A_117 : memref<40x128xi32, #tpu.memory_space<vmem>>) target_semaphore(%run_scoped3A_108 : memref<!tpu.dma_semaphore, #tpu.memory_space<semaphore_mem>>)
        %dma_wait3A = arith.constant 0 : i32
        %dma_wait3A_121 = arith.constant 0 : i32
        %dma_wait3A_122 = tpu.memref_slice %arg6[%dma_wait3A, %dma_wait3A_121] : memref<40x128xi32, #tpu.memory_space<vmem>> -> memref<40x128xi32, #tpu.memory_space<vmem>>
        %dma_wait3A_123 = arith.constant 0 : i32
        %dma_wait3A_124 = tpu.memref_slice %arg3[%run_scoped3A, %multiple_of3A_14, %dma_wait3A_123] : memref<2x2544x128xi32, #tpu.memory_space<hbm>> -> memref<1x40x128xi32, #tpu.memory_space<hbm>>
        %dma_wait3A_125 = tpu.memref_squeeze %dma_wait3A_124 : memref<1x40x128xi32, #tpu.memory_space<hbm>> -> memref<40x128xi32, #tpu.memory_space<hbm>>
        %dma_wait3A_126 = arith.constant 0 : i32
        %dma_wait3A_127 = arith.constant 0 : i32
        %dma_wait3A_128 = tpu.memref_slice %arg6[%dma_wait3A_126, %dma_wait3A_127] : memref<40x128xi32, #tpu.memory_space<vmem>> -> memref<40x128xi32, #tpu.memory_space<vmem>>
        %dma_wait3A_129 = arith.constant 0 : i32
        %dma_wait3A_130 = tpu.memref_slice %arg3[%run_scoped3A, %multiple_of3A_14, %dma_wait3A_129] : memref<2x2544x128xi32, #tpu.memory_space<hbm>> -> memref<1x40x128xi32, #tpu.memory_space<hbm>>
        %dma_wait3A_131 = tpu.memref_squeeze %dma_wait3A_130 : memref<1x40x128xi32, #tpu.memory_space<hbm>> -> memref<40x128xi32, #tpu.memory_space<hbm>>
        tpu.wait_dma2 semaphore(%run_scoped3A_108 : memref<!tpu.dma_semaphore, #tpu.memory_space<semaphore_mem>>) src(%dma_wait3A_131 : memref<40x128xi32, #tpu.memory_space<hbm>>) dst(%dma_wait3A_128 : memref<40x128xi32, #tpu.memory_space<vmem>>)
        tpu.yield
      }) : () -> ()
      %run_scoped3A_56 = arith.constant 1 : i32
      "tpu.region"() ({
        %run_scoped3A_108 = tpu.sem_alloc : memref<!tpu.dma_semaphore, #tpu.memory_space<semaphore_mem>>
        %dma_start3A_109 = arith.constant 0 : i32
        %dma_start3A_110 = arith.constant 0 : i32
        %dma_start3A_111 = tpu.memref_slice %arg7[%dma_start3A_109, %dma_start3A_110] : memref<40x128xi32, #tpu.memory_space<vmem>> -> memref<40x128xi32, #tpu.memory_space<vmem>>
        %dma_start3A_112 = arith.constant 0 : i32
        %dma_start3A_113 = tpu.memref_slice %arg3[%run_scoped3A_56, %multiple_of3A_14, %dma_start3A_112] : memref<2x2544x128xi32, #tpu.memory_space<hbm>> -> memref<1x40x128xi32, #tpu.memory_space<hbm>>
        %dma_start3A_114 = tpu.memref_squeeze %dma_start3A_113 : memref<1x40x128xi32, #tpu.memory_space<hbm>> -> memref<40x128xi32, #tpu.memory_space<hbm>>
        %dma_start3A_115 = arith.constant 0 : i32
        %dma_start3A_116 = arith.constant 0 : i32
        %dma_start3A_117 = tpu.memref_slice %arg7[%dma_start3A_115, %dma_start3A_116] : memref<40x128xi32, #tpu.memory_space<vmem>> -> memref<40x128xi32, #tpu.memory_space<vmem>>
        %dma_start3A_118 = arith.constant 0 : i32
        %dma_start3A_119 = tpu.memref_slice %arg3[%run_scoped3A_56, %multiple_of3A_14, %dma_start3A_118] : memref<2x2544x128xi32, #tpu.memory_space<hbm>> -> memref<1x40x128xi32, #tpu.memory_space<hbm>>
        %dma_start3A_120 = tpu.memref_squeeze %dma_start3A_119 : memref<1x40x128xi32, #tpu.memory_space<hbm>> -> memref<40x128xi32, #tpu.memory_space<hbm>>
        tpu.enqueue_dma source(%dma_start3A_120 : memref<40x128xi32, #tpu.memory_space<hbm>>) target(%dma_start3A_117 : memref<40x128xi32, #tpu.memory_space<vmem>>) target_semaphore(%run_scoped3A_108 : memref<!tpu.dma_semaphore, #tpu.memory_space<semaphore_mem>>)
        %dma_wait3A = arith.constant 0 : i32
        %dma_wait3A_121 = arith.constant 0 : i32
        %dma_wait3A_122 = tpu.memref_slice %arg7[%dma_wait3A, %dma_wait3A_121] : memref<40x128xi32, #tpu.memory_space<vmem>> -> memref<40x128xi32, #tpu.memory_space<vmem>>
        %dma_wait3A_123 = arith.constant 0 : i32
        %dma_wait3A_124 = tpu.memref_slice %arg3[%run_scoped3A_56, %multiple_of3A_14, %dma_wait3A_123] : memref<2x2544x128xi32, #tpu.memory_space<hbm>> -> memref<1x40x128xi32, #tpu.memory_space<hbm>>
        %dma_wait3A_125 = tpu.memref_squeeze %dma_wait3A_124 : memref<1x40x128xi32, #tpu.memory_space<hbm>> -> memref<40x128xi32, #tpu.memory_space<hbm>>
        %dma_wait3A_126 = arith.constant 0 : i32
        %dma_wait3A_127 = arith.constant 0 : i32
        %dma_wait3A_128 = tpu.memref_slice %arg7[%dma_wait3A_126, %dma_wait3A_127] : memref<40x128xi32, #tpu.memory_space<vmem>> -> memref<40x128xi32, #tpu.memory_space<vmem>>
        %dma_wait3A_129 = arith.constant 0 : i32
        %dma_wait3A_130 = tpu.memref_slice %arg3[%run_scoped3A_56, %multiple_of3A_14, %dma_wait3A_129] : memref<2x2544x128xi32, #tpu.memory_space<hbm>> -> memref<1x40x128xi32, #tpu.memory_space<hbm>>
        %dma_wait3A_131 = tpu.memref_squeeze %dma_wait3A_130 : memref<1x40x128xi32, #tpu.memory_space<hbm>> -> memref<40x128xi32, #tpu.memory_space<hbm>>
        tpu.wait_dma2 semaphore(%run_scoped3A_108 : memref<!tpu.dma_semaphore, #tpu.memory_space<semaphore_mem>>) src(%dma_wait3A_131 : memref<40x128xi32, #tpu.memory_space<hbm>>) dst(%dma_wait3A_128 : memref<40x128xi32, #tpu.memory_space<vmem>>)
        tpu.yield
      }) : () -> ()
      %dma_start3A = arith.constant 0 : i32
      %dma_start3A_57 = arith.constant 0 : i32
      %dma_start3A_58 = arith.constant 0 : i32
      %dma_start3A_59 = arith.constant 0 : i32
      %dma_start3A_60 = arith.constant 0 : i32
      %dma_start3A_61 = tpu.memref_slice %arg8[%dma_start3A_57, %dma_start3A_59, %dma_start3A_60] : memref<2x128x128xf32, #tpu.memory_space<vmem>> -> memref<1x128x128xf32, #tpu.memory_space<vmem>>
      %dma_start3A_62 = tpu.memref_squeeze %dma_start3A_61 : memref<1x128x128xf32, #tpu.memory_space<vmem>> -> memref<128x128xf32, #tpu.memory_space<vmem>>
      %dma_start3A_63 = arith.constant 0 : i32
      %dma_start3A_64 = tpu.memref_slice %arg6[%dma_start3A, %dma_start3A_63] : memref<40x128xi32, #tpu.memory_space<vmem>> -> memref<1x128xi32, #tpu.memory_space<vmem>>
      %dma_start3A_65 = tpu.memref_squeeze %dma_start3A_64 : memref<1x128xi32, #tpu.memory_space<vmem>> -> memref<128xi32, #tpu.memory_space<vmem>>
      %dma_start3A_66 = arith.constant 0 : i32
      %dma_start3A_67 = arith.constant 0 : i32
      %dma_start3A_68 = tpu.memref_slice %arg2[%dma_start3A_66, %dma_start3A_67] : memref<10240x128xf32, #tpu.memory_space<hbm>> -> memref<10240x128xf32, #tpu.memory_space<hbm>>
      %dma_start3A_69 = tpu.memref_slice %arg10[%dma_start3A_58] : memref<2x!tpu.dma_semaphore, #tpu.memory_space<semaphore_mem>> -> memref<1x!tpu.dma_semaphore, #tpu.memory_space<semaphore_mem>>
      %dma_start3A_70 = tpu.memref_squeeze %dma_start3A_69 : memref<1x!tpu.dma_semaphore, #tpu.memory_space<semaphore_mem>> -> memref<!tpu.dma_semaphore, #tpu.memory_space<semaphore_mem>>
      tpu.enqueue_indirect_dma source(%dma_start3A_68 : memref<10240x128xf32, #tpu.memory_space<hbm>>) target(%dma_start3A_62 : memref<128x128xf32, #tpu.memory_space<vmem>>) offsets(%dma_start3A_65 : memref<128xi32, #tpu.memory_space<vmem>>) semaphore(%dma_start3A_70 : memref<!tpu.dma_semaphore, #tpu.memory_space<semaphore_mem>>)
      %dma_start3A_71 = arith.constant 1 : i32
      %dma_start3A_72 = arith.constant 1 : i32
      %dma_start3A_73 = arith.constant 1 : i32
      %dma_start3A_74 = arith.constant 0 : i32
      %dma_start3A_75 = arith.constant 0 : i32
      %dma_start3A_76 = tpu.memref_slice %arg8[%dma_start3A_72, %dma_start3A_74, %dma_start3A_75] : memref<2x128x128xf32, #tpu.memory_space<vmem>> -> memref<1x128x128xf32, #tpu.memory_space<vmem>>
      %dma_start3A_77 = tpu.memref_squeeze %dma_start3A_76 : memref<1x128x128xf32, #tpu.memory_space<vmem>> -> memref<128x128xf32, #tpu.memory_space<vmem>>
      %dma_start3A_78 = arith.constant 0 : i32
      %dma_start3A_79 = tpu.memref_slice %arg6[%dma_start3A_71, %dma_start3A_78] : memref<40x128xi32, #tpu.memory_space<vmem>> -> memref<1x128xi32, #tpu.memory_space<vmem>>
      %dma_start3A_80 = tpu.memref_squeeze %dma_start3A_79 : memref<1x128xi32, #tpu.memory_space<vmem>> -> memref<128xi32, #tpu.memory_space<vmem>>
      %dma_start3A_81 = arith.constant 0 : i32
      %dma_start3A_82 = arith.constant 0 : i32
      %dma_start3A_83 = tpu.memref_slice %arg2[%dma_start3A_81, %dma_start3A_82] : memref<10240x128xf32, #tpu.memory_space<hbm>> -> memref<10240x128xf32, #tpu.memory_space<hbm>>
      %dma_start3A_84 = tpu.memref_slice %arg10[%dma_start3A_73] : memref<2x!tpu.dma_semaphore, #tpu.memory_space<semaphore_mem>> -> memref<1x!tpu.dma_semaphore, #tpu.memory_space<semaphore_mem>>
      %dma_start3A_85 = tpu.memref_squeeze %dma_start3A_84 : memref<1x!tpu.dma_semaphore, #tpu.memory_space<semaphore_mem>> -> memref<!tpu.dma_semaphore, #tpu.memory_space<semaphore_mem>>
      tpu.enqueue_indirect_dma source(%dma_start3A_83 : memref<10240x128xf32, #tpu.memory_space<hbm>>) target(%dma_start3A_77 : memref<128x128xf32, #tpu.memory_space<vmem>>) offsets(%dma_start3A_80 : memref<128xi32, #tpu.memory_space<vmem>>) semaphore(%dma_start3A_85 : memref<!tpu.dma_semaphore, #tpu.memory_space<semaphore_mem>>)
      %sub3A_86 = arith.constant 2 : i32
      %sub3A_87 = arith.subi %multiple_of3A_41, %sub3A_86 : i32
      %while3A = arith.constant 0 : i32
      %while3A_88 = arith.constant 0 : i32
      %while3A_89 = arith.subi %sub3A_87, %while3A_88 : i32
      %while3A_90 = arith.addi %while3A_88, %while3A_89 : i32
      %while3A_91 = arith.constant 1 : i32
      %while3A_92 = arith.divsi %while3A_89, %while3A_91 : i32
      %while3A_93 = arith.muli %while3A_92, %while3A_91 : i32
      %while3A_94 = arith.addi %while3A_88, %while3A_93 : i32
      %while3A_95 = arith.constant 1 : i32
      scf.for %while3A_108 = %while3A_88 to %while3A_94 step %while3A_95  : i32 {
        %jit3A_109 = arith.constant 2 : i32
        %eq3A_110 = arith.constant 0 : i32
        %eq3A_111 = arith.cmpi eq, %jit3A_109, %eq3A_110 : i32
        %jit3A_112 = arith.constant 1 : i32
        %select_n3A_113 = arith.select %eq3A_111, %jit3A_112, %jit3A_109 : i32
        %rem3A_114 = arith.remsi %while3A_108, %select_n3A_113 : i32
        %ne3A_115 = arith.constant 0 : i32
        %ne3A_116 = arith.cmpi ne, %rem3A_114, %ne3A_115 : i32
        %lt3A_117 = arith.constant 0 : i32
        %lt3A_118 = arith.cmpi slt, %rem3A_114, %lt3A_117 : i32
        %lt3A_119 = arith.constant 0 : i32
        %lt3A_120 = arith.cmpi slt, %select_n3A_113, %lt3A_119 : i32
        %ne3A_121 = arith.xori %lt3A_118, %lt3A_120 : i1
        %and3A_122 = arith.andi %ne3A_121, %ne3A_116 : i1
        %add3A_123 = arith.addi %rem3A_114, %select_n3A_113 : i32
        %select_n3A_124 = arith.select %and3A_122, %add3A_123, %rem3A_114 : i32
        %dma_wait3A = arith.constant 0 : i32
        %dma_wait3A_125 = arith.constant 0 : i32
        %dma_wait3A_126 = tpu.memref_slice %arg8[%select_n3A_124, %dma_wait3A, %dma_wait3A_125] : memref<2x128x128xf32, #tpu.memory_space<vmem>> -> memref<1x128x128xf32, #tpu.memory_space<vmem>>
        %dma_wait3A_127 = tpu.memref_squeeze %dma_wait3A_126 : memref<1x128x128xf32, #tpu.memory_space<vmem>> -> memref<128x128xf32, #tpu.memory_space<vmem>>
        %dma_wait3A_128 = arith.constant 0 : i32
        %dma_wait3A_129 = tpu.memref_slice %arg6[%while3A_108, %dma_wait3A_128] : memref<40x128xi32, #tpu.memory_space<vmem>> -> memref<1x128xi32, #tpu.memory_space<vmem>>
        %dma_wait3A_130 = tpu.memref_squeeze %dma_wait3A_129 : memref<1x128xi32, #tpu.memory_space<vmem>> -> memref<128xi32, #tpu.memory_space<vmem>>
        %dma_wait3A_131 = arith.constant 0 : i32
        %dma_wait3A_132 = arith.constant 0 : i32
        %dma_wait3A_133 = tpu.memref_slice %arg2[%dma_wait3A_131, %dma_wait3A_132] : memref<10240x128xf32, #tpu.memory_space<hbm>> -> memref<10240x128xf32, #tpu.memory_space<hbm>>
        %dma_wait3A_134 = tpu.memref_slice %arg10[%select_n3A_124] : memref<2x!tpu.dma_semaphore, #tpu.memory_space<semaphore_mem>> -> memref<1x!tpu.dma_semaphore, #tpu.memory_space<semaphore_mem>>
        %dma_wait3A_135 = tpu.memref_squeeze %dma_wait3A_134 : memref<1x!tpu.dma_semaphore, #tpu.memory_space<semaphore_mem>> -> memref<!tpu.dma_semaphore, #tpu.memory_space<semaphore_mem>>
        tpu.wait_indirect_dma semaphore(%dma_wait3A_135 : memref<!tpu.dma_semaphore, #tpu.memory_space<semaphore_mem>>) src(%dma_wait3A_133 : memref<10240x128xf32, #tpu.memory_space<hbm>>) dst(%dma_wait3A_127 : memref<128x128xf32, #tpu.memory_space<vmem>>)
        %dma_start3A_136 = arith.constant 0 : i32
        %dma_start3A_137 = arith.constant 0 : i32
        %dma_start3A_138 = tpu.memref_slice %arg8[%select_n3A_124, %dma_start3A_136, %dma_start3A_137] : memref<2x128x128xf32, #tpu.memory_space<vmem>> -> memref<1x128x128xf32, #tpu.memory_space<vmem>>
        %dma_start3A_139 = tpu.memref_squeeze %dma_start3A_138 : memref<1x128x128xf32, #tpu.memory_space<vmem>> -> memref<128x128xf32, #tpu.memory_space<vmem>>
        %dma_start3A_140 = arith.constant 0 : i32
        %dma_start3A_141 = tpu.memref_slice %arg7[%while3A_108, %dma_start3A_140] : memref<40x128xi32, #tpu.memory_space<vmem>> -> memref<1x128xi32, #tpu.memory_space<vmem>>
        %dma_start3A_142 = tpu.memref_squeeze %dma_start3A_141 : memref<1x128xi32, #tpu.memory_space<vmem>> -> memref<128xi32, #tpu.memory_space<vmem>>
        %dma_start3A_143 = arith.constant 0 : i32
        %dma_start3A_144 = arith.constant 0 : i32
        %dma_start3A_145 = tpu.memref_slice %arg9[%dma_start3A_143, %dma_start3A_144] : memref<10240x128xf32, #tpu.memory_space<vmem_shared>> -> memref<10240x128xf32, #tpu.memory_space<vmem_shared>>
        %dma_start3A_146 = tpu.memref_slice %arg11[%select_n3A_124] : memref<2x!tpu.dma_semaphore, #tpu.memory_space<semaphore_mem>> -> memref<1x!tpu.dma_semaphore, #tpu.memory_space<semaphore_mem>>
        %dma_start3A_147 = tpu.memref_squeeze %dma_start3A_146 : memref<1x!tpu.dma_semaphore, #tpu.memory_space<semaphore_mem>> -> memref<!tpu.dma_semaphore, #tpu.memory_space<semaphore_mem>>
        tpu.enqueue_indirect_dma source(%dma_start3A_139 : memref<128x128xf32, #tpu.memory_space<vmem>>) target(%dma_start3A_145 : memref<10240x128xf32, #tpu.memory_space<vmem_shared>>) offsets(%dma_start3A_142 : memref<128xi32, #tpu.memory_space<vmem>>) semaphore(%dma_start3A_147 : memref<!tpu.dma_semaphore, #tpu.memory_space<semaphore_mem>>) {add = true}
        %dma_wait3A_148 = arith.constant 0 : i32
        %dma_wait3A_149 = arith.constant 0 : i32
        %dma_wait3A_150 = tpu.memref_slice %arg8[%select_n3A_124, %dma_wait3A_148, %dma_wait3A_149] : memref<2x128x128xf32, #tpu.memory_space<vmem>> -> memref<1x128x128xf32, #tpu.memory_space<vmem>>
        %dma_wait3A_151 = tpu.memref_squeeze %dma_wait3A_150 : memref<1x128x128xf32, #tpu.memory_space<vmem>> -> memref<128x128xf32, #tpu.memory_space<vmem>>
        %dma_wait3A_152 = arith.constant 0 : i32
        %dma_wait3A_153 = tpu.memref_slice %arg7[%while3A_108, %dma_wait3A_152] : memref<40x128xi32, #tpu.memory_space<vmem>> -> memref<1x128xi32, #tpu.memory_space<vmem>>
        %dma_wait3A_154 = tpu.memref_squeeze %dma_wait3A_153 : memref<1x128xi32, #tpu.memory_space<vmem>> -> memref<128xi32, #tpu.memory_space<vmem>>
        %dma_wait3A_155 = arith.constant 0 : i32
        %dma_wait3A_156 = arith.constant 0 : i32
        %dma_wait3A_157 = tpu.memref_slice %arg9[%dma_wait3A_155, %dma_wait3A_156] : memref<10240x128xf32, #tpu.memory_space<vmem_shared>> -> memref<10240x128xf32, #tpu.memory_space<vmem_shared>>
        %dma_wait3A_158 = tpu.memref_slice %arg11[%select_n3A_124] : memref<2x!tpu.dma_semaphore, #tpu.memory_space<semaphore_mem>> -> memref<1x!tpu.dma_semaphore, #tpu.memory_space<semaphore_mem>>
        %dma_wait3A_159 = tpu.memref_squeeze %dma_wait3A_158 : memref<1x!tpu.dma_semaphore, #tpu.memory_space<semaphore_mem>> -> memref<!tpu.dma_semaphore, #tpu.memory_space<semaphore_mem>>
        tpu.wait_indirect_dma semaphore(%dma_wait3A_159 : memref<!tpu.dma_semaphore, #tpu.memory_space<semaphore_mem>>) src(%dma_wait3A_151 : memref<128x128xf32, #tpu.memory_space<vmem>>) dst(%dma_wait3A_157 : memref<10240x128xf32, #tpu.memory_space<vmem_shared>>)
        %add3A_160 = arith.constant 2 : i32
        %add3A_161 = arith.addi %while3A_108, %add3A_160 : i32
        %dma_start3A_162 = arith.constant 0 : i32
        %dma_start3A_163 = arith.constant 0 : i32
        %dma_start3A_164 = tpu.memref_slice %arg8[%select_n3A_124, %dma_start3A_162, %dma_start3A_163] : memref<2x128x128xf32, #tpu.memory_space<vmem>> -> memref<1x128x128xf32, #tpu.memory_space<vmem>>
        %dma_start3A_165 = tpu.memref_squeeze %dma_start3A_164 : memref<1x128x128xf32, #tpu.memory_space<vmem>> -> memref<128x128xf32, #tpu.memory_space<vmem>>
        %dma_start3A_166 = arith.constant 0 : i32
        %dma_start3A_167 = tpu.memref_slice %arg6[%add3A_161, %dma_start3A_166] : memref<40x128xi32, #tpu.memory_space<vmem>> -> memref<1x128xi32, #tpu.memory_space<vmem>>
        %dma_start3A_168 = tpu.memref_squeeze %dma_start3A_167 : memref<1x128xi32, #tpu.memory_space<vmem>> -> memref<128xi32, #tpu.memory_space<vmem>>
        %dma_start3A_169 = arith.constant 0 : i32
        %dma_start3A_170 = arith.constant 0 : i32
        %dma_start3A_171 = tpu.memref_slice %arg2[%dma_start3A_169, %dma_start3A_170] : memref<10240x128xf32, #tpu.memory_space<hbm>> -> memref<10240x128xf32, #tpu.memory_space<hbm>>
        %dma_start3A_172 = tpu.memref_slice %arg10[%select_n3A_124] : memref<2x!tpu.dma_semaphore, #tpu.memory_space<semaphore_mem>> -> memref<1x!tpu.dma_semaphore, #tpu.memory_space<semaphore_mem>>
        %dma_start3A_173 = tpu.memref_squeeze %dma_start3A_172 : memref<1x!tpu.dma_semaphore, #tpu.memory_space<semaphore_mem>> -> memref<!tpu.dma_semaphore, #tpu.memory_space<semaphore_mem>>
        tpu.enqueue_indirect_dma source(%dma_start3A_171 : memref<10240x128xf32, #tpu.memory_space<hbm>>) target(%dma_start3A_165 : memref<128x128xf32, #tpu.memory_space<vmem>>) offsets(%dma_start3A_168 : memref<128xi32, #tpu.memory_space<vmem>>) semaphore(%dma_start3A_173 : memref<!tpu.dma_semaphore, #tpu.memory_space<semaphore_mem>>)
      }
      %while3A_96 = arith.constant 1 : i32
      scf.for %while3A_108 = %while3A_94 to %while3A_90 step %while3A_96  : i32 {
        %jit3A_109 = arith.constant 2 : i32
        %eq3A_110 = arith.constant 0 : i32
        %eq3A_111 = arith.cmpi eq, %jit3A_109, %eq3A_110 : i32
        %jit3A_112 = arith.constant 1 : i32
        %select_n3A_113 = arith.select %eq3A_111, %jit3A_112, %jit3A_109 : i32
        %rem3A_114 = arith.remsi %while3A_108, %select_n3A_113 : i32
        %ne3A_115 = arith.constant 0 : i32
        %ne3A_116 = arith.cmpi ne, %rem3A_114, %ne3A_115 : i32
        %lt3A_117 = arith.constant 0 : i32
        %lt3A_118 = arith.cmpi slt, %rem3A_114, %lt3A_117 : i32
        %lt3A_119 = arith.constant 0 : i32
        %lt3A_120 = arith.cmpi slt, %select_n3A_113, %lt3A_119 : i32
        %ne3A_121 = arith.xori %lt3A_118, %lt3A_120 : i1
        %and3A_122 = arith.andi %ne3A_121, %ne3A_116 : i1
        %add3A_123 = arith.addi %rem3A_114, %select_n3A_113 : i32
        %select_n3A_124 = arith.select %and3A_122, %add3A_123, %rem3A_114 : i32
        %dma_wait3A = arith.constant 0 : i32
        %dma_wait3A_125 = arith.constant 0 : i32
        %dma_wait3A_126 = tpu.memref_slice %arg8[%select_n3A_124, %dma_wait3A, %dma_wait3A_125] : memref<2x128x128xf32, #tpu.memory_space<vmem>> -> memref<1x128x128xf32, #tpu.memory_space<vmem>>
        %dma_wait3A_127 = tpu.memref_squeeze %dma_wait3A_126 : memref<1x128x128xf32, #tpu.memory_space<vmem>> -> memref<128x128xf32, #tpu.memory_space<vmem>>
        %dma_wait3A_128 = arith.constant 0 : i32
        %dma_wait3A_129 = tpu.memref_slice %arg6[%while3A_108, %dma_wait3A_128] : memref<40x128xi32, #tpu.memory_space<vmem>> -> memref<1x128xi32, #tpu.memory_space<vmem>>
        %dma_wait3A_130 = tpu.memref_squeeze %dma_wait3A_129 : memref<1x128xi32, #tpu.memory_space<vmem>> -> memref<128xi32, #tpu.memory_space<vmem>>
        %dma_wait3A_131 = arith.constant 0 : i32
        %dma_wait3A_132 = arith.constant 0 : i32
        %dma_wait3A_133 = tpu.memref_slice %arg2[%dma_wait3A_131, %dma_wait3A_132] : memref<10240x128xf32, #tpu.memory_space<hbm>> -> memref<10240x128xf32, #tpu.memory_space<hbm>>
        %dma_wait3A_134 = tpu.memref_slice %arg10[%select_n3A_124] : memref<2x!tpu.dma_semaphore, #tpu.memory_space<semaphore_mem>> -> memref<1x!tpu.dma_semaphore, #tpu.memory_space<semaphore_mem>>
        %dma_wait3A_135 = tpu.memref_squeeze %dma_wait3A_134 : memref<1x!tpu.dma_semaphore, #tpu.memory_space<semaphore_mem>> -> memref<!tpu.dma_semaphore, #tpu.memory_space<semaphore_mem>>
        tpu.wait_indirect_dma semaphore(%dma_wait3A_135 : memref<!tpu.dma_semaphore, #tpu.memory_space<semaphore_mem>>) src(%dma_wait3A_133 : memref<10240x128xf32, #tpu.memory_space<hbm>>) dst(%dma_wait3A_127 : memref<128x128xf32, #tpu.memory_space<vmem>>)
        %dma_start3A_136 = arith.constant 0 : i32
        %dma_start3A_137 = arith.constant 0 : i32
        %dma_start3A_138 = tpu.memref_slice %arg8[%select_n3A_124, %dma_start3A_136, %dma_start3A_137] : memref<2x128x128xf32, #tpu.memory_space<vmem>> -> memref<1x128x128xf32, #tpu.memory_space<vmem>>
        %dma_start3A_139 = tpu.memref_squeeze %dma_start3A_138 : memref<1x128x128xf32, #tpu.memory_space<vmem>> -> memref<128x128xf32, #tpu.memory_space<vmem>>
        %dma_start3A_140 = arith.constant 0 : i32
        %dma_start3A_141 = tpu.memref_slice %arg7[%while3A_108, %dma_start3A_140] : memref<40x128xi32, #tpu.memory_space<vmem>> -> memref<1x128xi32, #tpu.memory_space<vmem>>
        %dma_start3A_142 = tpu.memref_squeeze %dma_start3A_141 : memref<1x128xi32, #tpu.memory_space<vmem>> -> memref<128xi32, #tpu.memory_space<vmem>>
        %dma_start3A_143 = arith.constant 0 : i32
        %dma_start3A_144 = arith.constant 0 : i32
        %dma_start3A_145 = tpu.memref_slice %arg9[%dma_start3A_143, %dma_start3A_144] : memref<10240x128xf32, #tpu.memory_space<vmem_shared>> -> memref<10240x128xf32, #tpu.memory_space<vmem_shared>>
        %dma_start3A_146 = tpu.memref_slice %arg11[%select_n3A_124] : memref<2x!tpu.dma_semaphore, #tpu.memory_space<semaphore_mem>> -> memref<1x!tpu.dma_semaphore, #tpu.memory_space<semaphore_mem>>
        %dma_start3A_147 = tpu.memref_squeeze %dma_start3A_146 : memref<1x!tpu.dma_semaphore, #tpu.memory_space<semaphore_mem>> -> memref<!tpu.dma_semaphore, #tpu.memory_space<semaphore_mem>>
        tpu.enqueue_indirect_dma source(%dma_start3A_139 : memref<128x128xf32, #tpu.memory_space<vmem>>) target(%dma_start3A_145 : memref<10240x128xf32, #tpu.memory_space<vmem_shared>>) offsets(%dma_start3A_142 : memref<128xi32, #tpu.memory_space<vmem>>) semaphore(%dma_start3A_147 : memref<!tpu.dma_semaphore, #tpu.memory_space<semaphore_mem>>) {add = true}
        %dma_wait3A_148 = arith.constant 0 : i32
        %dma_wait3A_149 = arith.constant 0 : i32
        %dma_wait3A_150 = tpu.memref_slice %arg8[%select_n3A_124, %dma_wait3A_148, %dma_wait3A_149] : memref<2x128x128xf32, #tpu.memory_space<vmem>> -> memref<1x128x128xf32, #tpu.memory_space<vmem>>
        %dma_wait3A_151 = tpu.memref_squeeze %dma_wait3A_150 : memref<1x128x128xf32, #tpu.memory_space<vmem>> -> memref<128x128xf32, #tpu.memory_space<vmem>>
        %dma_wait3A_152 = arith.constant 0 : i32
        %dma_wait3A_153 = tpu.memref_slice %arg7[%while3A_108, %dma_wait3A_152] : memref<40x128xi32, #tpu.memory_space<vmem>> -> memref<1x128xi32, #tpu.memory_space<vmem>>
        %dma_wait3A_154 = tpu.memref_squeeze %dma_wait3A_153 : memref<1x128xi32, #tpu.memory_space<vmem>> -> memref<128xi32, #tpu.memory_space<vmem>>
        %dma_wait3A_155 = arith.constant 0 : i32
        %dma_wait3A_156 = arith.constant 0 : i32
        %dma_wait3A_157 = tpu.memref_slice %arg9[%dma_wait3A_155, %dma_wait3A_156] : memref<10240x128xf32, #tpu.memory_space<vmem_shared>> -> memref<10240x128xf32, #tpu.memory_space<vmem_shared>>
        %dma_wait3A_158 = tpu.memref_slice %arg11[%select_n3A_124] : memref<2x!tpu.dma_semaphore, #tpu.memory_space<semaphore_mem>> -> memref<1x!tpu.dma_semaphore, #tpu.memory_space<semaphore_mem>>
        %dma_wait3A_159 = tpu.memref_squeeze %dma_wait3A_158 : memref<1x!tpu.dma_semaphore, #tpu.memory_space<semaphore_mem>> -> memref<!tpu.dma_semaphore, #tpu.memory_space<semaphore_mem>>
        tpu.wait_indirect_dma semaphore(%dma_wait3A_159 : memref<!tpu.dma_semaphore, #tpu.memory_space<semaphore_mem>>) src(%dma_wait3A_151 : memref<128x128xf32, #tpu.memory_space<vmem>>) dst(%dma_wait3A_157 : memref<10240x128xf32, #tpu.memory_space<vmem_shared>>)
        %add3A_160 = arith.constant 2 : i32
        %add3A_161 = arith.addi %while3A_108, %add3A_160 : i32
        %dma_start3A_162 = arith.constant 0 : i32
        %dma_start3A_163 = arith.constant 0 : i32
        %dma_start3A_164 = tpu.memref_slice %arg8[%select_n3A_124, %dma_start3A_162, %dma_start3A_163] : memref<2x128x128xf32, #tpu.memory_space<vmem>> -> memref<1x128x128xf32, #tpu.memory_space<vmem>>
        %dma_start3A_165 = tpu.memref_squeeze %dma_start3A_164 : memref<1x128x128xf32, #tpu.memory_space<vmem>> -> memref<128x128xf32, #tpu.memory_space<vmem>>
        %dma_start3A_166 = arith.constant 0 : i32
        %dma_start3A_167 = tpu.memref_slice %arg6[%add3A_161, %dma_start3A_166] : memref<40x128xi32, #tpu.memory_space<vmem>> -> memref<1x128xi32, #tpu.memory_space<vmem>>
        %dma_start3A_168 = tpu.memref_squeeze %dma_start3A_167 : memref<1x128xi32, #tpu.memory_space<vmem>> -> memref<128xi32, #tpu.memory_space<vmem>>
        %dma_start3A_169 = arith.constant 0 : i32
        %dma_start3A_170 = arith.constant 0 : i32
        %dma_start3A_171 = tpu.memref_slice %arg2[%dma_start3A_169, %dma_start3A_170] : memref<10240x128xf32, #tpu.memory_space<hbm>> -> memref<10240x128xf32, #tpu.memory_space<hbm>>
        %dma_start3A_172 = tpu.memref_slice %arg10[%select_n3A_124] : memref<2x!tpu.dma_semaphore, #tpu.memory_space<semaphore_mem>> -> memref<1x!tpu.dma_semaphore, #tpu.memory_space<semaphore_mem>>
        %dma_start3A_173 = tpu.memref_squeeze %dma_start3A_172 : memref<1x!tpu.dma_semaphore, #tpu.memory_space<semaphore_mem>> -> memref<!tpu.dma_semaphore, #tpu.memory_space<semaphore_mem>>
        tpu.enqueue_indirect_dma source(%dma_start3A_171 : memref<10240x128xf32, #tpu.memory_space<hbm>>) target(%dma_start3A_165 : memref<128x128xf32, #tpu.memory_space<vmem>>) offsets(%dma_start3A_168 : memref<128xi32, #tpu.memory_space<vmem>>) semaphore(%dma_start3A_173 : memref<!tpu.dma_semaphore, #tpu.memory_space<semaphore_mem>>)
      }
      %sub3A_97 = arith.constant 2 : i32
      %sub3A_98 = arith.subi %multiple_of3A_41, %sub3A_97 : i32
      %while3A_99 = arith.constant 0 : i32
      %while3A_100 = arith.subi %multiple_of3A_41, %sub3A_98 : i32
      %while3A_101 = arith.addi %sub3A_98, %while3A_100 : i32
      %while3A_102 = arith.constant 1 : i32
      %while3A_103 = arith.divsi %while3A_100, %while3A_102 : i32
      %while3A_104 = arith.muli %while3A_103, %while3A_102 : i32
      %while3A_105 = arith.addi %sub3A_98, %while3A_104 : i32
      %while3A_106 = arith.constant 1 : i32
      scf.for %while3A_108 = %sub3A_98 to %while3A_105 step %while3A_106  : i32 {
        %jit3A_109 = arith.constant 2 : i32
        %eq3A_110 = arith.constant 0 : i32
        %eq3A_111 = arith.cmpi eq, %jit3A_109, %eq3A_110 : i32
        %jit3A_112 = arith.constant 1 : i32
        %select_n3A_113 = arith.select %eq3A_111, %jit3A_112, %jit3A_109 : i32
        %rem3A_114 = arith.remsi %while3A_108, %select_n3A_113 : i32
        %ne3A_115 = arith.constant 0 : i32
        %ne3A_116 = arith.cmpi ne, %rem3A_114, %ne3A_115 : i32
        %lt3A_117 = arith.constant 0 : i32
        %lt3A_118 = arith.cmpi slt, %rem3A_114, %lt3A_117 : i32
        %lt3A_119 = arith.constant 0 : i32
        %lt3A_120 = arith.cmpi slt, %select_n3A_113, %lt3A_119 : i32
        %ne3A_121 = arith.xori %lt3A_118, %lt3A_120 : i1
        %and3A_122 = arith.andi %ne3A_121, %ne3A_116 : i1
        %add3A_123 = arith.addi %rem3A_114, %select_n3A_113 : i32
        %select_n3A_124 = arith.select %and3A_122, %add3A_123, %rem3A_114 : i32
        %dma_wait3A = arith.constant 0 : i32
        %dma_wait3A_125 = arith.constant 0 : i32
        %dma_wait3A_126 = tpu.memref_slice %arg8[%select_n3A_124, %dma_wait3A, %dma_wait3A_125] : memref<2x128x128xf32, #tpu.memory_space<vmem>> -> memref<1x128x128xf32, #tpu.memory_space<vmem>>
        %dma_wait3A_127 = tpu.memref_squeeze %dma_wait3A_126 : memref<1x128x128xf32, #tpu.memory_space<vmem>> -> memref<128x128xf32, #tpu.memory_space<vmem>>
        %dma_wait3A_128 = arith.constant 0 : i32
        %dma_wait3A_129 = tpu.memref_slice %arg6[%while3A_108, %dma_wait3A_128] : memref<40x128xi32, #tpu.memory_space<vmem>> -> memref<1x128xi32, #tpu.memory_space<vmem>>
        %dma_wait3A_130 = tpu.memref_squeeze %dma_wait3A_129 : memref<1x128xi32, #tpu.memory_space<vmem>> -> memref<128xi32, #tpu.memory_space<vmem>>
        %dma_wait3A_131 = arith.constant 0 : i32
        %dma_wait3A_132 = arith.constant 0 : i32
        %dma_wait3A_133 = tpu.memref_slice %arg2[%dma_wait3A_131, %dma_wait3A_132] : memref<10240x128xf32, #tpu.memory_space<hbm>> -> memref<10240x128xf32, #tpu.memory_space<hbm>>
        %dma_wait3A_134 = tpu.memref_slice %arg10[%select_n3A_124] : memref<2x!tpu.dma_semaphore, #tpu.memory_space<semaphore_mem>> -> memref<1x!tpu.dma_semaphore, #tpu.memory_space<semaphore_mem>>
        %dma_wait3A_135 = tpu.memref_squeeze %dma_wait3A_134 : memref<1x!tpu.dma_semaphore, #tpu.memory_space<semaphore_mem>> -> memref<!tpu.dma_semaphore, #tpu.memory_space<semaphore_mem>>
        tpu.wait_indirect_dma semaphore(%dma_wait3A_135 : memref<!tpu.dma_semaphore, #tpu.memory_space<semaphore_mem>>) src(%dma_wait3A_133 : memref<10240x128xf32, #tpu.memory_space<hbm>>) dst(%dma_wait3A_127 : memref<128x128xf32, #tpu.memory_space<vmem>>)
        %dma_start3A_136 = arith.constant 0 : i32
        %dma_start3A_137 = arith.constant 0 : i32
        %dma_start3A_138 = tpu.memref_slice %arg8[%select_n3A_124, %dma_start3A_136, %dma_start3A_137] : memref<2x128x128xf32, #tpu.memory_space<vmem>> -> memref<1x128x128xf32, #tpu.memory_space<vmem>>
        %dma_start3A_139 = tpu.memref_squeeze %dma_start3A_138 : memref<1x128x128xf32, #tpu.memory_space<vmem>> -> memref<128x128xf32, #tpu.memory_space<vmem>>
        %dma_start3A_140 = arith.constant 0 : i32
        %dma_start3A_141 = tpu.memref_slice %arg7[%while3A_108, %dma_start3A_140] : memref<40x128xi32, #tpu.memory_space<vmem>> -> memref<1x128xi32, #tpu.memory_space<vmem>>
        %dma_start3A_142 = tpu.memref_squeeze %dma_start3A_141 : memref<1x128xi32, #tpu.memory_space<vmem>> -> memref<128xi32, #tpu.memory_space<vmem>>
        %dma_start3A_143 = arith.constant 0 : i32
        %dma_start3A_144 = arith.constant 0 : i32
        %dma_start3A_145 = tpu.memref_slice %arg9[%dma_start3A_143, %dma_start3A_144] : memref<10240x128xf32, #tpu.memory_space<vmem_shared>> -> memref<10240x128xf32, #tpu.memory_space<vmem_shared>>
        %dma_start3A_146 = tpu.memref_slice %arg11[%select_n3A_124] : memref<2x!tpu.dma_semaphore, #tpu.memory_space<semaphore_mem>> -> memref<1x!tpu.dma_semaphore, #tpu.memory_space<semaphore_mem>>
        %dma_start3A_147 = tpu.memref_squeeze %dma_start3A_146 : memref<1x!tpu.dma_semaphore, #tpu.memory_space<semaphore_mem>> -> memref<!tpu.dma_semaphore, #tpu.memory_space<semaphore_mem>>
        tpu.enqueue_indirect_dma source(%dma_start3A_139 : memref<128x128xf32, #tpu.memory_space<vmem>>) target(%dma_start3A_145 : memref<10240x128xf32, #tpu.memory_space<vmem_shared>>) offsets(%dma_start3A_142 : memref<128xi32, #tpu.memory_space<vmem>>) semaphore(%dma_start3A_147 : memref<!tpu.dma_semaphore, #tpu.memory_space<semaphore_mem>>) {add = true}
        %dma_wait3A_148 = arith.constant 0 : i32
        %dma_wait3A_149 = arith.constant 0 : i32
        %dma_wait3A_150 = tpu.memref_slice %arg8[%select_n3A_124, %dma_wait3A_148, %dma_wait3A_149] : memref<2x128x128xf32, #tpu.memory_space<vmem>> -> memref<1x128x128xf32, #tpu.memory_space<vmem>>
        %dma_wait3A_151 = tpu.memref_squeeze %dma_wait3A_150 : memref<1x128x128xf32, #tpu.memory_space<vmem>> -> memref<128x128xf32, #tpu.memory_space<vmem>>
        %dma_wait3A_152 = arith.constant 0 : i32
        %dma_wait3A_153 = tpu.memref_slice %arg7[%while3A_108, %dma_wait3A_152] : memref<40x128xi32, #tpu.memory_space<vmem>> -> memref<1x128xi32, #tpu.memory_space<vmem>>
        %dma_wait3A_154 = tpu.memref_squeeze %dma_wait3A_153 : memref<1x128xi32, #tpu.memory_space<vmem>> -> memref<128xi32, #tpu.memory_space<vmem>>
        %dma_wait3A_155 = arith.constant 0 : i32
        %dma_wait3A_156 = arith.constant 0 : i32
        %dma_wait3A_157 = tpu.memref_slice %arg9[%dma_wait3A_155, %dma_wait3A_156] : memref<10240x128xf32, #tpu.memory_space<vmem_shared>> -> memref<10240x128xf32, #tpu.memory_space<vmem_shared>>
        %dma_wait3A_158 = tpu.memref_slice %arg11[%select_n3A_124] : memref<2x!tpu.dma_semaphore, #tpu.memory_space<semaphore_mem>> -> memref<1x!tpu.dma_semaphore, #tpu.memory_space<semaphore_mem>>
        %dma_wait3A_159 = tpu.memref_squeeze %dma_wait3A_158 : memref<1x!tpu.dma_semaphore, #tpu.memory_space<semaphore_mem>> -> memref<!tpu.dma_semaphore, #tpu.memory_space<semaphore_mem>>
        tpu.wait_indirect_dma semaphore(%dma_wait3A_159 : memref<!tpu.dma_semaphore, #tpu.memory_space<semaphore_mem>>) src(%dma_wait3A_151 : memref<128x128xf32, #tpu.memory_space<vmem>>) dst(%dma_wait3A_157 : memref<10240x128xf32, #tpu.memory_space<vmem_shared>>)
      }
      %while3A_107 = arith.constant 1 : i32
      scf.for %while3A_108 = %while3A_105 to %while3A_101 step %while3A_107  : i32 {
        %jit3A_109 = arith.constant 2 : i32
        %eq3A_110 = arith.constant 0 : i32
        %eq3A_111 = arith.cmpi eq, %jit3A_109, %eq3A_110 : i32
        %jit3A_112 = arith.constant 1 : i32
        %select_n3A_113 = arith.select %eq3A_111, %jit3A_112, %jit3A_109 : i32
        %rem3A_114 = arith.remsi %while3A_108, %select_n3A_113 : i32
        %ne3A_115 = arith.constant 0 : i32
        %ne3A_116 = arith.cmpi ne, %rem3A_114, %ne3A_115 : i32
        %lt3A_117 = arith.constant 0 : i32
        %lt3A_118 = arith.cmpi slt, %rem3A_114, %lt3A_117 : i32
        %lt3A_119 = arith.constant 0 : i32
        %lt3A_120 = arith.cmpi slt, %select_n3A_113, %lt3A_119 : i32
        %ne3A_121 = arith.xori %lt3A_118, %lt3A_120 : i1
        %and3A_122 = arith.andi %ne3A_121, %ne3A_116 : i1
        %add3A_123 = arith.addi %rem3A_114, %select_n3A_113 : i32
        %select_n3A_124 = arith.select %and3A_122, %add3A_123, %rem3A_114 : i32
        %dma_wait3A = arith.constant 0 : i32
        %dma_wait3A_125 = arith.constant 0 : i32
        %dma_wait3A_126 = tpu.memref_slice %arg8[%select_n3A_124, %dma_wait3A, %dma_wait3A_125] : memref<2x128x128xf32, #tpu.memory_space<vmem>> -> memref<1x128x128xf32, #tpu.memory_space<vmem>>
        %dma_wait3A_127 = tpu.memref_squeeze %dma_wait3A_126 : memref<1x128x128xf32, #tpu.memory_space<vmem>> -> memref<128x128xf32, #tpu.memory_space<vmem>>
        %dma_wait3A_128 = arith.constant 0 : i32
        %dma_wait3A_129 = tpu.memref_slice %arg6[%while3A_108, %dma_wait3A_128] : memref<40x128xi32, #tpu.memory_space<vmem>> -> memref<1x128xi32, #tpu.memory_space<vmem>>
        %dma_wait3A_130 = tpu.memref_squeeze %dma_wait3A_129 : memref<1x128xi32, #tpu.memory_space<vmem>> -> memref<128xi32, #tpu.memory_space<vmem>>
        %dma_wait3A_131 = arith.constant 0 : i32
        %dma_wait3A_132 = arith.constant 0 : i32
        %dma_wait3A_133 = tpu.memref_slice %arg2[%dma_wait3A_131, %dma_wait3A_132] : memref<10240x128xf32, #tpu.memory_space<hbm>> -> memref<10240x128xf32, #tpu.memory_space<hbm>>
        %dma_wait3A_134 = tpu.memref_slice %arg10[%select_n3A_124] : memref<2x!tpu.dma_semaphore, #tpu.memory_space<semaphore_mem>> -> memref<1x!tpu.dma_semaphore, #tpu.memory_space<semaphore_mem>>
        %dma_wait3A_135 = tpu.memref_squeeze %dma_wait3A_134 : memref<1x!tpu.dma_semaphore, #tpu.memory_space<semaphore_mem>> -> memref<!tpu.dma_semaphore, #tpu.memory_space<semaphore_mem>>
        tpu.wait_indirect_dma semaphore(%dma_wait3A_135 : memref<!tpu.dma_semaphore, #tpu.memory_space<semaphore_mem>>) src(%dma_wait3A_133 : memref<10240x128xf32, #tpu.memory_space<hbm>>) dst(%dma_wait3A_127 : memref<128x128xf32, #tpu.memory_space<vmem>>)
        %dma_start3A_136 = arith.constant 0 : i32
        %dma_start3A_137 = arith.constant 0 : i32
        %dma_start3A_138 = tpu.memref_slice %arg8[%select_n3A_124, %dma_start3A_136, %dma_start3A_137] : memref<2x128x128xf32, #tpu.memory_space<vmem>> -> memref<1x128x128xf32, #tpu.memory_space<vmem>>
        %dma_start3A_139 = tpu.memref_squeeze %dma_start3A_138 : memref<1x128x128xf32, #tpu.memory_space<vmem>> -> memref<128x128xf32, #tpu.memory_space<vmem>>
        %dma_start3A_140 = arith.constant 0 : i32
        %dma_start3A_141 = tpu.memref_slice %arg7[%while3A_108, %dma_start3A_140] : memref<40x128xi32, #tpu.memory_space<vmem>> -> memref<1x128xi32, #tpu.memory_space<vmem>>
        %dma_start3A_142 = tpu.memref_squeeze %dma_start3A_141 : memref<1x128xi32, #tpu.memory_space<vmem>> -> memref<128xi32, #tpu.memory_space<vmem>>
        %dma_start3A_143 = arith.constant 0 : i32
        %dma_start3A_144 = arith.constant 0 : i32
        %dma_start3A_145 = tpu.memref_slice %arg9[%dma_start3A_143, %dma_start3A_144] : memref<10240x128xf32, #tpu.memory_space<vmem_shared>> -> memref<10240x128xf32, #tpu.memory_space<vmem_shared>>
        %dma_start3A_146 = tpu.memref_slice %arg11[%select_n3A_124] : memref<2x!tpu.dma_semaphore, #tpu.memory_space<semaphore_mem>> -> memref<1x!tpu.dma_semaphore, #tpu.memory_space<semaphore_mem>>
        %dma_start3A_147 = tpu.memref_squeeze %dma_start3A_146 : memref<1x!tpu.dma_semaphore, #tpu.memory_space<semaphore_mem>> -> memref<!tpu.dma_semaphore, #tpu.memory_space<semaphore_mem>>
        tpu.enqueue_indirect_dma source(%dma_start3A_139 : memref<128x128xf32, #tpu.memory_space<vmem>>) target(%dma_start3A_145 : memref<10240x128xf32, #tpu.memory_space<vmem_shared>>) offsets(%dma_start3A_142 : memref<128xi32, #tpu.memory_space<vmem>>) semaphore(%dma_start3A_147 : memref<!tpu.dma_semaphore, #tpu.memory_space<semaphore_mem>>) {add = true}
        %dma_wait3A_148 = arith.constant 0 : i32
        %dma_wait3A_149 = arith.constant 0 : i32
        %dma_wait3A_150 = tpu.memref_slice %arg8[%select_n3A_124, %dma_wait3A_148, %dma_wait3A_149] : memref<2x128x128xf32, #tpu.memory_space<vmem>> -> memref<1x128x128xf32, #tpu.memory_space<vmem>>
        %dma_wait3A_151 = tpu.memref_squeeze %dma_wait3A_150 : memref<1x128x128xf32, #tpu.memory_space<vmem>> -> memref<128x128xf32, #tpu.memory_space<vmem>>
        %dma_wait3A_152 = arith.constant 0 : i32
        %dma_wait3A_153 = tpu.memref_slice %arg7[%while3A_108, %dma_wait3A_152] : memref<40x128xi32, #tpu.memory_space<vmem>> -> memref<1x128xi32, #tpu.memory_space<vmem>>
        %dma_wait3A_154 = tpu.memref_squeeze %dma_wait3A_153 : memref<1x128xi32, #tpu.memory_space<vmem>> -> memref<128xi32, #tpu.memory_space<vmem>>
        %dma_wait3A_155 = arith.constant 0 : i32
        %dma_wait3A_156 = arith.constant 0 : i32
        %dma_wait3A_157 = tpu.memref_slice %arg9[%dma_wait3A_155, %dma_wait3A_156] : memref<10240x128xf32, #tpu.memory_space<vmem_shared>> -> memref<10240x128xf32, #tpu.memory_space<vmem_shared>>
        %dma_wait3A_158 = tpu.memref_slice %arg11[%select_n3A_124] : memref<2x!tpu.dma_semaphore, #tpu.memory_space<semaphore_mem>> -> memref<1x!tpu.dma_semaphore, #tpu.memory_space<semaphore_mem>>
        %dma_wait3A_159 = tpu.memref_squeeze %dma_wait3A_158 : memref<1x!tpu.dma_semaphore, #tpu.memory_space<semaphore_mem>> -> memref<!tpu.dma_semaphore, #tpu.memory_space<semaphore_mem>>
        tpu.wait_indirect_dma semaphore(%dma_wait3A_159 : memref<!tpu.dma_semaphore, #tpu.memory_space<semaphore_mem>>) src(%dma_wait3A_151 : memref<128x128xf32, #tpu.memory_space<vmem>>) dst(%dma_wait3A_157 : memref<10240x128xf32, #tpu.memory_space<vmem_shared>>)
      }
    } else {
    }
    %add3A_45 = arith.addi %multiple_of3A_14, %multiple_of3A_41 : i32
    %gt3A_46 = arith.constant 0 : i32
    %gt3A_47 = arith.cmpi sgt, %sub3A_42, %gt3A_46 : i32
    %convert_element_type3A_48 = arith.extui %gt3A_47 : i1 to i32
    %cond3A_49 = arith.constant 0 : i32
    %cond3A_50 = arith.cmpi ne, %convert_element_type3A_48, %cond3A_49 : i32
    scf.if %cond3A_50 {
      %run_scoped3A = arith.constant 0 : i32
      "tpu.region"() ({
        %run_scoped3A_108 = tpu.sem_alloc : memref<!tpu.dma_semaphore, #tpu.memory_space<semaphore_mem>>
        %dma_start3A_109 = arith.constant 0 : i32
        %dma_start3A_110 = arith.constant 0 : i32
        %dma_start3A_111 = tpu.memref_slice %arg6[%dma_start3A_109, %dma_start3A_110] : memref<40x128xi32, #tpu.memory_space<vmem>> -> memref<40x128xi32, #tpu.memory_space<vmem>>
        %dma_start3A_112 = arith.constant 0 : i32
        %dma_start3A_113 = tpu.memref_slice %arg3[%run_scoped3A, %add3A_45, %dma_start3A_112] : memref<2x2544x128xi32, #tpu.memory_space<hbm>> -> memref<1x40x128xi32, #tpu.memory_space<hbm>>
        %dma_start3A_114 = tpu.memref_squeeze %dma_start3A_113 : memref<1x40x128xi32, #tpu.memory_space<hbm>> -> memref<40x128xi32, #tpu.memory_space<hbm>>
        %dma_start3A_115 = arith.constant 0 : i32
        %dma_start3A_116 = arith.constant 0 : i32
        %dma_start3A_117 = tpu.memref_slice %arg6[%dma_start3A_115, %dma_start3A_116] : memref<40x128xi32, #tpu.memory_space<vmem>> -> memref<40x128xi32, #tpu.memory_space<vmem>>
        %dma_start3A_118 = arith.constant 0 : i32
        %dma_start3A_119 = tpu.memref_slice %arg3[%run_scoped3A, %add3A_45, %dma_start3A_118] : memref<2x2544x128xi32, #tpu.memory_space<hbm>> -> memref<1x40x128xi32, #tpu.memory_space<hbm>>
        %dma_start3A_120 = tpu.memref_squeeze %dma_start3A_119 : memref<1x40x128xi32, #tpu.memory_space<hbm>> -> memref<40x128xi32, #tpu.memory_space<hbm>>
        tpu.enqueue_dma source(%dma_start3A_120 : memref<40x128xi32, #tpu.memory_space<hbm>>) target(%dma_start3A_117 : memref<40x128xi32, #tpu.memory_space<vmem>>) target_semaphore(%run_scoped3A_108 : memref<!tpu.dma_semaphore, #tpu.memory_space<semaphore_mem>>)
        %dma_wait3A = arith.constant 0 : i32
        %dma_wait3A_121 = arith.constant 0 : i32
        %dma_wait3A_122 = tpu.memref_slice %arg6[%dma_wait3A, %dma_wait3A_121] : memref<40x128xi32, #tpu.memory_space<vmem>> -> memref<40x128xi32, #tpu.memory_space<vmem>>
        %dma_wait3A_123 = arith.constant 0 : i32
        %dma_wait3A_124 = tpu.memref_slice %arg3[%run_scoped3A, %add3A_45, %dma_wait3A_123] : memref<2x2544x128xi32, #tpu.memory_space<hbm>> -> memref<1x40x128xi32, #tpu.memory_space<hbm>>
        %dma_wait3A_125 = tpu.memref_squeeze %dma_wait3A_124 : memref<1x40x128xi32, #tpu.memory_space<hbm>> -> memref<40x128xi32, #tpu.memory_space<hbm>>
        %dma_wait3A_126 = arith.constant 0 : i32
        %dma_wait3A_127 = arith.constant 0 : i32
        %dma_wait3A_128 = tpu.memref_slice %arg6[%dma_wait3A_126, %dma_wait3A_127] : memref<40x128xi32, #tpu.memory_space<vmem>> -> memref<40x128xi32, #tpu.memory_space<vmem>>
        %dma_wait3A_129 = arith.constant 0 : i32
        %dma_wait3A_130 = tpu.memref_slice %arg3[%run_scoped3A, %add3A_45, %dma_wait3A_129] : memref<2x2544x128xi32, #tpu.memory_space<hbm>> -> memref<1x40x128xi32, #tpu.memory_space<hbm>>
        %dma_wait3A_131 = tpu.memref_squeeze %dma_wait3A_130 : memref<1x40x128xi32, #tpu.memory_space<hbm>> -> memref<40x128xi32, #tpu.memory_space<hbm>>
        tpu.wait_dma2 semaphore(%run_scoped3A_108 : memref<!tpu.dma_semaphore, #tpu.memory_space<semaphore_mem>>) src(%dma_wait3A_131 : memref<40x128xi32, #tpu.memory_space<hbm>>) dst(%dma_wait3A_128 : memref<40x128xi32, #tpu.memory_space<vmem>>)
        tpu.yield
      }) : () -> ()
      %run_scoped3A_56 = arith.constant 1 : i32
      "tpu.region"() ({
        %run_scoped3A_108 = tpu.sem_alloc : memref<!tpu.dma_semaphore, #tpu.memory_space<semaphore_mem>>
        %dma_start3A_109 = arith.constant 0 : i32
        %dma_start3A_110 = arith.constant 0 : i32
        %dma_start3A_111 = tpu.memref_slice %arg7[%dma_start3A_109, %dma_start3A_110] : memref<40x128xi32, #tpu.memory_space<vmem>> -> memref<40x128xi32, #tpu.memory_space<vmem>>
        %dma_start3A_112 = arith.constant 0 : i32
        %dma_start3A_113 = tpu.memref_slice %arg3[%run_scoped3A_56, %add3A_45, %dma_start3A_112] : memref<2x2544x128xi32, #tpu.memory_space<hbm>> -> memref<1x40x128xi32, #tpu.memory_space<hbm>>
        %dma_start3A_114 = tpu.memref_squeeze %dma_start3A_113 : memref<1x40x128xi32, #tpu.memory_space<hbm>> -> memref<40x128xi32, #tpu.memory_space<hbm>>
        %dma_start3A_115 = arith.constant 0 : i32
        %dma_start3A_116 = arith.constant 0 : i32
        %dma_start3A_117 = tpu.memref_slice %arg7[%dma_start3A_115, %dma_start3A_116] : memref<40x128xi32, #tpu.memory_space<vmem>> -> memref<40x128xi32, #tpu.memory_space<vmem>>
        %dma_start3A_118 = arith.constant 0 : i32
        %dma_start3A_119 = tpu.memref_slice %arg3[%run_scoped3A_56, %add3A_45, %dma_start3A_118] : memref<2x2544x128xi32, #tpu.memory_space<hbm>> -> memref<1x40x128xi32, #tpu.memory_space<hbm>>
        %dma_start3A_120 = tpu.memref_squeeze %dma_start3A_119 : memref<1x40x128xi32, #tpu.memory_space<hbm>> -> memref<40x128xi32, #tpu.memory_space<hbm>>
        tpu.enqueue_dma source(%dma_start3A_120 : memref<40x128xi32, #tpu.memory_space<hbm>>) target(%dma_start3A_117 : memref<40x128xi32, #tpu.memory_space<vmem>>) target_semaphore(%run_scoped3A_108 : memref<!tpu.dma_semaphore, #tpu.memory_space<semaphore_mem>>)
        %dma_wait3A = arith.constant 0 : i32
        %dma_wait3A_121 = arith.constant 0 : i32
        %dma_wait3A_122 = tpu.memref_slice %arg7[%dma_wait3A, %dma_wait3A_121] : memref<40x128xi32, #tpu.memory_space<vmem>> -> memref<40x128xi32, #tpu.memory_space<vmem>>
        %dma_wait3A_123 = arith.constant 0 : i32
        %dma_wait3A_124 = tpu.memref_slice %arg3[%run_scoped3A_56, %add3A_45, %dma_wait3A_123] : memref<2x2544x128xi32, #tpu.memory_space<hbm>> -> memref<1x40x128xi32, #tpu.memory_space<hbm>>
        %dma_wait3A_125 = tpu.memref_squeeze %dma_wait3A_124 : memref<1x40x128xi32, #tpu.memory_space<hbm>> -> memref<40x128xi32, #tpu.memory_space<hbm>>
        %dma_wait3A_126 = arith.constant 0 : i32
        %dma_wait3A_127 = arith.constant 0 : i32
        %dma_wait3A_128 = tpu.memref_slice %arg7[%dma_wait3A_126, %dma_wait3A_127] : memref<40x128xi32, #tpu.memory_space<vmem>> -> memref<40x128xi32, #tpu.memory_space<vmem>>
        %dma_wait3A_129 = arith.constant 0 : i32
        %dma_wait3A_130 = tpu.memref_slice %arg3[%run_scoped3A_56, %add3A_45, %dma_wait3A_129] : memref<2x2544x128xi32, #tpu.memory_space<hbm>> -> memref<1x40x128xi32, #tpu.memory_space<hbm>>
        %dma_wait3A_131 = tpu.memref_squeeze %dma_wait3A_130 : memref<1x40x128xi32, #tpu.memory_space<hbm>> -> memref<40x128xi32, #tpu.memory_space<hbm>>
        tpu.wait_dma2 semaphore(%run_scoped3A_108 : memref<!tpu.dma_semaphore, #tpu.memory_space<semaphore_mem>>) src(%dma_wait3A_131 : memref<40x128xi32, #tpu.memory_space<hbm>>) dst(%dma_wait3A_128 : memref<40x128xi32, #tpu.memory_space<vmem>>)
        tpu.yield
      }) : () -> ()
      %dma_start3A = arith.constant 0 : i32
      %dma_start3A_57 = arith.constant 0 : i32
      %dma_start3A_58 = arith.constant 0 : i32
      %dma_start3A_59 = arith.constant 0 : i32
      %dma_start3A_60 = arith.constant 0 : i32
      %dma_start3A_61 = tpu.memref_slice %arg8[%dma_start3A_57, %dma_start3A_59, %dma_start3A_60] : memref<2x128x128xf32, #tpu.memory_space<vmem>> -> memref<1x128x128xf32, #tpu.memory_space<vmem>>
      %dma_start3A_62 = tpu.memref_squeeze %dma_start3A_61 : memref<1x128x128xf32, #tpu.memory_space<vmem>> -> memref<128x128xf32, #tpu.memory_space<vmem>>
      %dma_start3A_63 = arith.constant 0 : i32
      %dma_start3A_64 = tpu.memref_slice %arg6[%dma_start3A, %dma_start3A_63] : memref<40x128xi32, #tpu.memory_space<vmem>> -> memref<1x128xi32, #tpu.memory_space<vmem>>
      %dma_start3A_65 = tpu.memref_squeeze %dma_start3A_64 : memref<1x128xi32, #tpu.memory_space<vmem>> -> memref<128xi32, #tpu.memory_space<vmem>>
      %dma_start3A_66 = arith.constant 0 : i32
      %dma_start3A_67 = arith.constant 0 : i32
      %dma_start3A_68 = tpu.memref_slice %arg2[%dma_start3A_66, %dma_start3A_67] : memref<10240x128xf32, #tpu.memory_space<hbm>> -> memref<10240x128xf32, #tpu.memory_space<hbm>>
      %dma_start3A_69 = tpu.memref_slice %arg10[%dma_start3A_58] : memref<2x!tpu.dma_semaphore, #tpu.memory_space<semaphore_mem>> -> memref<1x!tpu.dma_semaphore, #tpu.memory_space<semaphore_mem>>
      %dma_start3A_70 = tpu.memref_squeeze %dma_start3A_69 : memref<1x!tpu.dma_semaphore, #tpu.memory_space<semaphore_mem>> -> memref<!tpu.dma_semaphore, #tpu.memory_space<semaphore_mem>>
      tpu.enqueue_indirect_dma source(%dma_start3A_68 : memref<10240x128xf32, #tpu.memory_space<hbm>>) target(%dma_start3A_62 : memref<128x128xf32, #tpu.memory_space<vmem>>) offsets(%dma_start3A_65 : memref<128xi32, #tpu.memory_space<vmem>>) semaphore(%dma_start3A_70 : memref<!tpu.dma_semaphore, #tpu.memory_space<semaphore_mem>>)
      %dma_start3A_71 = arith.constant 1 : i32
      %dma_start3A_72 = arith.constant 1 : i32
      %dma_start3A_73 = arith.constant 1 : i32
      %dma_start3A_74 = arith.constant 0 : i32
      %dma_start3A_75 = arith.constant 0 : i32
      %dma_start3A_76 = tpu.memref_slice %arg8[%dma_start3A_72, %dma_start3A_74, %dma_start3A_75] : memref<2x128x128xf32, #tpu.memory_space<vmem>> -> memref<1x128x128xf32, #tpu.memory_space<vmem>>
      %dma_start3A_77 = tpu.memref_squeeze %dma_start3A_76 : memref<1x128x128xf32, #tpu.memory_space<vmem>> -> memref<128x128xf32, #tpu.memory_space<vmem>>
      %dma_start3A_78 = arith.constant 0 : i32
      %dma_start3A_79 = tpu.memref_slice %arg6[%dma_start3A_71, %dma_start3A_78] : memref<40x128xi32, #tpu.memory_space<vmem>> -> memref<1x128xi32, #tpu.memory_space<vmem>>
      %dma_start3A_80 = tpu.memref_squeeze %dma_start3A_79 : memref<1x128xi32, #tpu.memory_space<vmem>> -> memref<128xi32, #tpu.memory_space<vmem>>
      %dma_start3A_81 = arith.constant 0 : i32
      %dma_start3A_82 = arith.constant 0 : i32
      %dma_start3A_83 = tpu.memref_slice %arg2[%dma_start3A_81, %dma_start3A_82] : memref<10240x128xf32, #tpu.memory_space<hbm>> -> memref<10240x128xf32, #tpu.memory_space<hbm>>
      %dma_start3A_84 = tpu.memref_slice %arg10[%dma_start3A_73] : memref<2x!tpu.dma_semaphore, #tpu.memory_space<semaphore_mem>> -> memref<1x!tpu.dma_semaphore, #tpu.memory_space<semaphore_mem>>
      %dma_start3A_85 = tpu.memref_squeeze %dma_start3A_84 : memref<1x!tpu.dma_semaphore, #tpu.memory_space<semaphore_mem>> -> memref<!tpu.dma_semaphore, #tpu.memory_space<semaphore_mem>>
      tpu.enqueue_indirect_dma source(%dma_start3A_83 : memref<10240x128xf32, #tpu.memory_space<hbm>>) target(%dma_start3A_77 : memref<128x128xf32, #tpu.memory_space<vmem>>) offsets(%dma_start3A_80 : memref<128xi32, #tpu.memory_space<vmem>>) semaphore(%dma_start3A_85 : memref<!tpu.dma_semaphore, #tpu.memory_space<semaphore_mem>>)
      %sub3A_86 = arith.constant 2 : i32
      %sub3A_87 = arith.subi %sub3A_42, %sub3A_86 : i32
      %while3A = arith.constant 0 : i32
      %while3A_88 = arith.constant 0 : i32
      %while3A_89 = arith.subi %sub3A_87, %while3A_88 : i32
      %while3A_90 = arith.addi %while3A_88, %while3A_89 : i32
      %while3A_91 = arith.constant 1 : i32
      %while3A_92 = arith.divsi %while3A_89, %while3A_91 : i32
      %while3A_93 = arith.muli %while3A_92, %while3A_91 : i32
      %while3A_94 = arith.addi %while3A_88, %while3A_93 : i32
      %while3A_95 = arith.constant 1 : i32
      scf.for %while3A_108 = %while3A_88 to %while3A_94 step %while3A_95  : i32 {
        %jit3A_109 = arith.constant 2 : i32
        %eq3A_110 = arith.constant 0 : i32
        %eq3A_111 = arith.cmpi eq, %jit3A_109, %eq3A_110 : i32
        %jit3A_112 = arith.constant 1 : i32
        %select_n3A_113 = arith.select %eq3A_111, %jit3A_112, %jit3A_109 : i32
        %rem3A_114 = arith.remsi %while3A_108, %select_n3A_113 : i32
        %ne3A_115 = arith.constant 0 : i32
        %ne3A_116 = arith.cmpi ne, %rem3A_114, %ne3A_115 : i32
        %lt3A_117 = arith.constant 0 : i32
        %lt3A_118 = arith.cmpi slt, %rem3A_114, %lt3A_117 : i32
        %lt3A_119 = arith.constant 0 : i32
        %lt3A_120 = arith.cmpi slt, %select_n3A_113, %lt3A_119 : i32
        %ne3A_121 = arith.xori %lt3A_118, %lt3A_120 : i1
        %and3A_122 = arith.andi %ne3A_121, %ne3A_116 : i1
        %add3A_123 = arith.addi %rem3A_114, %select_n3A_113 : i32
        %select_n3A_124 = arith.select %and3A_122, %add3A_123, %rem3A_114 : i32
        %dma_wait3A = arith.constant 0 : i32
        %dma_wait3A_125 = arith.constant 0 : i32
        %dma_wait3A_126 = tpu.memref_slice %arg8[%select_n3A_124, %dma_wait3A, %dma_wait3A_125] : memref<2x128x128xf32, #tpu.memory_space<vmem>> -> memref<1x128x128xf32, #tpu.memory_space<vmem>>
        %dma_wait3A_127 = tpu.memref_squeeze %dma_wait3A_126 : memref<1x128x128xf32, #tpu.memory_space<vmem>> -> memref<128x128xf32, #tpu.memory_space<vmem>>
        %dma_wait3A_128 = arith.constant 0 : i32
        %dma_wait3A_129 = tpu.memref_slice %arg6[%while3A_108, %dma_wait3A_128] : memref<40x128xi32, #tpu.memory_space<vmem>> -> memref<1x128xi32, #tpu.memory_space<vmem>>
        %dma_wait3A_130 = tpu.memref_squeeze %dma_wait3A_129 : memref<1x128xi32, #tpu.memory_space<vmem>> -> memref<128xi32, #tpu.memory_space<vmem>>
        %dma_wait3A_131 = arith.constant 0 : i32
        %dma_wait3A_132 = arith.constant 0 : i32
        %dma_wait3A_133 = tpu.memref_slice %arg2[%dma_wait3A_131, %dma_wait3A_132] : memref<10240x128xf32, #tpu.memory_space<hbm>> -> memref<10240x128xf32, #tpu.memory_space<hbm>>
        %dma_wait3A_134 = tpu.memref_slice %arg10[%select_n3A_124] : memref<2x!tpu.dma_semaphore, #tpu.memory_space<semaphore_mem>> -> memref<1x!tpu.dma_semaphore, #tpu.memory_space<semaphore_mem>>
        %dma_wait3A_135 = tpu.memref_squeeze %dma_wait3A_134 : memref<1x!tpu.dma_semaphore, #tpu.memory_space<semaphore_mem>> -> memref<!tpu.dma_semaphore, #tpu.memory_space<semaphore_mem>>
        tpu.wait_indirect_dma semaphore(%dma_wait3A_135 : memref<!tpu.dma_semaphore, #tpu.memory_space<semaphore_mem>>) src(%dma_wait3A_133 : memref<10240x128xf32, #tpu.memory_space<hbm>>) dst(%dma_wait3A_127 : memref<128x128xf32, #tpu.memory_space<vmem>>)
        %dma_start3A_136 = arith.constant 0 : i32
        %dma_start3A_137 = arith.constant 0 : i32
        %dma_start3A_138 = tpu.memref_slice %arg8[%select_n3A_124, %dma_start3A_136, %dma_start3A_137] : memref<2x128x128xf32, #tpu.memory_space<vmem>> -> memref<1x128x128xf32, #tpu.memory_space<vmem>>
        %dma_start3A_139 = tpu.memref_squeeze %dma_start3A_138 : memref<1x128x128xf32, #tpu.memory_space<vmem>> -> memref<128x128xf32, #tpu.memory_space<vmem>>
        %dma_start3A_140 = arith.constant 0 : i32
        %dma_start3A_141 = tpu.memref_slice %arg7[%while3A_108, %dma_start3A_140] : memref<40x128xi32, #tpu.memory_space<vmem>> -> memref<1x128xi32, #tpu.memory_space<vmem>>
        %dma_start3A_142 = tpu.memref_squeeze %dma_start3A_141 : memref<1x128xi32, #tpu.memory_space<vmem>> -> memref<128xi32, #tpu.memory_space<vmem>>
        %dma_start3A_143 = arith.constant 0 : i32
        %dma_start3A_144 = arith.constant 0 : i32
        %dma_start3A_145 = tpu.memref_slice %arg9[%dma_start3A_143, %dma_start3A_144] : memref<10240x128xf32, #tpu.memory_space<vmem_shared>> -> memref<10240x128xf32, #tpu.memory_space<vmem_shared>>
        %dma_start3A_146 = tpu.memref_slice %arg11[%select_n3A_124] : memref<2x!tpu.dma_semaphore, #tpu.memory_space<semaphore_mem>> -> memref<1x!tpu.dma_semaphore, #tpu.memory_space<semaphore_mem>>
        %dma_start3A_147 = tpu.memref_squeeze %dma_start3A_146 : memref<1x!tpu.dma_semaphore, #tpu.memory_space<semaphore_mem>> -> memref<!tpu.dma_semaphore, #tpu.memory_space<semaphore_mem>>
        tpu.enqueue_indirect_dma source(%dma_start3A_139 : memref<128x128xf32, #tpu.memory_space<vmem>>) target(%dma_start3A_145 : memref<10240x128xf32, #tpu.memory_space<vmem_shared>>) offsets(%dma_start3A_142 : memref<128xi32, #tpu.memory_space<vmem>>) semaphore(%dma_start3A_147 : memref<!tpu.dma_semaphore, #tpu.memory_space<semaphore_mem>>) {add = true}
        %dma_wait3A_148 = arith.constant 0 : i32
        %dma_wait3A_149 = arith.constant 0 : i32
        %dma_wait3A_150 = tpu.memref_slice %arg8[%select_n3A_124, %dma_wait3A_148, %dma_wait3A_149] : memref<2x128x128xf32, #tpu.memory_space<vmem>> -> memref<1x128x128xf32, #tpu.memory_space<vmem>>
        %dma_wait3A_151 = tpu.memref_squeeze %dma_wait3A_150 : memref<1x128x128xf32, #tpu.memory_space<vmem>> -> memref<128x128xf32, #tpu.memory_space<vmem>>
        %dma_wait3A_152 = arith.constant 0 : i32
        %dma_wait3A_153 = tpu.memref_slice %arg7[%while3A_108, %dma_wait3A_152] : memref<40x128xi32, #tpu.memory_space<vmem>> -> memref<1x128xi32, #tpu.memory_space<vmem>>
        %dma_wait3A_154 = tpu.memref_squeeze %dma_wait3A_153 : memref<1x128xi32, #tpu.memory_space<vmem>> -> memref<128xi32, #tpu.memory_space<vmem>>
        %dma_wait3A_155 = arith.constant 0 : i32
        %dma_wait3A_156 = arith.constant 0 : i32
        %dma_wait3A_157 = tpu.memref_slice %arg9[%dma_wait3A_155, %dma_wait3A_156] : memref<10240x128xf32, #tpu.memory_space<vmem_shared>> -> memref<10240x128xf32, #tpu.memory_space<vmem_shared>>
        %dma_wait3A_158 = tpu.memref_slice %arg11[%select_n3A_124] : memref<2x!tpu.dma_semaphore, #tpu.memory_space<semaphore_mem>> -> memref<1x!tpu.dma_semaphore, #tpu.memory_space<semaphore_mem>>
        %dma_wait3A_159 = tpu.memref_squeeze %dma_wait3A_158 : memref<1x!tpu.dma_semaphore, #tpu.memory_space<semaphore_mem>> -> memref<!tpu.dma_semaphore, #tpu.memory_space<semaphore_mem>>
        tpu.wait_indirect_dma semaphore(%dma_wait3A_159 : memref<!tpu.dma_semaphore, #tpu.memory_space<semaphore_mem>>) src(%dma_wait3A_151 : memref<128x128xf32, #tpu.memory_space<vmem>>) dst(%dma_wait3A_157 : memref<10240x128xf32, #tpu.memory_space<vmem_shared>>)
        %add3A_160 = arith.constant 2 : i32
        %add3A_161 = arith.addi %while3A_108, %add3A_160 : i32
        %dma_start3A_162 = arith.constant 0 : i32
        %dma_start3A_163 = arith.constant 0 : i32
        %dma_start3A_164 = tpu.memref_slice %arg8[%select_n3A_124, %dma_start3A_162, %dma_start3A_163] : memref<2x128x128xf32, #tpu.memory_space<vmem>> -> memref<1x128x128xf32, #tpu.memory_space<vmem>>
        %dma_start3A_165 = tpu.memref_squeeze %dma_start3A_164 : memref<1x128x128xf32, #tpu.memory_space<vmem>> -> memref<128x128xf32, #tpu.memory_space<vmem>>
        %dma_start3A_166 = arith.constant 0 : i32
        %dma_start3A_167 = tpu.memref_slice %arg6[%add3A_161, %dma_start3A_166] : memref<40x128xi32, #tpu.memory_space<vmem>> -> memref<1x128xi32, #tpu.memory_space<vmem>>
        %dma_start3A_168 = tpu.memref_squeeze %dma_start3A_167 : memref<1x128xi32, #tpu.memory_space<vmem>> -> memref<128xi32, #tpu.memory_space<vmem>>
        %dma_start3A_169 = arith.constant 0 : i32
        %dma_start3A_170 = arith.constant 0 : i32
        %dma_start3A_171 = tpu.memref_slice %arg2[%dma_start3A_169, %dma_start3A_170] : memref<10240x128xf32, #tpu.memory_space<hbm>> -> memref<10240x128xf32, #tpu.memory_space<hbm>>
        %dma_start3A_172 = tpu.memref_slice %arg10[%select_n3A_124] : memref<2x!tpu.dma_semaphore, #tpu.memory_space<semaphore_mem>> -> memref<1x!tpu.dma_semaphore, #tpu.memory_space<semaphore_mem>>
        %dma_start3A_173 = tpu.memref_squeeze %dma_start3A_172 : memref<1x!tpu.dma_semaphore, #tpu.memory_space<semaphore_mem>> -> memref<!tpu.dma_semaphore, #tpu.memory_space<semaphore_mem>>
        tpu.enqueue_indirect_dma source(%dma_start3A_171 : memref<10240x128xf32, #tpu.memory_space<hbm>>) target(%dma_start3A_165 : memref<128x128xf32, #tpu.memory_space<vmem>>) offsets(%dma_start3A_168 : memref<128xi32, #tpu.memory_space<vmem>>) semaphore(%dma_start3A_173 : memref<!tpu.dma_semaphore, #tpu.memory_space<semaphore_mem>>)
      }
      %while3A_96 = arith.constant 1 : i32
      scf.for %while3A_108 = %while3A_94 to %while3A_90 step %while3A_96  : i32 {
        %jit3A_109 = arith.constant 2 : i32
        %eq3A_110 = arith.constant 0 : i32
        %eq3A_111 = arith.cmpi eq, %jit3A_109, %eq3A_110 : i32
        %jit3A_112 = arith.constant 1 : i32
        %select_n3A_113 = arith.select %eq3A_111, %jit3A_112, %jit3A_109 : i32
        %rem3A_114 = arith.remsi %while3A_108, %select_n3A_113 : i32
        %ne3A_115 = arith.constant 0 : i32
        %ne3A_116 = arith.cmpi ne, %rem3A_114, %ne3A_115 : i32
        %lt3A_117 = arith.constant 0 : i32
        %lt3A_118 = arith.cmpi slt, %rem3A_114, %lt3A_117 : i32
        %lt3A_119 = arith.constant 0 : i32
        %lt3A_120 = arith.cmpi slt, %select_n3A_113, %lt3A_119 : i32
        %ne3A_121 = arith.xori %lt3A_118, %lt3A_120 : i1
        %and3A_122 = arith.andi %ne3A_121, %ne3A_116 : i1
        %add3A_123 = arith.addi %rem3A_114, %select_n3A_113 : i32
        %select_n3A_124 = arith.select %and3A_122, %add3A_123, %rem3A_114 : i32
        %dma_wait3A = arith.constant 0 : i32
        %dma_wait3A_125 = arith.constant 0 : i32
        %dma_wait3A_126 = tpu.memref_slice %arg8[%select_n3A_124, %dma_wait3A, %dma_wait3A_125] : memref<2x128x128xf32, #tpu.memory_space<vmem>> -> memref<1x128x128xf32, #tpu.memory_space<vmem>>
        %dma_wait3A_127 = tpu.memref_squeeze %dma_wait3A_126 : memref<1x128x128xf32, #tpu.memory_space<vmem>> -> memref<128x128xf32, #tpu.memory_space<vmem>>
        %dma_wait3A_128 = arith.constant 0 : i32
        %dma_wait3A_129 = tpu.memref_slice %arg6[%while3A_108, %dma_wait3A_128] : memref<40x128xi32, #tpu.memory_space<vmem>> -> memref<1x128xi32, #tpu.memory_space<vmem>>
        %dma_wait3A_130 = tpu.memref_squeeze %dma_wait3A_129 : memref<1x128xi32, #tpu.memory_space<vmem>> -> memref<128xi32, #tpu.memory_space<vmem>>
        %dma_wait3A_131 = arith.constant 0 : i32
        %dma_wait3A_132 = arith.constant 0 : i32
        %dma_wait3A_133 = tpu.memref_slice %arg2[%dma_wait3A_131, %dma_wait3A_132] : memref<10240x128xf32, #tpu.memory_space<hbm>> -> memref<10240x128xf32, #tpu.memory_space<hbm>>
        %dma_wait3A_134 = tpu.memref_slice %arg10[%select_n3A_124] : memref<2x!tpu.dma_semaphore, #tpu.memory_space<semaphore_mem>> -> memref<1x!tpu.dma_semaphore, #tpu.memory_space<semaphore_mem>>
        %dma_wait3A_135 = tpu.memref_squeeze %dma_wait3A_134 : memref<1x!tpu.dma_semaphore, #tpu.memory_space<semaphore_mem>> -> memref<!tpu.dma_semaphore, #tpu.memory_space<semaphore_mem>>
        tpu.wait_indirect_dma semaphore(%dma_wait3A_135 : memref<!tpu.dma_semaphore, #tpu.memory_space<semaphore_mem>>) src(%dma_wait3A_133 : memref<10240x128xf32, #tpu.memory_space<hbm>>) dst(%dma_wait3A_127 : memref<128x128xf32, #tpu.memory_space<vmem>>)
        %dma_start3A_136 = arith.constant 0 : i32
        %dma_start3A_137 = arith.constant 0 : i32
        %dma_start3A_138 = tpu.memref_slice %arg8[%select_n3A_124, %dma_start3A_136, %dma_start3A_137] : memref<2x128x128xf32, #tpu.memory_space<vmem>> -> memref<1x128x128xf32, #tpu.memory_space<vmem>>
        %dma_start3A_139 = tpu.memref_squeeze %dma_start3A_138 : memref<1x128x128xf32, #tpu.memory_space<vmem>> -> memref<128x128xf32, #tpu.memory_space<vmem>>
        %dma_start3A_140 = arith.constant 0 : i32
        %dma_start3A_141 = tpu.memref_slice %arg7[%while3A_108, %dma_start3A_140] : memref<40x128xi32, #tpu.memory_space<vmem>> -> memref<1x128xi32, #tpu.memory_space<vmem>>
        %dma_start3A_142 = tpu.memref_squeeze %dma_start3A_141 : memref<1x128xi32, #tpu.memory_space<vmem>> -> memref<128xi32, #tpu.memory_space<vmem>>
        %dma_start3A_143 = arith.constant 0 : i32
        %dma_start3A_144 = arith.constant 0 : i32
        %dma_start3A_145 = tpu.memref_slice %arg9[%dma_start3A_143, %dma_start3A_144] : memref<10240x128xf32, #tpu.memory_space<vmem_shared>> -> memref<10240x128xf32, #tpu.memory_space<vmem_shared>>
        %dma_start3A_146 = tpu.memref_slice %arg11[%select_n3A_124] : memref<2x!tpu.dma_semaphore, #tpu.memory_space<semaphore_mem>> -> memref<1x!tpu.dma_semaphore, #tpu.memory_space<semaphore_mem>>
        %dma_start3A_147 = tpu.memref_squeeze %dma_start3A_146 : memref<1x!tpu.dma_semaphore, #tpu.memory_space<semaphore_mem>> -> memref<!tpu.dma_semaphore, #tpu.memory_space<semaphore_mem>>
        tpu.enqueue_indirect_dma source(%dma_start3A_139 : memref<128x128xf32, #tpu.memory_space<vmem>>) target(%dma_start3A_145 : memref<10240x128xf32, #tpu.memory_space<vmem_shared>>) offsets(%dma_start3A_142 : memref<128xi32, #tpu.memory_space<vmem>>) semaphore(%dma_start3A_147 : memref<!tpu.dma_semaphore, #tpu.memory_space<semaphore_mem>>) {add = true}
        %dma_wait3A_148 = arith.constant 0 : i32
        %dma_wait3A_149 = arith.constant 0 : i32
        %dma_wait3A_150 = tpu.memref_slice %arg8[%select_n3A_124, %dma_wait3A_148, %dma_wait3A_149] : memref<2x128x128xf32, #tpu.memory_space<vmem>> -> memref<1x128x128xf32, #tpu.memory_space<vmem>>
        %dma_wait3A_151 = tpu.memref_squeeze %dma_wait3A_150 : memref<1x128x128xf32, #tpu.memory_space<vmem>> -> memref<128x128xf32, #tpu.memory_space<vmem>>
        %dma_wait3A_152 = arith.constant 0 : i32
        %dma_wait3A_153 = tpu.memref_slice %arg7[%while3A_108, %dma_wait3A_152] : memref<40x128xi32, #tpu.memory_space<vmem>> -> memref<1x128xi32, #tpu.memory_space<vmem>>
        %dma_wait3A_154 = tpu.memref_squeeze %dma_wait3A_153 : memref<1x128xi32, #tpu.memory_space<vmem>> -> memref<128xi32, #tpu.memory_space<vmem>>
        %dma_wait3A_155 = arith.constant 0 : i32
        %dma_wait3A_156 = arith.constant 0 : i32
        %dma_wait3A_157 = tpu.memref_slice %arg9[%dma_wait3A_155, %dma_wait3A_156] : memref<10240x128xf32, #tpu.memory_space<vmem_shared>> -> memref<10240x128xf32, #tpu.memory_space<vmem_shared>>
        %dma_wait3A_158 = tpu.memref_slice %arg11[%select_n3A_124] : memref<2x!tpu.dma_semaphore, #tpu.memory_space<semaphore_mem>> -> memref<1x!tpu.dma_semaphore, #tpu.memory_space<semaphore_mem>>
        %dma_wait3A_159 = tpu.memref_squeeze %dma_wait3A_158 : memref<1x!tpu.dma_semaphore, #tpu.memory_space<semaphore_mem>> -> memref<!tpu.dma_semaphore, #tpu.memory_space<semaphore_mem>>
        tpu.wait_indirect_dma semaphore(%dma_wait3A_159 : memref<!tpu.dma_semaphore, #tpu.memory_space<semaphore_mem>>) src(%dma_wait3A_151 : memref<128x128xf32, #tpu.memory_space<vmem>>) dst(%dma_wait3A_157 : memref<10240x128xf32, #tpu.memory_space<vmem_shared>>)
        %add3A_160 = arith.constant 2 : i32
        %add3A_161 = arith.addi %while3A_108, %add3A_160 : i32
        %dma_start3A_162 = arith.constant 0 : i32
        %dma_start3A_163 = arith.constant 0 : i32
        %dma_start3A_164 = tpu.memref_slice %arg8[%select_n3A_124, %dma_start3A_162, %dma_start3A_163] : memref<2x128x128xf32, #tpu.memory_space<vmem>> -> memref<1x128x128xf32, #tpu.memory_space<vmem>>
        %dma_start3A_165 = tpu.memref_squeeze %dma_start3A_164 : memref<1x128x128xf32, #tpu.memory_space<vmem>> -> memref<128x128xf32, #tpu.memory_space<vmem>>
        %dma_start3A_166 = arith.constant 0 : i32
        %dma_start3A_167 = tpu.memref_slice %arg6[%add3A_161, %dma_start3A_166] : memref<40x128xi32, #tpu.memory_space<vmem>> -> memref<1x128xi32, #tpu.memory_space<vmem>>
        %dma_start3A_168 = tpu.memref_squeeze %dma_start3A_167 : memref<1x128xi32, #tpu.memory_space<vmem>> -> memref<128xi32, #tpu.memory_space<vmem>>
        %dma_start3A_169 = arith.constant 0 : i32
        %dma_start3A_170 = arith.constant 0 : i32
        %dma_start3A_171 = tpu.memref_slice %arg2[%dma_start3A_169, %dma_start3A_170] : memref<10240x128xf32, #tpu.memory_space<hbm>> -> memref<10240x128xf32, #tpu.memory_space<hbm>>
        %dma_start3A_172 = tpu.memref_slice %arg10[%select_n3A_124] : memref<2x!tpu.dma_semaphore, #tpu.memory_space<semaphore_mem>> -> memref<1x!tpu.dma_semaphore, #tpu.memory_space<semaphore_mem>>
        %dma_start3A_173 = tpu.memref_squeeze %dma_start3A_172 : memref<1x!tpu.dma_semaphore, #tpu.memory_space<semaphore_mem>> -> memref<!tpu.dma_semaphore, #tpu.memory_space<semaphore_mem>>
        tpu.enqueue_indirect_dma source(%dma_start3A_171 : memref<10240x128xf32, #tpu.memory_space<hbm>>) target(%dma_start3A_165 : memref<128x128xf32, #tpu.memory_space<vmem>>) offsets(%dma_start3A_168 : memref<128xi32, #tpu.memory_space<vmem>>) semaphore(%dma_start3A_173 : memref<!tpu.dma_semaphore, #tpu.memory_space<semaphore_mem>>)
      }
      %sub3A_97 = arith.constant 2 : i32
      %sub3A_98 = arith.subi %sub3A_42, %sub3A_97 : i32
      %while3A_99 = arith.constant 0 : i32
      %while3A_100 = arith.subi %sub3A_42, %sub3A_98 : i32
      %while3A_101 = arith.addi %sub3A_98, %while3A_100 : i32
      %while3A_102 = arith.constant 1 : i32
      %while3A_103 = arith.divsi %while3A_100, %while3A_102 : i32
      %while3A_104 = arith.muli %while3A_103, %while3A_102 : i32
      %while3A_105 = arith.addi %sub3A_98, %while3A_104 : i32
      %while3A_106 = arith.constant 1 : i32
      scf.for %while3A_108 = %sub3A_98 to %while3A_105 step %while3A_106  : i32 {
        %jit3A_109 = arith.constant 2 : i32
        %eq3A_110 = arith.constant 0 : i32
        %eq3A_111 = arith.cmpi eq, %jit3A_109, %eq3A_110 : i32
        %jit3A_112 = arith.constant 1 : i32
        %select_n3A_113 = arith.select %eq3A_111, %jit3A_112, %jit3A_109 : i32
        %rem3A_114 = arith.remsi %while3A_108, %select_n3A_113 : i32
        %ne3A_115 = arith.constant 0 : i32
        %ne3A_116 = arith.cmpi ne, %rem3A_114, %ne3A_115 : i32
        %lt3A_117 = arith.constant 0 : i32
        %lt3A_118 = arith.cmpi slt, %rem3A_114, %lt3A_117 : i32
        %lt3A_119 = arith.constant 0 : i32
        %lt3A_120 = arith.cmpi slt, %select_n3A_113, %lt3A_119 : i32
        %ne3A_121 = arith.xori %lt3A_118, %lt3A_120 : i1
        %and3A_122 = arith.andi %ne3A_121, %ne3A_116 : i1
        %add3A_123 = arith.addi %rem3A_114, %select_n3A_113 : i32
        %select_n3A_124 = arith.select %and3A_122, %add3A_123, %rem3A_114 : i32
        %dma_wait3A = arith.constant 0 : i32
        %dma_wait3A_125 = arith.constant 0 : i32
        %dma_wait3A_126 = tpu.memref_slice %arg8[%select_n3A_124, %dma_wait3A, %dma_wait3A_125] : memref<2x128x128xf32, #tpu.memory_space<vmem>> -> memref<1x128x128xf32, #tpu.memory_space<vmem>>
        %dma_wait3A_127 = tpu.memref_squeeze %dma_wait3A_126 : memref<1x128x128xf32, #tpu.memory_space<vmem>> -> memref<128x128xf32, #tpu.memory_space<vmem>>
        %dma_wait3A_128 = arith.constant 0 : i32
        %dma_wait3A_129 = tpu.memref_slice %arg6[%while3A_108, %dma_wait3A_128] : memref<40x128xi32, #tpu.memory_space<vmem>> -> memref<1x128xi32, #tpu.memory_space<vmem>>
        %dma_wait3A_130 = tpu.memref_squeeze %dma_wait3A_129 : memref<1x128xi32, #tpu.memory_space<vmem>> -> memref<128xi32, #tpu.memory_space<vmem>>
        %dma_wait3A_131 = arith.constant 0 : i32
        %dma_wait3A_132 = arith.constant 0 : i32
        %dma_wait3A_133 = tpu.memref_slice %arg2[%dma_wait3A_131, %dma_wait3A_132] : memref<10240x128xf32, #tpu.memory_space<hbm>> -> memref<10240x128xf32, #tpu.memory_space<hbm>>
        %dma_wait3A_134 = tpu.memref_slice %arg10[%select_n3A_124] : memref<2x!tpu.dma_semaphore, #tpu.memory_space<semaphore_mem>> -> memref<1x!tpu.dma_semaphore, #tpu.memory_space<semaphore_mem>>
        %dma_wait3A_135 = tpu.memref_squeeze %dma_wait3A_134 : memref<1x!tpu.dma_semaphore, #tpu.memory_space<semaphore_mem>> -> memref<!tpu.dma_semaphore, #tpu.memory_space<semaphore_mem>>
        tpu.wait_indirect_dma semaphore(%dma_wait3A_135 : memref<!tpu.dma_semaphore, #tpu.memory_space<semaphore_mem>>) src(%dma_wait3A_133 : memref<10240x128xf32, #tpu.memory_space<hbm>>) dst(%dma_wait3A_127 : memref<128x128xf32, #tpu.memory_space<vmem>>)
        %dma_start3A_136 = arith.constant 0 : i32
        %dma_start3A_137 = arith.constant 0 : i32
        %dma_start3A_138 = tpu.memref_slice %arg8[%select_n3A_124, %dma_start3A_136, %dma_start3A_137] : memref<2x128x128xf32, #tpu.memory_space<vmem>> -> memref<1x128x128xf32, #tpu.memory_space<vmem>>
        %dma_start3A_139 = tpu.memref_squeeze %dma_start3A_138 : memref<1x128x128xf32, #tpu.memory_space<vmem>> -> memref<128x128xf32, #tpu.memory_space<vmem>>
        %dma_start3A_140 = arith.constant 0 : i32
        %dma_start3A_141 = tpu.memref_slice %arg7[%while3A_108, %dma_start3A_140] : memref<40x128xi32, #tpu.memory_space<vmem>> -> memref<1x128xi32, #tpu.memory_space<vmem>>
        %dma_start3A_142 = tpu.memref_squeeze %dma_start3A_141 : memref<1x128xi32, #tpu.memory_space<vmem>> -> memref<128xi32, #tpu.memory_space<vmem>>
        %dma_start3A_143 = arith.constant 0 : i32
        %dma_start3A_144 = arith.constant 0 : i32
        %dma_start3A_145 = tpu.memref_slice %arg9[%dma_start3A_143, %dma_start3A_144] : memref<10240x128xf32, #tpu.memory_space<vmem_shared>> -> memref<10240x128xf32, #tpu.memory_space<vmem_shared>>
        %dma_start3A_146 = tpu.memref_slice %arg11[%select_n3A_124] : memref<2x!tpu.dma_semaphore, #tpu.memory_space<semaphore_mem>> -> memref<1x!tpu.dma_semaphore, #tpu.memory_space<semaphore_mem>>
        %dma_start3A_147 = tpu.memref_squeeze %dma_start3A_146 : memref<1x!tpu.dma_semaphore, #tpu.memory_space<semaphore_mem>> -> memref<!tpu.dma_semaphore, #tpu.memory_space<semaphore_mem>>
        tpu.enqueue_indirect_dma source(%dma_start3A_139 : memref<128x128xf32, #tpu.memory_space<vmem>>) target(%dma_start3A_145 : memref<10240x128xf32, #tpu.memory_space<vmem_shared>>) offsets(%dma_start3A_142 : memref<128xi32, #tpu.memory_space<vmem>>) semaphore(%dma_start3A_147 : memref<!tpu.dma_semaphore, #tpu.memory_space<semaphore_mem>>) {add = true}
        %dma_wait3A_148 = arith.constant 0 : i32
        %dma_wait3A_149 = arith.constant 0 : i32
        %dma_wait3A_150 = tpu.memref_slice %arg8[%select_n3A_124, %dma_wait3A_148, %dma_wait3A_149] : memref<2x128x128xf32, #tpu.memory_space<vmem>> -> memref<1x128x128xf32, #tpu.memory_space<vmem>>
        %dma_wait3A_151 = tpu.memref_squeeze %dma_wait3A_150 : memref<1x128x128xf32, #tpu.memory_space<vmem>> -> memref<128x128xf32, #tpu.memory_space<vmem>>
        %dma_wait3A_152 = arith.constant 0 : i32
        %dma_wait3A_153 = tpu.memref_slice %arg7[%while3A_108, %dma_wait3A_152] : memref<40x128xi32, #tpu.memory_space<vmem>> -> memref<1x128xi32, #tpu.memory_space<vmem>>
        %dma_wait3A_154 = tpu.memref_squeeze %dma_wait3A_153 : memref<1x128xi32, #tpu.memory_space<vmem>> -> memref<128xi32, #tpu.memory_space<vmem>>
        %dma_wait3A_155 = arith.constant 0 : i32
        %dma_wait3A_156 = arith.constant 0 : i32
        %dma_wait3A_157 = tpu.memref_slice %arg9[%dma_wait3A_155, %dma_wait3A_156] : memref<10240x128xf32, #tpu.memory_space<vmem_shared>> -> memref<10240x128xf32, #tpu.memory_space<vmem_shared>>
        %dma_wait3A_158 = tpu.memref_slice %arg11[%select_n3A_124] : memref<2x!tpu.dma_semaphore, #tpu.memory_space<semaphore_mem>> -> memref<1x!tpu.dma_semaphore, #tpu.memory_space<semaphore_mem>>
        %dma_wait3A_159 = tpu.memref_squeeze %dma_wait3A_158 : memref<1x!tpu.dma_semaphore, #tpu.memory_space<semaphore_mem>> -> memref<!tpu.dma_semaphore, #tpu.memory_space<semaphore_mem>>
        tpu.wait_indirect_dma semaphore(%dma_wait3A_159 : memref<!tpu.dma_semaphore, #tpu.memory_space<semaphore_mem>>) src(%dma_wait3A_151 : memref<128x128xf32, #tpu.memory_space<vmem>>) dst(%dma_wait3A_157 : memref<10240x128xf32, #tpu.memory_space<vmem_shared>>)
      }
      %while3A_107 = arith.constant 1 : i32
      scf.for %while3A_108 = %while3A_105 to %while3A_101 step %while3A_107  : i32 {
        %jit3A_109 = arith.constant 2 : i32
        %eq3A_110 = arith.constant 0 : i32
        %eq3A_111 = arith.cmpi eq, %jit3A_109, %eq3A_110 : i32
        %jit3A_112 = arith.constant 1 : i32
        %select_n3A_113 = arith.select %eq3A_111, %jit3A_112, %jit3A_109 : i32
        %rem3A_114 = arith.remsi %while3A_108, %select_n3A_113 : i32
        %ne3A_115 = arith.constant 0 : i32
        %ne3A_116 = arith.cmpi ne, %rem3A_114, %ne3A_115 : i32
        %lt3A_117 = arith.constant 0 : i32
        %lt3A_118 = arith.cmpi slt, %rem3A_114, %lt3A_117 : i32
        %lt3A_119 = arith.constant 0 : i32
        %lt3A_120 = arith.cmpi slt, %select_n3A_113, %lt3A_119 : i32
        %ne3A_121 = arith.xori %lt3A_118, %lt3A_120 : i1
        %and3A_122 = arith.andi %ne3A_121, %ne3A_116 : i1
        %add3A_123 = arith.addi %rem3A_114, %select_n3A_113 : i32
        %select_n3A_124 = arith.select %and3A_122, %add3A_123, %rem3A_114 : i32
        %dma_wait3A = arith.constant 0 : i32
        %dma_wait3A_125 = arith.constant 0 : i32
        %dma_wait3A_126 = tpu.memref_slice %arg8[%select_n3A_124, %dma_wait3A, %dma_wait3A_125] : memref<2x128x128xf32, #tpu.memory_space<vmem>> -> memref<1x128x128xf32, #tpu.memory_space<vmem>>
        %dma_wait3A_127 = tpu.memref_squeeze %dma_wait3A_126 : memref<1x128x128xf32, #tpu.memory_space<vmem>> -> memref<128x128xf32, #tpu.memory_space<vmem>>
        %dma_wait3A_128 = arith.constant 0 : i32
        %dma_wait3A_129 = tpu.memref_slice %arg6[%while3A_108, %dma_wait3A_128] : memref<40x128xi32, #tpu.memory_space<vmem>> -> memref<1x128xi32, #tpu.memory_space<vmem>>
        %dma_wait3A_130 = tpu.memref_squeeze %dma_wait3A_129 : memref<1x128xi32, #tpu.memory_space<vmem>> -> memref<128xi32, #tpu.memory_space<vmem>>
        %dma_wait3A_131 = arith.constant 0 : i32
        %dma_wait3A_132 = arith.constant 0 : i32
        %dma_wait3A_133 = tpu.memref_slice %arg2[%dma_wait3A_131, %dma_wait3A_132] : memref<10240x128xf32, #tpu.memory_space<hbm>> -> memref<10240x128xf32, #tpu.memory_space<hbm>>
        %dma_wait3A_134 = tpu.memref_slice %arg10[%select_n3A_124] : memref<2x!tpu.dma_semaphore, #tpu.memory_space<semaphore_mem>> -> memref<1x!tpu.dma_semaphore, #tpu.memory_space<semaphore_mem>>
        %dma_wait3A_135 = tpu.memref_squeeze %dma_wait3A_134 : memref<1x!tpu.dma_semaphore, #tpu.memory_space<semaphore_mem>> -> memref<!tpu.dma_semaphore, #tpu.memory_space<semaphore_mem>>
        tpu.wait_indirect_dma semaphore(%dma_wait3A_135 : memref<!tpu.dma_semaphore, #tpu.memory_space<semaphore_mem>>) src(%dma_wait3A_133 : memref<10240x128xf32, #tpu.memory_space<hbm>>) dst(%dma_wait3A_127 : memref<128x128xf32, #tpu.memory_space<vmem>>)
        %dma_start3A_136 = arith.constant 0 : i32
        %dma_start3A_137 = arith.constant 0 : i32
        %dma_start3A_138 = tpu.memref_slice %arg8[%select_n3A_124, %dma_start3A_136, %dma_start3A_137] : memref<2x128x128xf32, #tpu.memory_space<vmem>> -> memref<1x128x128xf32, #tpu.memory_space<vmem>>
        %dma_start3A_139 = tpu.memref_squeeze %dma_start3A_138 : memref<1x128x128xf32, #tpu.memory_space<vmem>> -> memref<128x128xf32, #tpu.memory_space<vmem>>
        %dma_start3A_140 = arith.constant 0 : i32
        %dma_start3A_141 = tpu.memref_slice %arg7[%while3A_108, %dma_start3A_140] : memref<40x128xi32, #tpu.memory_space<vmem>> -> memref<1x128xi32, #tpu.memory_space<vmem>>
        %dma_start3A_142 = tpu.memref_squeeze %dma_start3A_141 : memref<1x128xi32, #tpu.memory_space<vmem>> -> memref<128xi32, #tpu.memory_space<vmem>>
        %dma_start3A_143 = arith.constant 0 : i32
        %dma_start3A_144 = arith.constant 0 : i32
        %dma_start3A_145 = tpu.memref_slice %arg9[%dma_start3A_143, %dma_start3A_144] : memref<10240x128xf32, #tpu.memory_space<vmem_shared>> -> memref<10240x128xf32, #tpu.memory_space<vmem_shared>>
        %dma_start3A_146 = tpu.memref_slice %arg11[%select_n3A_124] : memref<2x!tpu.dma_semaphore, #tpu.memory_space<semaphore_mem>> -> memref<1x!tpu.dma_semaphore, #tpu.memory_space<semaphore_mem>>
        %dma_start3A_147 = tpu.memref_squeeze %dma_start3A_146 : memref<1x!tpu.dma_semaphore, #tpu.memory_space<semaphore_mem>> -> memref<!tpu.dma_semaphore, #tpu.memory_space<semaphore_mem>>
        tpu.enqueue_indirect_dma source(%dma_start3A_139 : memref<128x128xf32, #tpu.memory_space<vmem>>) target(%dma_start3A_145 : memref<10240x128xf32, #tpu.memory_space<vmem_shared>>) offsets(%dma_start3A_142 : memref<128xi32, #tpu.memory_space<vmem>>) semaphore(%dma_start3A_147 : memref<!tpu.dma_semaphore, #tpu.memory_space<semaphore_mem>>) {add = true}
        %dma_wait3A_148 = arith.constant 0 : i32
        %dma_wait3A_149 = arith.constant 0 : i32
        %dma_wait3A_150 = tpu.memref_slice %arg8[%select_n3A_124, %dma_wait3A_148, %dma_wait3A_149] : memref<2x128x128xf32, #tpu.memory_space<vmem>> -> memref<1x128x128xf32, #tpu.memory_space<vmem>>
        %dma_wait3A_151 = tpu.memref_squeeze %dma_wait3A_150 : memref<1x128x128xf32, #tpu.memory_space<vmem>> -> memref<128x128xf32, #tpu.memory_space<vmem>>
        %dma_wait3A_152 = arith.constant 0 : i32
        %dma_wait3A_153 = tpu.memref_slice %arg7[%while3A_108, %dma_wait3A_152] : memref<40x128xi32, #tpu.memory_space<vmem>> -> memref<1x128xi32, #tpu.memory_space<vmem>>
        %dma_wait3A_154 = tpu.memref_squeeze %dma_wait3A_153 : memref<1x128xi32, #tpu.memory_space<vmem>> -> memref<128xi32, #tpu.memory_space<vmem>>
        %dma_wait3A_155 = arith.constant 0 : i32
        %dma_wait3A_156 = arith.constant 0 : i32
        %dma_wait3A_157 = tpu.memref_slice %arg9[%dma_wait3A_155, %dma_wait3A_156] : memref<10240x128xf32, #tpu.memory_space<vmem_shared>> -> memref<10240x128xf32, #tpu.memory_space<vmem_shared>>
        %dma_wait3A_158 = tpu.memref_slice %arg11[%select_n3A_124] : memref<2x!tpu.dma_semaphore, #tpu.memory_space<semaphore_mem>> -> memref<1x!tpu.dma_semaphore, #tpu.memory_space<semaphore_mem>>
        %dma_wait3A_159 = tpu.memref_squeeze %dma_wait3A_158 : memref<1x!tpu.dma_semaphore, #tpu.memory_space<semaphore_mem>> -> memref<!tpu.dma_semaphore, #tpu.memory_space<semaphore_mem>>
        tpu.wait_indirect_dma semaphore(%dma_wait3A_159 : memref<!tpu.dma_semaphore, #tpu.memory_space<semaphore_mem>>) src(%dma_wait3A_151 : memref<128x128xf32, #tpu.memory_space<vmem>>) dst(%dma_wait3A_157 : memref<10240x128xf32, #tpu.memory_space<vmem_shared>>)
      }
    } else {
    }
    %barrier3A_51 = arith.constant 0 : index
    tpu.barrier barrier_id(%barrier3A_51)
    %mul3A_52 = arith.constant 640 : i32
    %mul3A_53 = arith.muli %arg1, %mul3A_52 : i32
    %mul3A_54 = arith.constant 640 : i32
    %mul3A_55 = arith.muli %arg1, %mul3A_54 : i32
    "tpu.region"() ({
      %run_scoped3A = tpu.sem_alloc : memref<!tpu.dma_semaphore, #tpu.memory_space<semaphore_mem>>
      %dma_start3A = arith.constant 0 : i32
      %dma_start3A_56 = tpu.memref_slice %arg5[%arg0, %mul3A_55, %dma_start3A] : memref<2x10240x128xf32, #tpu.memory_space<hbm>> -> memref<1x640x128xf32, #tpu.memory_space<hbm>>
      %dma_start3A_57 = tpu.memref_squeeze %dma_start3A_56 : memref<1x640x128xf32, #tpu.memory_space<hbm>> -> memref<640x128xf32, #tpu.memory_space<hbm>>
      %dma_start3A_58 = arith.constant 0 : i32
      %dma_start3A_59 = tpu.memref_slice %arg9[%mul3A_53, %dma_start3A_58] : memref<10240x128xf32, #tpu.memory_space<vmem_shared>> -> memref<640x128xf32, #tpu.memory_space<vmem_shared>>
      tpu.enqueue_dma source(%dma_start3A_59 : memref<640x128xf32, #tpu.memory_space<vmem_shared>>) target(%dma_start3A_57 : memref<640x128xf32, #tpu.memory_space<hbm>>) target_semaphore(%run_scoped3A : memref<!tpu.dma_semaphore, #tpu.memory_space<semaphore_mem>>)
      %dma_wait3A = arith.constant 0 : i32
      %dma_wait3A_60 = tpu.memref_slice %arg5[%arg0, %mul3A_55, %dma_wait3A] : memref<2x10240x128xf32, #tpu.memory_space<hbm>> -> memref<1x640x128xf32, #tpu.memory_space<hbm>>
      %dma_wait3A_61 = tpu.memref_squeeze %dma_wait3A_60 : memref<1x640x128xf32, #tpu.memory_space<hbm>> -> memref<640x128xf32, #tpu.memory_space<hbm>>
      %dma_wait3A_62 = arith.constant 0 : i32
      %dma_wait3A_63 = tpu.memref_slice %arg9[%mul3A_53, %dma_wait3A_62] : memref<10240x128xf32, #tpu.memory_space<vmem_shared>> -> memref<640x128xf32, #tpu.memory_space<vmem_shared>>
      tpu.wait_dma2 semaphore(%run_scoped3A : memref<!tpu.dma_semaphore, #tpu.memory_space<semaphore_mem>>) src(%dma_wait3A_63 : memref<640x128xf32, #tpu.memory_space<vmem_shared>>) dst(%dma_wait3A_61 : memref<640x128xf32, #tpu.memory_space<hbm>>)
      tpu.yield
    }) : () -> ()
    return
  }
}

module attributes {stable_mosaic.version = 14 : i64} {
  func.func @_tc1_body(%arg0: i32, %arg1: memref<2048x128xf32, #tpu.memory_space<vmem>>, %arg2: memref<128x128xf32, #tpu.memory_space<vmem>>, %arg3: memref<32x2048xf32, #tpu.memory_space<vmem>>, %arg4: memref<2048x128xf32, #tpu.memory_space<vmem>>) attributes {dimension_semantics = [#tpu.dimension_semantics<arbitrary>], iteration_bounds = array<i64: 5>, scalar_prefetch = 0 : i64, scratch_operands = 0 : i64, tpu.core_type = #tpu.core_type<tc>, window_params = [{transform_indices = @transform_0, window_bounds = array<i64: 2048, 128>}, {pipeline_mode = #tpu.pipeline_mode<synchronous>, transform_indices = @transform_1, window_bounds = array<i64: 128, 128>}, {transform_indices = @transform_2, window_bounds = array<i64: 32, 2048>}, {transform_indices = @transform_3, window_bounds = array<i64: 2048, 128>}]} {
    %get3A = arith.constant 0 : index
    %get3A_0 = arith.constant 0 : index
    %get3A_1 = vector.load %arg3[%get3A, %get3A_0] : memref<32x2048xf32, #tpu.memory_space<vmem>>, vector<32x2048xf32>
    %reduce_sum3A = arith.constant dense<0.000000e+00> : vector<2048xf32>
    %reduce_sum3A_2 = vector.multi_reduction <add>, %get3A_1, %reduce_sum3A [0] : vector<32x2048xf32> to vector<2048xf32>
    %max3A = arith.constant 1.000000e+00 : f32
    %max3A_3 = vector.broadcast %max3A : f32 to vector<2048xf32>
    %max3A_4 = arith.maximumf %reduce_sum3A_2, %max3A_3 : vector<2048xf32>
    %rsqrt3A = math.rsqrt %max3A_4 : vector<2048xf32>
    %get3A_5 = arith.constant 0 : index
    %get3A_6 = arith.constant 0 : index
    %get3A_7 = vector.load %arg1[%get3A_5, %get3A_6] : memref<2048x128xf32, #tpu.memory_space<vmem>>, vector<2048x128xf32>
    %get3A_8 = arith.constant 0 : index
    %get3A_9 = arith.constant 0 : index
    %get3A_10 = vector.load %arg2[%get3A_8, %get3A_9] : memref<128x128xf32, #tpu.memory_space<vmem>>, vector<128x128xf32>
    %dot_general3A = arith.constant dense<0.000000e+00> : vector<2048x128xf32>
    %dot_general3A_11 = tpu.matmul %get3A_7, %get3A_10, %dot_general3A {dimension_numbers = #tpu.dot_dimension_numbers<[1], [0], [0], [1], [0, 0, 1, 1], [], []>, transpose_lhs_hint = false} : vector<2048x128xf32>, vector<128x128xf32>, vector<2048x128xf32> -> vector<2048x128xf32>
    %broadcast_in_dim3A = vector.shape_cast %rsqrt3A : vector<2048xf32> to vector<2048x1xf32>
    %mul3A = vector.broadcast %broadcast_in_dim3A : vector<2048x1xf32> to vector<2048x128xf32>
    %mul3A_12 = arith.mulf %dot_general3A_11, %mul3A : vector<2048x128xf32>
    %swap3A = arith.constant 0 : index
    %swap3A_13 = arith.constant 0 : index
    %swap3A_14 = vector.load %arg4[%swap3A, %swap3A_13] : memref<2048x128xf32, #tpu.memory_space<vmem>>, vector<2048x128xf32>
    tpu.vector_store %arg4[%swap3A, %swap3A_13], %mul3A_12 {strides = array<i32>} : memref<2048x128xf32, #tpu.memory_space<vmem>>, vector<2048x128xf32>,
    return
  }
  func.func @transform_0(%arg0: i32) -> (i32, i32) {
    %c0_i32 = arith.constant 0 : i32
    %c0_i32_0 = arith.constant 0 : i32
    return %arg0, %c0_i32 : i32, i32
  }
  func.func @transform_1(%arg0: i32) -> (i32, i32) {
    %c0_i32 = arith.constant 0 : i32
    %c0_i32_0 = arith.constant 0 : i32
    %c0_i32_1 = arith.constant 0 : i32
    return %c0_i32, %c0_i32_0 : i32, i32
  }
  func.func @transform_2(%arg0: i32) -> (i32, i32) {
    %c0_i32 = arith.constant 0 : i32
    %c0_i32_0 = arith.constant 0 : i32
    return %c0_i32, %arg0 : i32, i32
  }
  func.func @transform_3(%arg0: i32) -> (i32, i32) {
    %c0_i32 = arith.constant 0 : i32
    %c0_i32_0 = arith.constant 0 : i32
    return %arg0, %c0_i32 : i32, i32
  }
}

module attributes {stable_mosaic.version = 14 : i64} {
  func.func @_tc2_body(%arg0: i32, %arg1: memref<2x2048x128xf32, #tpu.memory_space<vmem>>, %arg2: memref<32x2048xf32, #tpu.memory_space<vmem>>, %arg3: memref<2048x128xf32, #tpu.memory_space<vmem>>) attributes {dimension_semantics = [#tpu.dimension_semantics<arbitrary>], iteration_bounds = array<i64: 5>, scalar_prefetch = 0 : i64, scratch_operands = 0 : i64, tpu.core_type = #tpu.core_type<tc>, window_params = [{transform_indices = @transform_0, window_bounds = array<i64: 2, 2048, 128>}, {transform_indices = @transform_1, window_bounds = array<i64: 32, 2048>}, {transform_indices = @transform_2, window_bounds = array<i64: 2048, 128>}]} {
    %get3A = arith.constant 0 : index
    %get3A_0 = arith.constant 0 : index
    %get3A_1 = vector.load %arg2[%get3A, %get3A_0] : memref<32x2048xf32, #tpu.memory_space<vmem>>, vector<32x2048xf32>
    %reduce_sum3A = arith.constant dense<0.000000e+00> : vector<2048xf32>
    %reduce_sum3A_2 = vector.multi_reduction <add>, %get3A_1, %reduce_sum3A [0] : vector<32x2048xf32> to vector<2048xf32>
    %max3A = arith.constant 1.000000e+00 : f32
    %max3A_3 = vector.broadcast %max3A : f32 to vector<2048xf32>
    %max3A_4 = arith.maximumf %reduce_sum3A_2, %max3A_3 : vector<2048xf32>
    %rsqrt3A = math.rsqrt %max3A_4 : vector<2048xf32>
    %get3A_5 = arith.constant 0 : index
    %get3A_6 = arith.constant 0 : index
    %get3A_7 = arith.constant 0 : index
    %get3A_8 = vector.load %arg1[%get3A_5, %get3A_6, %get3A_7] : memref<2x2048x128xf32, #tpu.memory_space<vmem>>, vector<1x2048x128xf32>
    %get3A_9 = vector.shape_cast %get3A_8 : vector<1x2048x128xf32> to vector<2048x128xf32>
    %get3A_10 = arith.constant 1 : index
    %get3A_11 = arith.constant 0 : index
    %get3A_12 = arith.constant 0 : index
    %get3A_13 = vector.load %arg1[%get3A_10, %get3A_11, %get3A_12] : memref<2x2048x128xf32, #tpu.memory_space<vmem>>, vector<1x2048x128xf32>
    %get3A_14 = vector.shape_cast %get3A_13 : vector<1x2048x128xf32> to vector<2048x128xf32>
    %add3A = arith.addf %get3A_9, %get3A_14 : vector<2048x128xf32>
    %broadcast_in_dim3A = vector.shape_cast %rsqrt3A : vector<2048xf32> to vector<2048x1xf32>
    %mul3A = vector.broadcast %broadcast_in_dim3A : vector<2048x1xf32> to vector<2048x128xf32>
    %mul3A_15 = arith.mulf %add3A, %mul3A : vector<2048x128xf32>
    %max3A_16 = arith.constant 0.000000e+00 : f32
    %max3A_17 = vector.broadcast %max3A_16 : f32 to vector<2048x128xf32>
    %max3A_18 = arith.maximumf %mul3A_15, %max3A_17 : vector<2048x128xf32>
    %broadcast_in_dim3A_19 = vector.shape_cast %rsqrt3A : vector<2048xf32> to vector<2048x1xf32>
    %mul3A_20 = vector.broadcast %broadcast_in_dim3A_19 : vector<2048x1xf32> to vector<2048x128xf32>
    %mul3A_21 = arith.mulf %max3A_18, %mul3A_20 : vector<2048x128xf32>
    %swap3A = arith.constant 0 : index
    %swap3A_22 = arith.constant 0 : index
    %swap3A_23 = vector.load %arg3[%swap3A, %swap3A_22] : memref<2048x128xf32, #tpu.memory_space<vmem>>, vector<2048x128xf32>
    tpu.vector_store %arg3[%swap3A, %swap3A_22], %mul3A_21 {strides = array<i32>} : memref<2048x128xf32, #tpu.memory_space<vmem>>, vector<2048x128xf32>,
    return
  }
  func.func @transform_0(%arg0: i32) -> (i32, i32, i32) {
    %c0_i32 = arith.constant 0 : i32
    %c0_i32_0 = arith.constant 0 : i32
    %c0_i32_1 = arith.constant 0 : i32
    return %c0_i32, %arg0, %c0_i32_0 : i32, i32, i32
  }
  func.func @transform_1(%arg0: i32) -> (i32, i32) {
    %c0_i32 = arith.constant 0 : i32
    %c0_i32_0 = arith.constant 0 : i32
    return %c0_i32, %arg0 : i32, i32
  }
  func.func @transform_2(%arg0: i32) -> (i32, i32) {
    %c0_i32 = arith.constant 0 : i32
    %c0_i32_0 = arith.constant 0 : i32
    return %arg0, %c0_i32 : i32, i32
  }
}

module attributes {stable_mosaic.version = 14 : i64} {
  func.func @_tc3_body(%arg0: i32, %arg1: memref<2x2048x128xf32, #tpu.memory_space<vmem>>, %arg2: memref<32x2048xf32, #tpu.memory_space<vmem>>, %arg3: memref<128x64xf32, #tpu.memory_space<vmem>>, %arg4: memref<2048x64xf32, #tpu.memory_space<vmem>>) attributes {dimension_semantics = [#tpu.dimension_semantics<arbitrary>], iteration_bounds = array<i64: 5>, scalar_prefetch = 0 : i64, scratch_operands = 0 : i64, tpu.core_type = #tpu.core_type<tc>, window_params = [{transform_indices = @transform_0, window_bounds = array<i64: 2, 2048, 128>}, {transform_indices = @transform_1, window_bounds = array<i64: 32, 2048>}, {pipeline_mode = #tpu.pipeline_mode<synchronous>, transform_indices = @transform_2, window_bounds = array<i64: 128, 64>}, {transform_indices = @transform_3, window_bounds = array<i64: 2048, 64>}]} {
    %get3A = arith.constant 0 : index
    %get3A_0 = arith.constant 0 : index
    %get3A_1 = vector.load %arg2[%get3A, %get3A_0] : memref<32x2048xf32, #tpu.memory_space<vmem>>, vector<32x2048xf32>
    %reduce_sum3A = arith.constant dense<0.000000e+00> : vector<2048xf32>
    %reduce_sum3A_2 = vector.multi_reduction <add>, %get3A_1, %reduce_sum3A [0] : vector<32x2048xf32> to vector<2048xf32>
    %max3A = arith.constant 1.000000e+00 : f32
    %max3A_3 = vector.broadcast %max3A : f32 to vector<2048xf32>
    %max3A_4 = arith.maximumf %reduce_sum3A_2, %max3A_3 : vector<2048xf32>
    %rsqrt3A = math.rsqrt %max3A_4 : vector<2048xf32>
    %get3A_5 = arith.constant 0 : index
    %get3A_6 = arith.constant 0 : index
    %get3A_7 = arith.constant 0 : index
    %get3A_8 = vector.load %arg1[%get3A_5, %get3A_6, %get3A_7] : memref<2x2048x128xf32, #tpu.memory_space<vmem>>, vector<1x2048x128xf32>
    %get3A_9 = vector.shape_cast %get3A_8 : vector<1x2048x128xf32> to vector<2048x128xf32>
    %get3A_10 = arith.constant 1 : index
    %get3A_11 = arith.constant 0 : index
    %get3A_12 = arith.constant 0 : index
    %get3A_13 = vector.load %arg1[%get3A_10, %get3A_11, %get3A_12] : memref<2x2048x128xf32, #tpu.memory_space<vmem>>, vector<1x2048x128xf32>
    %get3A_14 = vector.shape_cast %get3A_13 : vector<1x2048x128xf32> to vector<2048x128xf32>
    %add3A = arith.addf %get3A_9, %get3A_14 : vector<2048x128xf32>
    %broadcast_in_dim3A = vector.shape_cast %rsqrt3A : vector<2048xf32> to vector<2048x1xf32>
    %mul3A = vector.broadcast %broadcast_in_dim3A : vector<2048x1xf32> to vector<2048x128xf32>
    %mul3A_15 = arith.mulf %add3A, %mul3A : vector<2048x128xf32>
    %get3A_16 = arith.constant 0 : index
    %get3A_17 = arith.constant 0 : index
    %get3A_18 = vector.load %arg3[%get3A_16, %get3A_17] : memref<128x64xf32, #tpu.memory_space<vmem>>, vector<128x64xf32>
    %dot_general3A = arith.constant dense<0.000000e+00> : vector<2048x64xf32>
    %dot_general3A_19 = tpu.matmul %mul3A_15, %get3A_18, %dot_general3A {dimension_numbers = #tpu.dot_dimension_numbers<[1], [0], [0], [1], [0, 0, 1, 1], [], []>, transpose_lhs_hint = false} : vector<2048x128xf32>, vector<128x64xf32>, vector<2048x64xf32> -> vector<2048x64xf32>
    %swap3A = arith.constant 0 : index
    %swap3A_20 = arith.constant 0 : index
    %swap3A_21 = vector.load %arg4[%swap3A, %swap3A_20] : memref<2048x64xf32, #tpu.memory_space<vmem>>, vector<2048x64xf32>
    tpu.vector_store %arg4[%swap3A, %swap3A_20], %dot_general3A_19 {strides = array<i32>} : memref<2048x64xf32, #tpu.memory_space<vmem>>, vector<2048x64xf32>,
    return
  }
  func.func @transform_0(%arg0: i32) -> (i32, i32, i32) {
    %c0_i32 = arith.constant 0 : i32
    %c0_i32_0 = arith.constant 0 : i32
    %c0_i32_1 = arith.constant 0 : i32
    return %c0_i32, %arg0, %c0_i32_0 : i32, i32, i32
  }
  func.func @transform_1(%arg0: i32) -> (i32, i32) {
    %c0_i32 = arith.constant 0 : i32
    %c0_i32_0 = arith.constant 0 : i32
    return %c0_i32, %arg0 : i32, i32
  }
  func.func @transform_2(%arg0: i32) -> (i32, i32) {
    %c0_i32 = arith.constant 0 : i32
    %c0_i32_0 = arith.constant 0 : i32
    %c0_i32_1 = arith.constant 0 : i32
    return %c0_i32, %c0_i32_0 : i32, i32
  }
  func.func @transform_3(%arg0: i32) -> (i32, i32) {
    %c0_i32 = arith.constant 0 : i32
    %c0_i32_0 = arith.constant 0 : i32
    return %arg0, %c0_i32 : i32, i32
  }
}

</mosaic_0001>

<sc_bundles>
// kernel: kernel.11.cloned.1.call-start
scs
__scs_entry_jumppad:
0x0: {  	(pc) =	sbr.rel $0x88, $3  }
0x1: {  	(tag) =	ssettag $0x0;
	lr =	simm.s32 $0x1  }
0x2: {  	[smem:$0x3F9D] =	sst lr;
	_ =	strace $0xD0000000  }
0x3: {  	_ = 	snop  }
0x4: {  	_ = 	snop  }
0x5: {  	_ = 	snop  }
0x6: {  	_ = 	snop  }
0x7: {  	_ = 	snop  }
__scs_overlays_trampoline_lowered:
0x8: {  	[smem:$0x3FAC] =	sst s0  }
0x9: {  	[smem:$0x3FAD] =	sst s1  }
0xa: {  	[smem:$0x3FAE] =	sst s2  }
0xb: {  	[smem:$0x3FAF] =	sst s3  }
0xc: {  	[smem:$0x3FB0] =	sst s4  }
0xd: {  	[smem:$0x3FB1] =	sst s5  }
0xe: {  	[smem:$0x3FB2] =	sst s6  }
0xf: {  	[smem:$0x3FB3] =	sst s7  }
0x10: {  	[smem:$0x3FB4] =	sst s8  }
0x11: {  	[smem:$0x3FB5] =	sst s9;
	s0 =	simm.s32 @!p0 $0x0  }
0x12: {  	s1 =	sld [smem:$0x3F9B];
	s0 =	simm.s32 @p0 $0x1  }
0x13: {  	[smem:$0x3FB6] =	sst s0;
	s0 =	simm.s32 @!p1 $0x0  }
0x14: {  	s2 =	sld [smem:$0x3F9A];
	s0 =	simm.s32 @p1 $0x1  }
0x15: {  	[smem:$0x3FB7] =	sst s0;
	s0 =	simm.s32 @!p2 $0x0  }
0x16: {  	s3 =	sld [smem:$0x3FDB];
	s0 =	simm.s32 @p2 $0x1  }
0x17: {  	s4 =	simm.s32 $0x1BF5;
	[smem:$0x3FB9] =	sst s0  }
0x18: {  	s0 =	sld [smem:$0x3F9C];
	_ =	swait.ge [sflag:s4], $0x0  }
0x19: {  	s7 =	sld [smem:$0x3F9D]  }
0x1a: {  	s8 =	sadd.s32 $0xFFFFE003, lr  }
0x1b: {  	s9 =	sadd.s32 $0xFFFFFEF7, lr;
	s5 =	simm.s32 $0xFFFFFFFF;
	p2 =	slt.u32 s8, $0xFFFFF086  }
0x1c: {  	p1 =	slt.u32 s9, $0xF7A;
	s5 =	simm.s32 @!p2 $0x0  }
0x1d: {  	s5 =	simm.s32 @p1 $0x1;
	p0 =	seq.s32 s7, s2  }
0x1e: {  	s7 =	smul.u32 @!p0 $0xF7A, s2;
	p2 =	seq.s32 @!p0 s5, $0x0  }
0x1f: {  	s9 =	smul.u32 $0xF7A, s1;
	s8 =	simm.s32 @!p0 $0x1BF5;
	p2 =	por !p2, p0  }
0x20: {  	[sflag:s8] =	ssyncset.s32 @!p0 $0xFFFFF086;
	s6 =	sadd.s32 @!p0 s3, s7;
	s7 =	simm.s32 @!p0 $0x108  }
0x21: {  	s3 =	sadd.s32 s3, s9;
	s6 =	sadd.s32 @!p0 $0x88, s6;
	s7 =	simm.s32 @p2 $0x1082  }
0x22: {  	[simem:s7], [sflag:s8] =	dma.local @!p0 [hbm:s6], $0xF7A  }
0x23: {  	s9 =	sor.u32 $0xD0000000, s2;
	s6 =	simm.s32 $0x108;
	_ =	swait.ge @!p0 [sflag:s8], $0x0  }
0x24: {  	s3 =	sadd.s32 $0x88, s3;
	s6 =	simm.s32 @!p1 $0x1082;
	[sflag:s4] =	ssyncset.s32 $0xFFFFF086  }
0x25: {  	[simem:s6], [sflag:s4] =	dma.local [hbm:s3], $0xF7A  }
0x26: {  	[smem:$0x3F9D] =	sst s1;
	(tag) =	ssettag s2;
	_ =	strace s9  }
0x27: {  	s1 =	sld [smem:$0x3FAD]  }
0x28: {  	s2 =	sld [smem:$0x3FAE]  }
0x29: {  	s4 =	sld [smem:$0x3FB0]  }
0x2a: {  	p0 =	seq.s32 s5, $0x0;
	s5 =	sld [smem:$0x3FB1]  }
0x2b: {  	s6 =	sld [smem:$0x3FB2]  }
0x2c: {  	s7 =	sld [smem:$0x3FB3]  }
0x2d: {  	s3 =	simm.s32 $0x108;
	s8 =	sld [smem:$0x3FB4]  }
0x2e: {  	s3 =	simm.s32 @!p0 $0x1082;
	s9 =	sld [smem:$0x3FB5]  }
0x2f: {  	lr =	sadd.s32 s0, s3;
	s0 =	sld [smem:$0x3FAC]  }
0x30: {  	s3 =	sld [smem:$0x3FAF]  }
0x31: {  	[smem:$0x3FB8] =	sst s10  }
0x32: {  	s10 =	sld [smem:$0x3FB6];
	_ =	sdelay $0x3  }
0x33: {  	p0 =	seq.s32 s10, $0x1;
	s10 =	sld [smem:$0x3FB8];
	_ =	sdelay $0x3  }
0x34: {  	[smem:$0x3FB8] =	sst s10  }
0x35: {  	s10 =	sld [smem:$0x3FB7];
	_ =	sdelay $0x3  }
0x36: {  	p1 =	seq.s32 s10, $0x1;
	s10 =	sld [smem:$0x3FB8];
	_ =	sdelay $0x3  }
0x37: {  	[smem:$0x3FB8] =	sst s10  }
0x38: {  	s10 =	sld [smem:$0x3FB9]  }
0x39: {  	_ = 	snop;
	(pc) =	sbr.ind lr, $3  }
0x3a: {  	_ = 	snop  }
0x3b: {  	_ = 	snop  }
0x3c: {  	p2 =	seq.s32 s10, $0x1;
	s10 =	sld [smem:$0x3FB8]  }
0x3d: {  	_ =	shalt  }
0x3e: {  	_ =	shalt  }
0x3f: {  	_ =	shalt  }
0x40: {  	_ =	shalt  }
0x41: {  	_ =	shalt  }
0x42: {  	_ =	shalt  }
0x43: {  	_ =	shalt  }
0x44: {  	_ =	shalt  }
0x45: {  	_ =	shalt  }
0x46: {  	_ =	shalt  }
0x47: {  	_ =	shalt  }
0x48: {  	_ =	shalt  }
0x49: {  	_ =	shalt  }
0x4a: {  	_ =	shalt  }
0x4b: {  	_ =	shalt  }
0x4c: {  	_ =	shalt  }
0x4d: {  	_ =	shalt  }
0x4e: {  	_ =	shalt  }
0x4f: {  	_ =	shalt  }
0x50: {  	_ =	shalt  }
0x51: {  	_ =	shalt  }
0x52: {  	_ =	shalt  }
0x53: {  	_ =	shalt  }
0x54: {  	_ =	shalt  }
0x55: {  	_ =	shalt  }
0x56: {  	_ =	shalt  }
0x57: {  	_ =	shalt  }
0x58: {  	_ =	shalt  }
0x59: {  	_ =	shalt  }
0x5a: {  	_ =	shalt  }
0x5b: {  	_ =	shalt  }
0x5c: {  	_ =	shalt  }
0x5d: {  	_ =	shalt  }
0x5e: {  	_ =	shalt  }
0x5f: {  	_ =	shalt  }
0x60: {  	_ =	shalt  }
0x61: {  	_ =	shalt  }
0x62: {  	_ =	shalt  }
0x63: {  	_ =	shalt  }
0x64: {  	_ =	shalt  }
0x65: {  	_ =	shalt  }
0x66: {  	_ =	shalt  }
0x67: {  	_ =	shalt  }
0x68: {  	_ =	shalt  }
0x69: {  	_ =	shalt  }
0x6a: {  	_ =	shalt  }
0x6b: {  	_ =	shalt  }
0x6c: {  	_ =	shalt  }
0x6d: {  	_ =	shalt  }
0x6e: {  	_ =	shalt  }
0x6f: {  	_ =	shalt  }
0x70: {  	_ =	shalt  }
0x71: {  	_ =	shalt  }
0x72: {  	_ =	shalt  }
0x73: {  	_ =	shalt  }
0x74: {  	_ =	shalt  }
0x75: {  	_ =	shalt  }
0x76: {  	_ =	shalt  }
0x77: {  	_ =	shalt  }
0x78: {  	_ =	shalt  }
0x79: {  	_ =	shalt  }
0x7a: {  	_ =	shalt  }
0x7b: {  	_ =	shalt  }
0x7c: {  	_ =	shalt  }
0x7d: {  	_ =	shalt  }
0x7e: {  	_ =	shalt  }
0x7f: {  	_ =	shalt  }
0x80: {  	_ =	shalt  }
0x81: {  	_ =	shalt  }
0x82: {  	_ =	shalt  }
0x83: {  	_ =	shalt  }
0x84: {  	_ =	shalt  }
0x85: {  	_ =	shalt  }
0x86: {  	_ =	shalt  }
0x87: {  	_ =	shalt  }
.Lfunc_end0:
.L_simem_size_0:
called_computation.1_lowered:
.L_overlay_start_0:
0x88: {  	s2 =	sld [smem:$0x3FD9]  }
0x89: {  	s3 =	sld [smem:$0x3FFE];
	_ =	sdelay $0x1  }
0x8a: {  	s1 =	srdreg.scid  }
0x8b: {  	s0 =	sand.u32 $0x1, s1  }
0x8c: {  	s17 =	sshll.u32 s0, $0xA;
	s2 =	sadd.s32 s3, s2  }
0x8d: {  	s2 =	sadd.s32 s2, s17  }
0x8e: {  	[smem:$0x3FC4] =	sst s2  }
0x8f: {  	_ = 	snop  }
0x90: {  	s2 =	sld [smem:$0x3FD0];
	(tm) =	ssettm $0x1  }
0x91: {  	s18 =	sld [smem:$0x3FFB];
	_ =	sdelay $0x3  }
0x92: {  	_ =	strace s18  }
0x93: {  	s3 =	sld [smem:$0x3FFC];
	_ =	sdelay $0x3  }
0x94: {  	_ =	strace s3  }
0x95: {  	s3 =	sld [smem:$0x3FFD];
	_ =	sdelay $0x3  }
0x96: {  	_ =	strace s3  }
0x97: {  	_ =	strace $0x8FFFFFFF  }
0x98: {  	s19 =	sld [smem:$0x3FDB];
	_ =	sdelay $0x1  }
0x99: {  	s4 =	simm.s32 $_scs_section_size  }
0x9a: {  	s5 =	simm.s32 $_size__tile_overlayer_lowered;
	s6 =	simm.s32 $_tile_overlayer_lowered  }
0x9b: {  	s22 =	simm.s32 $0x1BFF;
	s21 =	sshll.u32 s6, $0x1;
	s3 =	sadd.s32 s4, s19  }
0x9c: {  	s7 =	simm.s32 $0x0;
	s20 =	sshll.u32 s5, $0x1;
	s5 =	sadd.s32 s21, s3  }
0x9d: {  	[timem:s7], [sflag:s22] =	dma.local [hbm:s5], s20  }
0x9e: {  	_ =	swait.ge [sflag:s22], s20  }
0x9f: {  	s4 =	ssub.s32 $0x0, s20;
	[sflag:s22] =	ssyncset.done $0x0  }
0xa0: {  	[sflag:s22] =	ssyncadd.s32 s4;
	_ =	sdelay $0x1  }
0xa1: {  	s23 =	simm.s32 $0x1B8B  }
0xa2: {  	_ =	swait.ge [sflag:s23], $0x1  }
0xa3: {  	[sflag:s23] =	ssyncset.done $0x0  }
0xa4: {  	s25 =	simm.s32 $0x1B8E;
	s24 =	sld [smem:$0x3FFE];
	[sflag:s23] =	ssyncadd.s32 $0xFFFFFFFF  }
0xa5: {  	s26 =	simm.s32 $execute0_lowered;
	[smem:$0x3FD2] =	sst s25  }
0xa6: {  	s5 =	sshll.u32 s26, $0x1;
	_ =	strace $0x80000049;
	[dreg:$0x1] =	wrdreg $0xFFFFFFFF  }
0xa7: {  	s28 =	simm.s32 $_size_execute0_lowered;
	s3 =	sadd.s32 s3, s5;
	[dreg:$0x0] =	wrdreg $0x0  }
0xa8: {  	s5 =	sshll.u32 s28, $0x1;
	[dreg:$0x2] =	wrdreg s3  }
0xa9: {  	[dreg:$0x3] =	wrdreg s5  }
0xaa: {  	[dreg:$0x4] =	wrdreg $0xC0  }
0xab: {  	_ =	task [dreg:s7], $0x5FFFF  }
0xac: {  	[dreg:$0x1] =	wrdreg $0xFFFFFFFF  }
0xad: {  	[dreg:$0x0] =	wrdreg $0x60  }
0xae: {  	[dreg:$0x2] =	wrdreg s24  }
0xaf: {  	[dreg:$0x3] =	wrdreg s2  }
0xb0: {  	[dreg:$0x4] =	wrdreg $0xA8000  }
0xb1: {  	[dreg:$0x5] =	wrdreg $0x9  }
0xb2: {  	_ =	task.clear_ibuf [dreg:s7], $0x6FFFF;
	_ =	strace $0x90000049  }
0xb3: {  	s29 =	simm.s32 $0x9;
	_ =	strace $0x8000004B  }
0xb4: {  	_ =	swait.ge [sflag:s29], $0x1  }
0xb5: {  	[sflag:s29] =	ssyncadd.s32 $0xFFFFFFFF  }
0xb6: {  	_ =	strace $0x9000004B  }
0xb7: {  	_ =	sfence  }
0xb8: {  	s30 =	sld [smem:$0x0];
	_ =	sdelay $0x2  }
0xb9: {  	s31 =	sshll.u32 s1, $0xD;
	s1 =	sshrl.u32 s1, $0x2  }
0xba: {  	s3 =	sand.u32 $0x4000, s31;
	s1 =	sadd.s32 s1, s30  }
0xbb: {  	s0 =	sor.u32 s3, s0;
	s1 =	sshll.u32 s1, $0x11  }
0xbc: {  	s0 =	sor.u32 s1, s0  }
0xbd: {  	s0 =	sadd.s32 $0x8F2B, s0  }
0xbe: {  	[sflag:s0] =	ssyncadd.remote.s32 $0x1  }
0xbf: {  	_ =	sfence.sel $0xFFFF  }
0xc0: {  	[dreg:$0x0] =	wrdreg $0xFFFFFFFF;
	(pc) =	sbr.abs _section_cstart, $3  }
0xc1: {  	[dreg:$0x1] =	wrdreg $0xFFFFFFFF  }
0xc2: {  	_ =	task.clear_ibuf [dreg:s7], $0x2FFFF;
	_ =	strace $0x9FFFFFFF  }
0xc3: {  	(tm) =	ssettm $0x7FFFFFFF  }
tec
execute0_lowered:
.L_overlay_start_1:
0x0: {  	(tag) =	ssettag $0x1  }
0x1: {  	s0 =	rddreg [dreg:$0x0]  }
0x2: {  	s2 =	rddreg [dreg:$0x2]  }
0x3: {  	s1 =	srdreg.scid;
	s4 =	simm.s32 $0x0;
	s12 =	stileid.u32  }
0x4: {  	s11 =	simm.s32 $0x50;
	s28 =	simm.s32 $0x4;
	s6 =	smul.u32 $0x14000, s12  }
0x5: {  	s29 =	simm.s32 $0x0;
	s1 =	sand.u32 $0x1, s1;
	s7 =	smul.u32 $0x9, s12  }
0x6: {  	[smem:$0x7FF] =	sst s4;
	s5 =	sadd.s32 $0x16000, s0;
	s10 =	smul.u32 $0x50, s12  }
0x7: {  	s8 =	sadd.s32 $0x2200, s0;
	s14 =	smin.u32 s12, $0x9;
	s16 =	smul.u32 $0x50000, s12  }
0x8: {  	p0 =	slt.u32 s12, $0x9;
	s18 =	sshll.u32 s12, $0x6;
	s3 =	smul.u32 $0x140000, s1  }
0x9: {  	s9 =	ssub.s32 $0x2, s1;
	p1 =	seq.s32 s1, $0x0;
	s11 =	simm.s32 @!p0 $0x48  }
0xa: {  	_ =	strace $0x8000004A;
	s15 =	sshrl.u32 s9, $0x1;
	s11 =	simm.s32 @p1 $0x50  }
0xb: {  	s1 =	sshrl.u32 s16, $0x2;
	s3 =	sadd.s32 s6, s3;
	s6 =	sadd.s32 s14, s7  }
0xc: {  	s9 =	ssub.s32 s9, s15;
	s17 =	sshrl.u32 s11, $0x1;
	s1 =	sadd.s32 s1, s2  }
0xd: {  	s7 =	sadd.s32 $0x1C05, s18;
	s3 =	sshrl.u32 s3, $0x3;
	s6 =	sshll.u32 s6, $0x3  }
0xe: {  	[dreg:$0x4] =	wrdreg s1;
	s19 =	sand.u32 $0x28, s17;
	s26 =	smax.u32 s9, $0x1  }
0xf: {  	s3 =	sadd.s32 s3, s0;
	s6 =	sadd.s32 $0x500, s6;
	s20 =	ssub.s32 s11, s19  }
0x10: {  	s0 =	sadd.s32 $0xC100, s0;
	[dreg:$0xa] =	wrdreg s26;
	s31 =	sshll.u32 s19, $0x7  }
0x11: {  	s26 =	simm.s32 $0x2;
	s6 =	smov.u32 @p1 s10;
	s13 =	sadd.s32 $0xFFFFFFFE, s20  }
0x12: {  	s24 =	sadd.s32 $0x3E000, s3;
	s1 =	sshll.u32 s20, $0x7;
	s17 =	sadd.s32 $0x1380, s31  }
0x13: {  	s20 =	simm.s32 $0x5;
	s10 =	sadd.s32 s19, s6;
	s6 =	sshll.u32 s6, $0x4  }
0x14: {  	[dreg:$0x9] =	wrdreg s24;
	s30 =	sshll.u32 s13, $0x7;
	s24 =	simm.s32 $0x1  }
0x15: {  	s21 =	sshll.u32 s10, $0x4;
	s22 =	sadd.s32 s8, s6;
	s6 =	sadd.s32 s6, s0  }
0x16: {  	s10 =	sadd.s32 $0xFFFFFFFE, s19;
	s19 =	sadd.s32 $0x1380, s1;
	[dreg:$0x5] =	wrdreg s22  }
0x17: {  	[dreg:$0x6] =	wrdreg s6;
	s23 =	sand.u32 $0x1FFFFF80, s21;
	s8 =	sadd.s32 s8, s21  }
0x18: {  	s25 =	sshll.u32 s10, $0x7;
	[dreg:$0x7] =	wrdreg s8;
	s0 =	sadd.s32 s23, s0  }
0x19: {  	s21 =	simm.s32 $0x80;
	[dreg:$0x8] =	wrdreg s0;
	s0 =	sadd.s32 $0x1400, s25  }
0x1a: {  	s22 =	simm.s32 $0x2800;
	[dreg:$0xb] =	wrdreg s0;
	s0 =	sand.u32 $0x3FFFFF00, s30  }
0x1b: {  	s23 =	simm.s32 $0x6800;
	s25 =	simm.s32 $0x3;
	s18 =	sadd.s32 $0x1400, s0  }
.LBB2_1:
0x1c: {  	s0 =	rddreg [dreg:$0x4]  }
0x1d: {  	s14 =	rddreg [dreg:$0x1];
	s30 =	sshrl.u32 s0, $0x3  }
0x1e: {  	[spmem:s30], [sflag:s7] =	dma.local [hbm:s14], $0x2800  }
0x1f: {  	_ =	swait.ge [sflag:s20], $0x2800  }
0x20: {  	[sflag:s20] =	ssyncset.done $0x0  }
0x21: {  	[sflag:s20] =	ssyncadd.s32 $0xFFFFD800  }
0x22: {  	[bflag:$0x0] =	sbarrier.arrive $0xFFFF  }
0x23: {  	s15 =	rddreg [dreg:$0x5]  }
0x24: {  	[tilespmem:s4], [sflag:$0x5] =	stream.linear.gather [hbm4b:s15+s4], $0x1400, $0x38;
	[tilespmem:$0x1E800] =	vst v63  }
0x25: {  	_ =	swait.ge [sflag:s20], $0x1400  }
0x26: {  	[sflag:s20] =	ssyncset.done $0x0  }
0x27: {  	s31 =	simm.s32 $0x1400;
	s16 =	rddreg [dreg:$0x6];
	[sflag:s20] =	ssyncadd.s32 $0xFFFFEC00  }
0x28: {  	[tilespmem:s31], [sflag:$0x5] =	stream.linear.gather [hbm4b:s16+s4], $0x1400, $0x38;
	[tilespmem:$0x1E800] =	vst v63  }
0x29: {  	p1 =	sne.s32 s10, $0x1;
	_ =	swait.ge [sflag:s20], $0x1400  }
.Ltmp0:
0x2a: {  	[sflag:s20] =	ssyncset.done $0x0;
	(pc) =	sbr.rel @!p1 .LBB2_2-.Ltmp0, $4  }
0x2b: {  	s8 =	simm.s32 $0x1;
	[sflag:s20] =	ssyncadd.s32 $0xFFFFEC00  }
0x2c: {  	[tilespmem:s22], [sflag:$0x1] =	stream.indirect.gather [hbm4b:s5+s21], $0x80, s4, s21, $0xb8;
	[tilespmem:$0x1E800] =	vst v63  }
0x2d: {  	s3 =	sand.u32 $0x1, s4;
	p0 =	por $0x0, $0x0;
	s0 =	simm.s32 $0x100  }
0x2e: {  	[tilespmem:s23], [sflag:$0x2] =	stream.indirect.gather [hbm4b:s5+s21], $0x80, s21, s21, $0xb8;
	[tilespmem:$0x1E800] =	vst v63  }
0x2f: {  	s1 =	sadd.s32 $0x1, s3;
	s6 =	sshll.u32 s3, $0xE  }
0x30: {  	s11 =	sadd.s32 $0x3, s3;
	p2 =	sne.s32 s10, $0x2;
	_ =	swait.ge [sflag:s1], $0x4000  }
.Ltmp1:
0x31: {  	s12 =	simm.s32 $0x2;
	[sflag:s1] =	ssyncset.done $0x0;
	(pc) =	sbr.rel @!p2 .LBB2_4-.Ltmp1, $4  }
0x32: {  	s3 =	sand.u32 $0x1, s8;
	s9 =	sor.u32 $0x2800, s6;
	[sflag:s1] =	ssyncadd.s32 $0xFFFFC000  }
0x33: {  	[spmem:s2] =	stream.indirect.scatter.add.f32 [tilespmem:s9], [sflag:s11], $0x80, s31, s21, $0xb8;
	[tilespmem:$0x1E800] =	vst v63  }
0x34: {  	s8 =	simm.s32 $0x180;
	p1 =	por $0x1, $0x1;
	_ =	swait.ge [sflag:s11], $0x4000  }
0x35: {  	s14 =	simm.s32 $0x100;
	s6 =	simm.s32 $0x1480;
	[sflag:s11] =	ssyncset.done $0x0  }
.LBB2_5:
0x36: {  	s15 =	sadd.s32 $0x1, s3  }
0x37: {  	[sflag:s11] =	ssyncadd.s32 $0xFFFFC000;
	s16 =	smov.u32 s12;
	s12 =	sadd.s32 $0x1, s12  }
0x38: {  	[tilespmem:s9], [sflag:s1] =	stream.indirect.gather [hbm4b:s5+s21], $0x80, s14, s21, $0xb8;
	[tilespmem:$0x1E800] =	vst v63  }
0x39: {  	p2 =	sne.s32 s10, s12;
	s1 =	smov.u32 s15;
	_ =	swait.ge [sflag:s15], $0x4000  }
.Ltmp2:
0x3a: {  	s9 =	sshll.u32 s3, $0xE;
	[sflag:s1] =	ssyncset.done $0x0;
	(pc) =	sbr.rel @p2 .LBB2_5-.Ltmp2, $4  }
0x3b: {  	s11 =	sadd.s32 $0x3, s3;
	s9 =	sor.u32 $0x2800, s9;
	[sflag:s1] =	ssyncadd.s32 $0xFFFFC000  }
0x3c: {  	[spmem:s2] =	stream.indirect.scatter.add.f32 [tilespmem:s9], [sflag:s11], $0x80, s6, s21, $0xb8;
	[tilespmem:$0x1E800] =	vst v63  }
0x3d: {  	s14 =	smov.u32 s8;
	s6 =	sadd.s32 $0x80, s6;
	_ =	swait.ge [sflag:s11], $0x4000  }
0x3e: {  	s3 =	sand.u32 $0x1, s16;
	s8 =	sadd.s32 $0x80, s8;
	[sflag:s11] =	ssyncset.done $0x0  }
.LBB2_6:
0x3f: {  	s12 =	sadd.s32 $0x1, s3;
	[sflag:s11] =	ssyncadd.s32 @p1 $0xFFFFC000  }
0x40: {  	[tilespmem:s9], [sflag:s1] =	stream.indirect.gather @p1 [hbm4b:s5+s21], $0x80, s14, s21, $0xb8;
	[tilespmem:$0x1E800] =	vst v63  }
0x41: {  	_ =	swait.ge [sflag:s12], $0x4000  }
0x42: {  	s9 =	sshll.u32 s3, $0xE;
	[sflag:s12] =	ssyncset.done $0x0  }
0x43: {  	s11 =	sadd.s32 $0x3, s3;
	s1 =	sor.u32 $0x2800, s9;
	[sflag:s12] =	ssyncadd.s32 $0xFFFFC000  }
0x44: {  	[spmem:s2] =	stream.indirect.scatter.add.f32 [tilespmem:s1], [sflag:s11], $0x80, s6, s21, $0xb8;
	[tilespmem:$0x1E800] =	vst v63  }
0x45: {  	_ =	swait.ge [sflag:s11], $0x4000  }
0x46: {  	[sflag:s11] =	ssyncset.done $0x0  }
0x47: {  	[sflag:s11] =	ssyncadd.s32 $0xFFFFC000  }
0x48: {  	[tilespmem:s1], [sflag:s12] =	stream.indirect.gather [hbm4b:s5+s21], $0x80, s8, s21, $0xb8;
	[tilespmem:$0x1E800] =	vst v63  }
0x49: {  	_ =	swait.ge [sflag:s24], $0x4000  }
0x4a: {  	[sflag:s24] =	ssyncset.done $0x0  }
0x4b: {  	s12 =	rddreg [dreg:$0xb];
	[sflag:s24] =	ssyncadd.s32 $0xFFFFC000  }
0x4c: {  	[spmem:s2] =	stream.indirect.scatter.add.f32 [tilespmem:s22], [sflag:$0x3], $0x80, s12, s21, $0xb8;
	[tilespmem:$0x1E800] =	vst v63  }
0x4d: {  	_ =	swait.ge [sflag:s25], $0x4000  }
0x4e: {  	[sflag:s25] =	ssyncset.done $0x0  }
0x4f: {  	[sflag:s25] =	ssyncadd.s32 $0xFFFFC000  }
0x50: {  	_ =	swait.ge [sflag:s26], $0x4000  }
0x51: {  	[sflag:s26] =	ssyncset.done $0x0  }
0x52: {  	[sflag:s26] =	ssyncadd.s32 $0xFFFFC000  }
0x53: {  	[spmem:s2] =	stream.indirect.scatter.add.f32 [tilespmem:s23], [sflag:$0x4], $0x80, s17, s21, $0xb8;
	[tilespmem:$0x1E800] =	vst v63  }
0x54: {  	_ =	swait.ge [sflag:s28], $0x4000  }
0x55: {  	[sflag:s28] =	ssyncset.done $0x0  }
0x56: {  	s14 =	simm.s32 $0x0;
	s15 =	rddreg [dreg:$0x7];
	[sflag:s28] =	ssyncadd.s32 $0xFFFFC000  }
0x57: {  	[tilespmem:s14], [sflag:$0x5] =	stream.linear.gather [hbm4b:s15+s14], $0x1400, $0x38;
	[tilespmem:$0x1E800] =	vst v63  }
0x58: {  	_ =	swait.ge [sflag:s20], $0x1400  }
0x59: {  	[sflag:s20] =	ssyncset.done $0x0  }
0x5a: {  	s16 =	rddreg [dreg:$0x8];
	[sflag:s20] =	ssyncadd.s32 $0xFFFFEC00  }
0x5b: {  	[tilespmem:s31], [sflag:$0x5] =	stream.linear.gather [hbm4b:s16+s14], $0x1400, $0x38;
	[tilespmem:$0x1E800] =	vst v63  }
0x5c: {  	p1 =	sne.s32 s13, $0x1;
	_ =	swait.ge [sflag:s20], $0x1400  }
.Ltmp3:
0x5d: {  	[sflag:s20] =	ssyncset.done $0x0;
	(pc) =	sbr.rel @!p1 .LBB2_7-.Ltmp3, $4  }
0x5e: {  	[sflag:s20] =	ssyncadd.s32 $0xFFFFEC00  }
0x5f: {  	[tilespmem:s22], [sflag:$0x1] =	stream.indirect.gather [hbm4b:s5+s21], $0x80, s14, s21, $0xb8;
	[tilespmem:$0x1E800] =	vst v63  }
0x60: {  	s3 =	sand.u32 $0x1, s14;
	s11 =	simm.s32 $0x1  }
0x61: {  	[tilespmem:s23], [sflag:$0x2] =	stream.indirect.gather [hbm4b:s5+s21], $0x80, s21, s21, $0xb8;
	[tilespmem:$0x1E800] =	vst v63  }
0x62: {  	s1 =	sadd.s32 $0x1, s3  }
0x63: {  	s6 =	simm.s32 $0x2;
	p1 =	sne.s32 s13, $0x2;
	_ =	swait.ge [sflag:s1], $0x4000  }
.Ltmp4:
0x64: {  	s8 =	sshll.u32 s3, $0xE;
	[sflag:s1] =	ssyncset.done $0x0;
	(pc) =	sbr.rel @!p1 .LBB2_9-.Ltmp4, $4  }
0x65: {  	s9 =	sadd.s32 $0x3, s3;
	s8 =	sor.u32 $0x2800, s8;
	[sflag:s1] =	ssyncadd.s32 $0xFFFFC000  }
0x66: {  	[spmem:s2] =	stream.indirect.scatter.add.f32 [tilespmem:s8], [sflag:s9], $0x80, s31, s21, $0xb8;
	[tilespmem:$0x1E800] =	vst v63  }
0x67: {  	s3 =	sand.u32 $0x1, s11;
	s11 =	simm.s32 $0x180;
	_ =	swait.ge [sflag:s9], $0x4000  }
0x68: {  	p0 =	por $0x1, $0x1;
	s31 =	simm.s32 $0x1480;
	[sflag:s9] =	ssyncset.done $0x0  }
.LBB2_10:
0x69: {  	s12 =	sadd.s32 $0x1, s3  }
0x6a: {  	[sflag:s9] =	ssyncadd.s32 $0xFFFFC000;
	s14 =	smov.u32 s6;
	s6 =	sadd.s32 $0x1, s6  }
0x6b: {  	[tilespmem:s8], [sflag:s1] =	stream.indirect.gather [hbm4b:s5+s21], $0x80, s0, s21, $0xb8;
	[tilespmem:$0x1E800] =	vst v63  }
0x6c: {  	p1 =	sne.s32 s13, s6;
	s1 =	smov.u32 s12;
	_ =	swait.ge [sflag:s12], $0x4000  }
.Ltmp5:
0x6d: {  	s0 =	sshll.u32 s3, $0xE;
	[sflag:s1] =	ssyncset.done $0x0;
	(pc) =	sbr.rel @p1 .LBB2_10-.Ltmp5, $4  }
0x6e: {  	s9 =	sadd.s32 $0x3, s3;
	s8 =	sor.u32 $0x2800, s0;
	[sflag:s1] =	ssyncadd.s32 $0xFFFFC000  }
0x6f: {  	[spmem:s2] =	stream.indirect.scatter.add.f32 [tilespmem:s8], [sflag:s9], $0x80, s31, s21, $0xb8;
	[tilespmem:$0x1E800] =	vst v63  }
0x70: {  	s0 =	smov.u32 s11;
	s31 =	sadd.s32 $0x80, s31;
	_ =	swait.ge [sflag:s9], $0x4000  }
0x71: {  	s3 =	sand.u32 $0x1, s14;
	s11 =	sadd.s32 $0x80, s11;
	[sflag:s9] =	ssyncset.done $0x0  }
0x72: {  	s6 =	smov.u32 s0;
	s0 =	smov.u32 s11  }
.LBB2_12:
0x73: {  	s11 =	sadd.s32 $0x1, s3;
	[sflag:s9] =	ssyncadd.s32 @p0 $0xFFFFC000  }
0x74: {  	[tilespmem:s8], [sflag:s1] =	stream.indirect.gather @p0 [hbm4b:s5+s21], $0x80, s6, s21, $0xb8;
	[tilespmem:$0x1E800] =	vst v63  }
0x75: {  	_ =	swait.ge [sflag:s11], $0x4000  }
0x76: {  	s14 =	sshll.u32 s3, $0xE;
	[sflag:s11] =	ssyncset.done $0x0  }
0x77: {  	s15 =	sadd.s32 $0x3, s3;
	s1 =	sor.u32 $0x2800, s14;
	[sflag:s11] =	ssyncadd.s32 $0xFFFFC000  }
0x78: {  	[spmem:s2] =	stream.indirect.scatter.add.f32 [tilespmem:s1], [sflag:s15], $0x80, s31, s21, $0xb8;
	[tilespmem:$0x1E800] =	vst v63  }
0x79: {  	_ =	swait.ge [sflag:s15], $0x4000  }
0x7a: {  	[sflag:s15] =	ssyncset.done $0x0  }
0x7b: {  	[sflag:s15] =	ssyncadd.s32 $0xFFFFC000  }
0x7c: {  	[tilespmem:s1], [sflag:s11] =	stream.indirect.gather [hbm4b:s5+s21], $0x80, s0, s21, $0xb8;
	[tilespmem:$0x1E800] =	vst v63  }
0x7d: {  	_ =	swait.ge [sflag:s24], $0x4000  }
0x7e: {  	[sflag:s24] =	ssyncset.done $0x0  }
0x7f: {  	[sflag:s24] =	ssyncadd.s32 $0xFFFFC000  }
0x80: {  	[spmem:s2] =	stream.indirect.scatter.add.f32 [tilespmem:s22], [sflag:$0x3], $0x80, s18, s21, $0xb8;
	[tilespmem:$0x1E800] =	vst v63  }
0x81: {  	_ =	swait.ge [sflag:s25], $0x4000  }
0x82: {  	[sflag:s25] =	ssyncset.done $0x0  }
0x83: {  	[sflag:s25] =	ssyncadd.s32 $0xFFFFC000  }
0x84: {  	_ =	swait.ge [sflag:s26], $0x4000  }
0x85: {  	[sflag:s26] =	ssyncset.done $0x0  }
0x86: {  	[sflag:s26] =	ssyncadd.s32 $0xFFFFC000  }
0x87: {  	[spmem:s2] =	stream.indirect.scatter.add.f32 [tilespmem:s23], [sflag:$0x4], $0x80, s19, s21, $0xb8;
	[tilespmem:$0x1E800] =	vst v63  }
0x88: {  	_ =	swait.ge [sflag:s28], $0x4000  }
0x89: {  	[sflag:s28] =	ssyncset.done $0x0  }
0x8a: {  	[sflag:s28] =	ssyncadd.s32 $0xFFFFC000  }
0x8b: {  	[bflag:$0x0] =	sbarrier.arrive $0xFFFF  }
0x8c: {  	s16 =	rddreg [dreg:$0x9]  }
0x8d: {  	[hbm:s16], [sflag:s7] =	dma.local [spmem:s30], $0x2800  }
0x8e: {  	_ =	swait.ge [sflag:s20], $0x2800  }
0x8f: {  	s29 =	sadd.s32 $0x1, s29;
	s31 =	rddreg [dreg:$0xa]  }
0x90: {  	p0 =	sne.s32 s29, s31  }
.Ltmp6:
0x91: {  	_ = 	snop;
	(pc) =	sbr.rel @p0 .LBB2_1-.Ltmp6, $4  }
.Ltmp7:
0x92: {  	_ = 	snop;
	(pc) =	sbr.rel @!p0 .LBB2_13-.Ltmp7, $4  }
0x93: {  	_ = 	snop  }
0x94: {  	[sflag:s20] =	ssyncset.done $0x0  }
0x95: {  	[sflag:s20] =	ssyncadd.s32 $0xFFFFD800  }
0x96: {  	_ = 	snop  }
.LBB2_2:
.Ltmp8:
0x97: {  	(pc) =	sbr.rel .LBB2_6-.Ltmp8, $2  }
0x98: {  	_ =	sdelay $0x2  }
0x99: {  	s6 =	simm.s32 $0x1400;
	s8 =	simm.s32 $0x100;
	p1 =	por $0x0, $0x0  }
.LBB2_7:
.Ltmp9:
0x9a: {  	(pc) =	sbr.rel .LBB2_12-.Ltmp9, $2  }
0x9b: {  	_ =	sdelay $0x2  }
0x9c: {  	_ = 	snop  }
.LBB2_4:
.Ltmp10:
0x9d: {  	(pc) =	sbr.rel .LBB2_6-.Ltmp10, $2  }
0x9e: {  	_ =	sdelay $0x2  }
0x9f: {  	s14 =	simm.s32 $0x100  }
.LBB2_9:
.Ltmp11:
0xa0: {  	(pc) =	sbr.rel .LBB2_12-.Ltmp11, $2  }
0xa1: {  	_ =	sdelay $0x2  }
0xa2: {  	s6 =	simm.s32 $0x100;
	s0 =	simm.s32 $0x180  }
.LBB2_13:
0xa3: {  	_ =	sfence.sel $0x180000  }
0xa4: {  	[bflag:$0x0] =	sbarrier.arrive $0xFFFF  }
0xa5: {  	_ =	strace $0x9000004A  }
0xa6: {  	s0 =	stileid.u32;
	[bflag:$0x2] =	sbarrier.arrive $0xFFFF  }
0xa7: {  	p0 =	sne.s32 s0, $0x0;
	s0 =	rddreg [dreg:$0x3]  }
0xa8: {  	s0 =	sadd.s32 @!p0 $0x100000, s0  }
0xa9: {  	[sflag:s0] =	ssyncadd.tile.s32 @!p0 $0x1;
	_ =	shalt  }
.Lfunc_end2:
_tile_overlayer_lowered:
.L_overlay_start_2:
0xaa: {  	(tag) =	ssettag $0x2  }
0xab: {  	s0 =	rddreg [dreg:$0x0];
	s2 =	stileid.u32  }
0xac: {  	s1 =	rddreg [dreg:$0x1];
	p0 =	sne.s32 s2, $0x0  }
0xad: {  	s3 =	rddreg [dreg:$0x2];
	[bflag:$0x3] =	sbarrier.arrive $0xFFFF;
	s2 =	simm.s32 @!p0 $0x1C05  }
0xae: {  	[timem:s3], [sflag:s2] =	dma.local @!p0 [hbm:s0], s1  }
0xaf: {  	s0 =	simm.s32 @!p0 $0x5  }
0xb0: {  	_ =	swait.ge @!p0 [sflag:s0], s1  }
0xb1: {  	s1 =	ssub.s32 @!p0 $0x0, s1;
	[sflag:s0] =	ssyncset.done @!p0 $0x0  }
0xb2: {  	[sflag:s0] =	ssyncadd.s32 @!p0 s1  }
0xb3: {  	[bflag:$0x3] =	sbarrier.arrive $0xFFFF  }
0xb4: {  	_ =	shalt  }

// kernel: kernel.14.cloned.1.call-start
scs
__scs_entry_jumppad:
0x0: {  	(pc) =	sbr.rel $0x88, $3  }
0x1: {  	(tag) =	ssettag $0x0;
	lr =	simm.s32 $0x1  }
0x2: {  	[smem:$0x3F9D] =	sst lr;
	_ =	strace $0xD0000000  }
0x3: {  	_ = 	snop  }
0x4: {  	_ = 	snop  }
0x5: {  	_ = 	snop  }
0x6: {  	_ = 	snop  }
0x7: {  	_ = 	snop  }
__scs_overlays_trampoline_lowered:
0x8: {  	[smem:$0x3FAC] =	sst s0  }
0x9: {  	[smem:$0x3FAD] =	sst s1  }
0xa: {  	[smem:$0x3FAE] =	sst s2  }
0xb: {  	[smem:$0x3FAF] =	sst s3  }
0xc: {  	[smem:$0x3FB0] =	sst s4  }
0xd: {  	[smem:$0x3FB1] =	sst s5  }
0xe: {  	[smem:$0x3FB2] =	sst s6  }
0xf: {  	[smem:$0x3FB3] =	sst s7  }
0x10: {  	[smem:$0x3FB4] =	sst s8  }
0x11: {  	[smem:$0x3FB5] =	sst s9;
	s0 =	simm.s32 @!p0 $0x0  }
0x12: {  	s1 =	sld [smem:$0x3F9B];
	s0 =	simm.s32 @p0 $0x1  }
0x13: {  	[smem:$0x3FB6] =	sst s0;
	s0 =	simm.s32 @!p1 $0x0  }
0x14: {  	s2 =	sld [smem:$0x3F9A];
	s0 =	simm.s32 @p1 $0x1  }
0x15: {  	[smem:$0x3FB7] =	sst s0;
	s0 =	simm.s32 @!p2 $0x0  }
0x16: {  	s3 =	sld [smem:$0x3FDB];
	s0 =	simm.s32 @p2 $0x1  }
0x17: {  	s4 =	simm.s32 $0x1BF5;
	[smem:$0x3FB9] =	sst s0  }
0x18: {  	s0 =	sld [smem:$0x3F9C];
	_ =	swait.ge [sflag:s4], $0x0  }
0x19: {  	s7 =	sld [smem:$0x3F9D]  }
0x1a: {  	s8 =	sadd.s32 $0xFFFFE003, lr  }
0x1b: {  	s9 =	sadd.s32 $0xFFFFFEF7, lr;
	s5 =	simm.s32 $0xFFFFFFFF;
	p2 =	slt.u32 s8, $0xFFFFF086  }
0x1c: {  	p1 =	slt.u32 s9, $0xF7A;
	s5 =	simm.s32 @!p2 $0x0  }
0x1d: {  	s5 =	simm.s32 @p1 $0x1;
	p0 =	seq.s32 s7, s2  }
0x1e: {  	s7 =	smul.u32 @!p0 $0xF7A, s2;
	p2 =	seq.s32 @!p0 s5, $0x0  }
0x1f: {  	s9 =	smul.u32 $0xF7A, s1;
	s8 =	simm.s32 @!p0 $0x1BF5;
	p2 =	por !p2, p0  }
0x20: {  	[sflag:s8] =	ssyncset.s32 @!p0 $0xFFFFF086;
	s6 =	sadd.s32 @!p0 s3, s7;
	s7 =	simm.s32 @!p0 $0x108  }
0x21: {  	s3 =	sadd.s32 s3, s9;
	s6 =	sadd.s32 @!p0 $0x88, s6;
	s7 =	simm.s32 @p2 $0x1082  }
0x22: {  	[simem:s7], [sflag:s8] =	dma.local @!p0 [hbm:s6], $0xF7A  }
0x23: {  	s9 =	sor.u32 $0xD0000000, s2;
	s6 =	simm.s32 $0x108;
	_ =	swait.ge @!p0 [sflag:s8], $0x0  }
0x24: {  	s3 =	sadd.s32 $0x88, s3;
	s6 =	simm.s32 @!p1 $0x1082;
	[sflag:s4] =	ssyncset.s32 $0xFFFFF086  }
0x25: {  	[simem:s6], [sflag:s4] =	dma.local [hbm:s3], $0xF7A  }
0x26: {  	[smem:$0x3F9D] =	sst s1;
	(tag) =	ssettag s2;
	_ =	strace s9  }
0x27: {  	s1 =	sld [smem:$0x3FAD]  }
0x28: {  	s2 =	sld [smem:$0x3FAE]  }
0x29: {  	s4 =	sld [smem:$0x3FB0]  }
0x2a: {  	p0 =	seq.s32 s5, $0x0;
	s5 =	sld [smem:$0x3FB1]  }
0x2b: {  	s6 =	sld [smem:$0x3FB2]  }
0x2c: {  	s7 =	sld [smem:$0x3FB3]  }
0x2d: {  	s3 =	simm.s32 $0x108;
	s8 =	sld [smem:$0x3FB4]  }
0x2e: {  	s3 =	simm.s32 @!p0 $0x1082;
	s9 =	sld [smem:$0x3FB5]  }
0x2f: {  	lr =	sadd.s32 s0, s3;
	s0 =	sld [smem:$0x3FAC]  }
0x30: {  	s3 =	sld [smem:$0x3FAF]  }
0x31: {  	[smem:$0x3FB8] =	sst s10  }
0x32: {  	s10 =	sld [smem:$0x3FB6];
	_ =	sdelay $0x3  }
0x33: {  	p0 =	seq.s32 s10, $0x1;
	s10 =	sld [smem:$0x3FB8];
	_ =	sdelay $0x3  }
0x34: {  	[smem:$0x3FB8] =	sst s10  }
0x35: {  	s10 =	sld [smem:$0x3FB7];
	_ =	sdelay $0x3  }
0x36: {  	p1 =	seq.s32 s10, $0x1;
	s10 =	sld [smem:$0x3FB8];
	_ =	sdelay $0x3  }
0x37: {  	[smem:$0x3FB8] =	sst s10  }
0x38: {  	s10 =	sld [smem:$0x3FB9]  }
0x39: {  	_ = 	snop;
	(pc) =	sbr.ind lr, $3  }
0x3a: {  	_ = 	snop  }
0x3b: {  	_ = 	snop  }
0x3c: {  	p2 =	seq.s32 s10, $0x1;
	s10 =	sld [smem:$0x3FB8]  }
0x3d: {  	_ =	shalt  }
0x3e: {  	_ =	shalt  }
0x3f: {  	_ =	shalt  }
0x40: {  	_ =	shalt  }
0x41: {  	_ =	shalt  }
0x42: {  	_ =	shalt  }
0x43: {  	_ =	shalt  }
0x44: {  	_ =	shalt  }
0x45: {  	_ =	shalt  }
0x46: {  	_ =	shalt  }
0x47: {  	_ =	shalt  }
0x48: {  	_ =	shalt  }
0x49: {  	_ =	shalt  }
0x4a: {  	_ =	shalt  }
0x4b: {  	_ =	shalt  }
0x4c: {  	_ =	shalt  }
0x4d: {  	_ =	shalt  }
0x4e: {  	_ =	shalt  }
0x4f: {  	_ =	shalt  }
0x50: {  	_ =	shalt  }
0x51: {  	_ =	shalt  }
0x52: {  	_ =	shalt  }
0x53: {  	_ =	shalt  }
0x54: {  	_ =	shalt  }
0x55: {  	_ =	shalt  }
0x56: {  	_ =	shalt  }
0x57: {  	_ =	shalt  }
0x58: {  	_ =	shalt  }
0x59: {  	_ =	shalt  }
0x5a: {  	_ =	shalt  }
0x5b: {  	_ =	shalt  }
0x5c: {  	_ =	shalt  }
0x5d: {  	_ =	shalt  }
0x5e: {  	_ =	shalt  }
0x5f: {  	_ =	shalt  }
0x60: {  	_ =	shalt  }
0x61: {  	_ =	shalt  }
0x62: {  	_ =	shalt  }
0x63: {  	_ =	shalt  }
0x64: {  	_ =	shalt  }
0x65: {  	_ =	shalt  }
0x66: {  	_ =	shalt  }
0x67: {  	_ =	shalt  }
0x68: {  	_ =	shalt  }
0x69: {  	_ =	shalt  }
0x6a: {  	_ =	shalt  }
0x6b: {  	_ =	shalt  }
0x6c: {  	_ =	shalt  }
0x6d: {  	_ =	shalt  }
0x6e: {  	_ =	shalt  }
0x6f: {  	_ =	shalt  }
0x70: {  	_ =	shalt  }
0x71: {  	_ =	shalt  }
0x72: {  	_ =	shalt  }
0x73: {  	_ =	shalt  }
0x74: {  	_ =	shalt  }
0x75: {  	_ =	shalt  }
0x76: {  	_ =	shalt  }
0x77: {  	_ =	shalt  }
0x78: {  	_ =	shalt  }
0x79: {  	_ =	shalt  }
0x7a: {  	_ =	shalt  }
0x7b: {  	_ =	shalt  }
0x7c: {  	_ =	shalt  }
0x7d: {  	_ =	shalt  }
0x7e: {  	_ =	shalt  }
0x7f: {  	_ =	shalt  }
0x80: {  	_ =	shalt  }
0x81: {  	_ =	shalt  }
0x82: {  	_ =	shalt  }
0x83: {  	_ =	shalt  }
0x84: {  	_ =	shalt  }
0x85: {  	_ =	shalt  }
0x86: {  	_ =	shalt  }
0x87: {  	_ =	shalt  }
.Lfunc_end0:
.L_simem_size_0:
called_computation.2_lowered:
.L_overlay_start_0:
0x88: {  	s2 =	sld [smem:$0x3FD9]  }
0x89: {  	s3 =	sld [smem:$0x3FFE];
	_ =	sdelay $0x1  }
0x8a: {  	s1 =	srdreg.scid  }
0x8b: {  	s0 =	sand.u32 $0x1, s1  }
0x8c: {  	s17 =	sshll.u32 s0, $0xA;
	s2 =	sadd.s32 s3, s2  }
0x8d: {  	s2 =	sadd.s32 s2, s17  }
0x8e: {  	[smem:$0x3FC4] =	sst s2  }
0x8f: {  	_ = 	snop  }
0x90: {  	s2 =	sld [smem:$0x3FD0];
	(tm) =	ssettm $0x1  }
0x91: {  	s18 =	sld [smem:$0x3FFB];
	_ =	sdelay $0x3  }
0x92: {  	_ =	strace s18  }
0x93: {  	s3 =	sld [smem:$0x3FFC];
	_ =	sdelay $0x3  }
0x94: {  	_ =	strace s3  }
0x95: {  	s3 =	sld [smem:$0x3FFD];
	_ =	sdelay $0x3  }
0x96: {  	_ =	strace s3  }
0x97: {  	_ =	strace $0x8FFFFFFF  }
0x98: {  	s19 =	sld [smem:$0x3FDB];
	_ =	sdelay $0x1  }
0x99: {  	s4 =	simm.s32 $_scs_section_size  }
0x9a: {  	s5 =	simm.s32 $_size__tile_overlayer_lowered;
	s6 =	simm.s32 $_tile_overlayer_lowered  }
0x9b: {  	s22 =	simm.s32 $0x1BFF;
	s21 =	sshll.u32 s6, $0x1;
	s3 =	sadd.s32 s4, s19  }
0x9c: {  	s7 =	simm.s32 $0x0;
	s20 =	sshll.u32 s5, $0x1;
	s5 =	sadd.s32 s21, s3  }
0x9d: {  	[timem:s7], [sflag:s22] =	dma.local [hbm:s5], s20  }
0x9e: {  	_ =	swait.ge [sflag:s22], s20  }
0x9f: {  	s4 =	ssub.s32 $0x0, s20;
	[sflag:s22] =	ssyncset.done $0x0  }
0xa0: {  	[sflag:s22] =	ssyncadd.s32 s4;
	_ =	sdelay $0x1  }
0xa1: {  	s23 =	simm.s32 $0x1B8B  }
0xa2: {  	_ =	swait.ge [sflag:s23], $0x1  }
0xa3: {  	[sflag:s23] =	ssyncset.done $0x0  }
0xa4: {  	s25 =	simm.s32 $0x1B8E;
	s24 =	sld [smem:$0x3FFE];
	[sflag:s23] =	ssyncadd.s32 $0xFFFFFFFF  }
0xa5: {  	s26 =	simm.s32 $execute0_lowered;
	[smem:$0x3FD2] =	sst s25  }
0xa6: {  	s5 =	sshll.u32 s26, $0x1;
	_ =	strace $0x8000004C;
	[dreg:$0x1] =	wrdreg $0xFFFFFFFF  }
0xa7: {  	s28 =	simm.s32 $_size_execute0_lowered;
	s3 =	sadd.s32 s3, s5;
	[dreg:$0x0] =	wrdreg $0x0  }
0xa8: {  	s5 =	sshll.u32 s28, $0x1;
	[dreg:$0x2] =	wrdreg s3  }
0xa9: {  	[dreg:$0x3] =	wrdreg s5  }
0xaa: {  	[dreg:$0x4] =	wrdreg $0xC0  }
0xab: {  	_ =	task [dreg:s7], $0x5FFFF  }
0xac: {  	[dreg:$0x1] =	wrdreg $0xFFFFFFFF  }
0xad: {  	[dreg:$0x0] =	wrdreg $0x60  }
0xae: {  	[dreg:$0x2] =	wrdreg s24  }
0xaf: {  	[dreg:$0x3] =	wrdreg s2  }
0xb0: {  	[dreg:$0x4] =	wrdreg $0xA8000  }
0xb1: {  	[dreg:$0x5] =	wrdreg $0x9  }
0xb2: {  	_ =	task.clear_ibuf [dreg:s7], $0x6FFFF;
	_ =	strace $0x9000004C  }
0xb3: {  	s29 =	simm.s32 $0x9;
	_ =	strace $0x8000004E  }
0xb4: {  	_ =	swait.ge [sflag:s29], $0x1  }
0xb5: {  	[sflag:s29] =	ssyncadd.s32 $0xFFFFFFFF  }
0xb6: {  	_ =	strace $0x9000004E  }
0xb7: {  	_ =	sfence  }
0xb8: {  	s30 =	sld [smem:$0x0];
	_ =	sdelay $0x2  }
0xb9: {  	s31 =	sshll.u32 s1, $0xD;
	s1 =	sshrl.u32 s1, $0x2  }
0xba: {  	s3 =	sand.u32 $0x4000, s31;
	s1 =	sadd.s32 s1, s30  }
0xbb: {  	s0 =	sor.u32 s3, s0;
	s1 =	sshll.u32 s1, $0x11  }
0xbc: {  	s0 =	sor.u32 s1, s0  }
0xbd: {  	s0 =	sadd.s32 $0x8F2B, s0  }
0xbe: {  	[sflag:s0] =	ssyncadd.remote.s32 $0x1  }
0xbf: {  	_ =	sfence.sel $0xFFFF  }
0xc0: {  	[dreg:$0x0] =	wrdreg $0xFFFFFFFF;
	(pc) =	sbr.abs _section_cstart, $3  }
0xc1: {  	[dreg:$0x1] =	wrdreg $0xFFFFFFFF  }
0xc2: {  	_ =	task.clear_ibuf [dreg:s7], $0x2FFFF;
	_ =	strace $0x9FFFFFFF  }
0xc3: {  	(tm) =	ssettm $0x7FFFFFFF  }
tec
execute0_lowered:
.L_overlay_start_1:
0x0: {  	(tag) =	ssettag $0x1  }
0x1: {  	s0 =	rddreg [dreg:$0x0]  }
0x2: {  	s2 =	rddreg [dreg:$0x2]  }
0x3: {  	s1 =	srdreg.scid;
	s4 =	simm.s32 $0x0;
	s12 =	stileid.u32  }
0x4: {  	s11 =	simm.s32 $0x50;
	s28 =	simm.s32 $0x4;
	s6 =	smul.u32 $0x14000, s12  }
0x5: {  	s29 =	simm.s32 $0x0;
	s1 =	sand.u32 $0x1, s1;
	s7 =	smul.u32 $0x9, s12  }
0x6: {  	[smem:$0x7FF] =	sst s4;
	s5 =	sadd.s32 $0x16000, s0;
	s10 =	smul.u32 $0x50, s12  }
0x7: {  	s8 =	sadd.s32 $0x2200, s0;
	s14 =	smin.u32 s12, $0x9;
	s16 =	smul.u32 $0x50000, s12  }
0x8: {  	p0 =	slt.u32 s12, $0x9;
	s18 =	sshll.u32 s12, $0x6;
	s3 =	smul.u32 $0x140000, s1  }
0x9: {  	s9 =	ssub.s32 $0x2, s1;
	p1 =	seq.s32 s1, $0x0;
	s11 =	simm.s32 @!p0 $0x48  }
0xa: {  	_ =	strace $0x8000004D;
	s15 =	sshrl.u32 s9, $0x1;
	s11 =	simm.s32 @p1 $0x50  }
0xb: {  	s1 =	sshrl.u32 s16, $0x2;
	s3 =	sadd.s32 s6, s3;
	s6 =	sadd.s32 s14, s7  }
0xc: {  	s9 =	ssub.s32 s9, s15;
	s17 =	sshrl.u32 s11, $0x1;
	s1 =	sadd.s32 s1, s2  }
0xd: {  	s7 =	sadd.s32 $0x1C05, s18;
	s3 =	sshrl.u32 s3, $0x3;
	s6 =	sshll.u32 s6, $0x3  }
0xe: {  	[dreg:$0x4] =	wrdreg s1;
	s19 =	sand.u32 $0x28, s17;
	s26 =	smax.u32 s9, $0x1  }
0xf: {  	s3 =	sadd.s32 s3, s0;
	s6 =	sadd.s32 $0x500, s6;
	s20 =	ssub.s32 s11, s19  }
0x10: {  	s0 =	sadd.s32 $0xC100, s0;
	[dreg:$0xa] =	wrdreg s26;
	s31 =	sshll.u32 s19, $0x7  }
0x11: {  	s26 =	simm.s32 $0x2;
	s6 =	smov.u32 @p1 s10;
	s13 =	sadd.s32 $0xFFFFFFFE, s20  }
0x12: {  	s24 =	sadd.s32 $0x3E000, s3;
	s1 =	sshll.u32 s20, $0x7;
	s17 =	sadd.s32 $0x1380, s31  }
0x13: {  	s20 =	simm.s32 $0x5;
	s10 =	sadd.s32 s19, s6;
	s6 =	sshll.u32 s6, $0x4  }
0x14: {  	[dreg:$0x9] =	wrdreg s24;
	s30 =	sshll.u32 s13, $0x7;
	s24 =	simm.s32 $0x1  }
0x15: {  	s21 =	sshll.u32 s10, $0x4;
	s22 =	sadd.s32 s8, s6;
	s6 =	sadd.s32 s6, s0  }
0x16: {  	s10 =	sadd.s32 $0xFFFFFFFE, s19;
	s19 =	sadd.s32 $0x1380, s1;
	[dreg:$0x5] =	wrdreg s22  }
0x17: {  	[dreg:$0x6] =	wrdreg s6;
	s23 =	sand.u32 $0x1FFFFF80, s21;
	s8 =	sadd.s32 s8, s21  }
0x18: {  	s25 =	sshll.u32 s10, $0x7;
	[dreg:$0x7] =	wrdreg s8;
	s0 =	sadd.s32 s23, s0  }
0x19: {  	s21 =	simm.s32 $0x80;
	[dreg:$0x8] =	wrdreg s0;
	s0 =	sadd.s32 $0x1400, s25  }
0x1a: {  	s22 =	simm.s32 $0x2800;
	[dreg:$0xb] =	wrdreg s0;
	s0 =	sand.u32 $0x3FFFFF00, s30  }
0x1b: {  	s23 =	simm.s32 $0x6800;
	s25 =	simm.s32 $0x3;
	s18 =	sadd.s32 $0x1400, s0  }
.LBB2_1:
0x1c: {  	s0 =	rddreg [dreg:$0x4]  }
0x1d: {  	s14 =	rddreg [dreg:$0x1];
	s30 =	sshrl.u32 s0, $0x3  }
0x1e: {  	[spmem:s30], [sflag:s7] =	dma.local [hbm:s14], $0x2800  }
0x1f: {  	_ =	swait.ge [sflag:s20], $0x2800  }
0x20: {  	[sflag:s20] =	ssyncset.done $0x0  }
0x21: {  	[sflag:s20] =	ssyncadd.s32 $0xFFFFD800  }
0x22: {  	[bflag:$0x0] =	sbarrier.arrive $0xFFFF  }
0x23: {  	s15 =	rddreg [dreg:$0x5]  }
0x24: {  	[tilespmem:s4], [sflag:$0x5] =	stream.linear.gather [hbm4b:s15+s4], $0x1400, $0x38;
	[tilespmem:$0x1E800] =	vst v63  }
0x25: {  	_ =	swait.ge [sflag:s20], $0x1400  }
0x26: {  	[sflag:s20] =	ssyncset.done $0x0  }
0x27: {  	s31 =	simm.s32 $0x1400;
	s16 =	rddreg [dreg:$0x6];
	[sflag:s20] =	ssyncadd.s32 $0xFFFFEC00  }
0x28: {  	[tilespmem:s31], [sflag:$0x5] =	stream.linear.gather [hbm4b:s16+s4], $0x1400, $0x38;
	[tilespmem:$0x1E800] =	vst v63  }
0x29: {  	p1 =	sne.s32 s10, $0x1;
	_ =	swait.ge [sflag:s20], $0x1400  }
.Ltmp0:
0x2a: {  	[sflag:s20] =	ssyncset.done $0x0;
	(pc) =	sbr.rel @!p1 .LBB2_2-.Ltmp0, $4  }
0x2b: {  	s8 =	simm.s32 $0x1;
	[sflag:s20] =	ssyncadd.s32 $0xFFFFEC00  }
0x2c: {  	[tilespmem:s22], [sflag:$0x1] =	stream.indirect.gather [hbm4b:s5+s21], $0x80, s4, s21, $0xb8;
	[tilespmem:$0x1E800] =	vst v63  }
0x2d: {  	s3 =	sand.u32 $0x1, s4;
	p0 =	por $0x0, $0x0;
	s0 =	simm.s32 $0x100  }
0x2e: {  	[tilespmem:s23], [sflag:$0x2] =	stream.indirect.gather [hbm4b:s5+s21], $0x80, s21, s21, $0xb8;
	[tilespmem:$0x1E800] =	vst v63  }
0x2f: {  	s1 =	sadd.s32 $0x1, s3;
	s6 =	sshll.u32 s3, $0xE  }
0x30: {  	s11 =	sadd.s32 $0x3, s3;
	p2 =	sne.s32 s10, $0x2;
	_ =	swait.ge [sflag:s1], $0x4000  }
.Ltmp1:
0x31: {  	s12 =	simm.s32 $0x2;
	[sflag:s1] =	ssyncset.done $0x0;
	(pc) =	sbr.rel @!p2 .LBB2_4-.Ltmp1, $4  }
0x32: {  	s3 =	sand.u32 $0x1, s8;
	s9 =	sor.u32 $0x2800, s6;
	[sflag:s1] =	ssyncadd.s32 $0xFFFFC000  }
0x33: {  	[spmem:s2] =	stream.indirect.scatter.add.f32 [tilespmem:s9], [sflag:s11], $0x80, s31, s21, $0xb8;
	[tilespmem:$0x1E800] =	vst v63  }
0x34: {  	s8 =	simm.s32 $0x180;
	p1 =	por $0x1, $0x1;
	_ =	swait.ge [sflag:s11], $0x4000  }
0x35: {  	s14 =	simm.s32 $0x100;
	s6 =	simm.s32 $0x1480;
	[sflag:s11] =	ssyncset.done $0x0  }
.LBB2_5:
0x36: {  	s15 =	sadd.s32 $0x1, s3  }
0x37: {  	[sflag:s11] =	ssyncadd.s32 $0xFFFFC000;
	s16 =	smov.u32 s12;
	s12 =	sadd.s32 $0x1, s12  }
0x38: {  	[tilespmem:s9], [sflag:s1] =	stream.indirect.gather [hbm4b:s5+s21], $0x80, s14, s21, $0xb8;
	[tilespmem:$0x1E800] =	vst v63  }
0x39: {  	p2 =	sne.s32 s10, s12;
	s1 =	smov.u32 s15;
	_ =	swait.ge [sflag:s15], $0x4000  }
.Ltmp2:
0x3a: {  	s9 =	sshll.u32 s3, $0xE;
	[sflag:s1] =	ssyncset.done $0x0;
	(pc) =	sbr.rel @p2 .LBB2_5-.Ltmp2, $4  }
0x3b: {  	s11 =	sadd.s32 $0x3, s3;
	s9 =	sor.u32 $0x2800, s9;
	[sflag:s1] =	ssyncadd.s32 $0xFFFFC000  }
0x3c: {  	[spmem:s2] =	stream.indirect.scatter.add.f32 [tilespmem:s9], [sflag:s11], $0x80, s6, s21, $0xb8;
	[tilespmem:$0x1E800] =	vst v63  }
0x3d: {  	s14 =	smov.u32 s8;
	s6 =	sadd.s32 $0x80, s6;
	_ =	swait.ge [sflag:s11], $0x4000  }
0x3e: {  	s3 =	sand.u32 $0x1, s16;
	s8 =	sadd.s32 $0x80, s8;
	[sflag:s11] =	ssyncset.done $0x0  }
.LBB2_6:
0x3f: {  	s12 =	sadd.s32 $0x1, s3;
	[sflag:s11] =	ssyncadd.s32 @p1 $0xFFFFC000  }
0x40: {  	[tilespmem:s9], [sflag:s1] =	stream.indirect.gather @p1 [hbm4b:s5+s21], $0x80, s14, s21, $0xb8;
	[tilespmem:$0x1E800] =	vst v63  }
0x41: {  	_ =	swait.ge [sflag:s12], $0x4000  }
0x42: {  	s9 =	sshll.u32 s3, $0xE;
	[sflag:s12] =	ssyncset.done $0x0  }
0x43: {  	s11 =	sadd.s32 $0x3, s3;
	s1 =	sor.u32 $0x2800, s9;
	[sflag:s12] =	ssyncadd.s32 $0xFFFFC000  }
0x44: {  	[spmem:s2] =	stream.indirect.scatter.add.f32 [tilespmem:s1], [sflag:s11], $0x80, s6, s21, $0xb8;
	[tilespmem:$0x1E800] =	vst v63  }
0x45: {  	_ =	swait.ge [sflag:s11], $0x4000  }
0x46: {  	[sflag:s11] =	ssyncset.done $0x0  }
0x47: {  	[sflag:s11] =	ssyncadd.s32 $0xFFFFC000  }
0x48: {  	[tilespmem:s1], [sflag:s12] =	stream.indirect.gather [hbm4b:s5+s21], $0x80, s8, s21, $0xb8;
	[tilespmem:$0x1E800] =	vst v63  }
0x49: {  	_ =	swait.ge [sflag:s24], $0x4000  }
0x4a: {  	[sflag:s24] =	ssyncset.done $0x0  }
0x4b: {  	s12 =	rddreg [dreg:$0xb];
	[sflag:s24] =	ssyncadd.s32 $0xFFFFC000  }
0x4c: {  	[spmem:s2] =	stream.indirect.scatter.add.f32 [tilespmem:s22], [sflag:$0x3], $0x80, s12, s21, $0xb8;
	[tilespmem:$0x1E800] =	vst v63  }
0x4d: {  	_ =	swait.ge [sflag:s25], $0x4000  }
0x4e: {  	[sflag:s25] =	ssyncset.done $0x0  }
0x4f: {  	[sflag:s25] =	ssyncadd.s32 $0xFFFFC000  }
0x50: {  	_ =	swait.ge [sflag:s26], $0x4000  }
0x51: {  	[sflag:s26] =	ssyncset.done $0x0  }
0x52: {  	[sflag:s26] =	ssyncadd.s32 $0xFFFFC000  }
0x53: {  	[spmem:s2] =	stream.indirect.scatter.add.f32 [tilespmem:s23], [sflag:$0x4], $0x80, s17, s21, $0xb8;
	[tilespmem:$0x1E800] =	vst v63  }
0x54: {  	_ =	swait.ge [sflag:s28], $0x4000  }
0x55: {  	[sflag:s28] =	ssyncset.done $0x0  }
0x56: {  	s14 =	simm.s32 $0x0;
	s15 =	rddreg [dreg:$0x7];
	[sflag:s28] =	ssyncadd.s32 $0xFFFFC000  }
0x57: {  	[tilespmem:s14], [sflag:$0x5] =	stream.linear.gather [hbm4b:s15+s14], $0x1400, $0x38;
	[tilespmem:$0x1E800] =	vst v63  }
0x58: {  	_ =	swait.ge [sflag:s20], $0x1400  }
0x59: {  	[sflag:s20] =	ssyncset.done $0x0  }
0x5a: {  	s16 =	rddreg [dreg:$0x8];
	[sflag:s20] =	ssyncadd.s32 $0xFFFFEC00  }
0x5b: {  	[tilespmem:s31], [sflag:$0x5] =	stream.linear.gather [hbm4b:s16+s14], $0x1400, $0x38;
	[tilespmem:$0x1E800] =	vst v63  }
0x5c: {  	p1 =	sne.s32 s13, $0x1;
	_ =	swait.ge [sflag:s20], $0x1400  }
.Ltmp3:
0x5d: {  	[sflag:s20] =	ssyncset.done $0x0;
	(pc) =	sbr.rel @!p1 .LBB2_7-.Ltmp3, $4  }
0x5e: {  	[sflag:s20] =	ssyncadd.s32 $0xFFFFEC00  }
0x5f: {  	[tilespmem:s22], [sflag:$0x1] =	stream.indirect.gather [hbm4b:s5+s21], $0x80, s14, s21, $0xb8;
	[tilespmem:$0x1E800] =	vst v63  }
0x60: {  	s3 =	sand.u32 $0x1, s14;
	s11 =	simm.s32 $0x1  }
0x61: {  	[tilespmem:s23], [sflag:$0x2] =	stream.indirect.gather [hbm4b:s5+s21], $0x80, s21, s21, $0xb8;
	[tilespmem:$0x1E800] =	vst v63  }
0x62: {  	s1 =	sadd.s32 $0x1, s3  }
0x63: {  	s6 =	simm.s32 $0x2;
	p1 =	sne.s32 s13, $0x2;
	_ =	swait.ge [sflag:s1], $0x4000  }
.Ltmp4:
0x64: {  	s8 =	sshll.u32 s3, $0xE;
	[sflag:s1] =	ssyncset.done $0x0;
	(pc) =	sbr.rel @!p1 .LBB2_9-.Ltmp4, $4  }
0x65: {  	s9 =	sadd.s32 $0x3, s3;
	s8 =	sor.u32 $0x2800, s8;
	[sflag:s1] =	ssyncadd.s32 $0xFFFFC000  }
0x66: {  	[spmem:s2] =	stream.indirect.scatter.add.f32 [tilespmem:s8], [sflag:s9], $0x80, s31, s21, $0xb8;
	[tilespmem:$0x1E800] =	vst v63  }
0x67: {  	s3 =	sand.u32 $0x1, s11;
	s11 =	simm.s32 $0x180;
	_ =	swait.ge [sflag:s9], $0x4000  }
0x68: {  	p0 =	por $0x1, $0x1;
	s31 =	simm.s32 $0x1480;
	[sflag:s9] =	ssyncset.done $0x0  }
.LBB2_10:
0x69: {  	s12 =	sadd.s32 $0x1, s3  }
0x6a: {  	[sflag:s9] =	ssyncadd.s32 $0xFFFFC000;
	s14 =	smov.u32 s6;
	s6 =	sadd.s32 $0x1, s6  }
0x6b: {  	[tilespmem:s8], [sflag:s1] =	stream.indirect.gather [hbm4b:s5+s21], $0x80, s0, s21, $0xb8;
	[tilespmem:$0x1E800] =	vst v63  }
0x6c: {  	p1 =	sne.s32 s13, s6;
	s1 =	smov.u32 s12;
	_ =	swait.ge [sflag:s12], $0x4000  }
.Ltmp5:
0x6d: {  	s0 =	sshll.u32 s3, $0xE;
	[sflag:s1] =	ssyncset.done $0x0;
	(pc) =	sbr.rel @p1 .LBB2_10-.Ltmp5, $4  }
0x6e: {  	s9 =	sadd.s32 $0x3, s3;
	s8 =	sor.u32 $0x2800, s0;
	[sflag:s1] =	ssyncadd.s32 $0xFFFFC000  }
0x6f: {  	[spmem:s2] =	stream.indirect.scatter.add.f32 [tilespmem:s8], [sflag:s9], $0x80, s31, s21, $0xb8;
	[tilespmem:$0x1E800] =	vst v63  }
0x70: {  	s0 =	smov.u32 s11;
	s31 =	sadd.s32 $0x80, s31;
	_ =	swait.ge [sflag:s9], $0x4000  }
0x71: {  	s3 =	sand.u32 $0x1, s14;
	s11 =	sadd.s32 $0x80, s11;
	[sflag:s9] =	ssyncset.done $0x0  }
0x72: {  	s6 =	smov.u32 s0;
	s0 =	smov.u32 s11  }
.LBB2_12:
0x73: {  	s11 =	sadd.s32 $0x1, s3;
	[sflag:s9] =	ssyncadd.s32 @p0 $0xFFFFC000  }
0x74: {  	[tilespmem:s8], [sflag:s1] =	stream.indirect.gather @p0 [hbm4b:s5+s21], $0x80, s6, s21, $0xb8;
	[tilespmem:$0x1E800] =	vst v63  }
0x75: {  	_ =	swait.ge [sflag:s11], $0x4000  }
0x76: {  	s14 =	sshll.u32 s3, $0xE;
	[sflag:s11] =	ssyncset.done $0x0  }
0x77: {  	s15 =	sadd.s32 $0x3, s3;
	s1 =	sor.u32 $0x2800, s14;
	[sflag:s11] =	ssyncadd.s32 $0xFFFFC000  }
0x78: {  	[spmem:s2] =	stream.indirect.scatter.add.f32 [tilespmem:s1], [sflag:s15], $0x80, s31, s21, $0xb8;
	[tilespmem:$0x1E800] =	vst v63  }
0x79: {  	_ =	swait.ge [sflag:s15], $0x4000  }
0x7a: {  	[sflag:s15] =	ssyncset.done $0x0  }
0x7b: {  	[sflag:s15] =	ssyncadd.s32 $0xFFFFC000  }
0x7c: {  	[tilespmem:s1], [sflag:s11] =	stream.indirect.gather [hbm4b:s5+s21], $0x80, s0, s21, $0xb8;
	[tilespmem:$0x1E800] =	vst v63  }
0x7d: {  	_ =	swait.ge [sflag:s24], $0x4000  }
0x7e: {  	[sflag:s24] =	ssyncset.done $0x0  }
0x7f: {  	[sflag:s24] =	ssyncadd.s32 $0xFFFFC000  }
0x80: {  	[spmem:s2] =	stream.indirect.scatter.add.f32 [tilespmem:s22], [sflag:$0x3], $0x80, s18, s21, $0xb8;
	[tilespmem:$0x1E800] =	vst v63  }
0x81: {  	_ =	swait.ge [sflag:s25], $0x4000  }
0x82: {  	[sflag:s25] =	ssyncset.done $0x0  }
0x83: {  	[sflag:s25] =	ssyncadd.s32 $0xFFFFC000  }
0x84: {  	_ =	swait.ge [sflag:s26], $0x4000  }
0x85: {  	[sflag:s26] =	ssyncset.done $0x0  }
0x86: {  	[sflag:s26] =	ssyncadd.s32 $0xFFFFC000  }
0x87: {  	[spmem:s2] =	stream.indirect.scatter.add.f32 [tilespmem:s23], [sflag:$0x4], $0x80, s19, s21, $0xb8;
	[tilespmem:$0x1E800] =	vst v63  }
0x88: {  	_ =	swait.ge [sflag:s28], $0x4000  }
0x89: {  	[sflag:s28] =	ssyncset.done $0x0  }
0x8a: {  	[sflag:s28] =	ssyncadd.s32 $0xFFFFC000  }
0x8b: {  	[bflag:$0x0] =	sbarrier.arrive $0xFFFF  }
0x8c: {  	s16 =	rddreg [dreg:$0x9]  }
0x8d: {  	[hbm:s16], [sflag:s7] =	dma.local [spmem:s30], $0x2800  }
0x8e: {  	_ =	swait.ge [sflag:s20], $0x2800  }
0x8f: {  	s29 =	sadd.s32 $0x1, s29;
	s31 =	rddreg [dreg:$0xa]  }
0x90: {  	p0 =	sne.s32 s29, s31  }
.Ltmp6:
0x91: {  	_ = 	snop;
	(pc) =	sbr.rel @p0 .LBB2_1-.Ltmp6, $4  }
.Ltmp7:
0x92: {  	_ = 	snop;
	(pc) =	sbr.rel @!p0 .LBB2_13-.Ltmp7, $4  }
0x93: {  	_ = 	snop  }
0x94: {  	[sflag:s20] =	ssyncset.done $0x0  }
0x95: {  	[sflag:s20] =	ssyncadd.s32 $0xFFFFD800  }
0x96: {  	_ = 	snop  }
.LBB2_2:
.Ltmp8:
0x97: {  	(pc) =	sbr.rel .LBB2_6-.Ltmp8, $2  }
0x98: {  	_ =	sdelay $0x2  }
0x99: {  	s6 =	simm.s32 $0x1400;
	s8 =	simm.s32 $0x100;
	p1 =	por $0x0, $0x0  }
.LBB2_7:
.Ltmp9:
0x9a: {  	(pc) =	sbr.rel .LBB2_12-.Ltmp9, $2  }
0x9b: {  	_ =	sdelay $0x2  }
0x9c: {  	_ = 	snop  }
.LBB2_4:
.Ltmp10:
0x9d: {  	(pc) =	sbr.rel .LBB2_6-.Ltmp10, $2  }
0x9e: {  	_ =	sdelay $0x2  }
0x9f: {  	s14 =	simm.s32 $0x100  }
.LBB2_9:
.Ltmp11:
0xa0: {  	(pc) =	sbr.rel .LBB2_12-.Ltmp11, $2  }
0xa1: {  	_ =	sdelay $0x2  }
0xa2: {  	s6 =	simm.s32 $0x100;
	s0 =	simm.s32 $0x180  }
.LBB2_13:
0xa3: {  	_ =	sfence.sel $0x180000  }
0xa4: {  	[bflag:$0x0] =	sbarrier.arrive $0xFFFF  }
0xa5: {  	_ =	strace $0x9000004D  }
0xa6: {  	s0 =	stileid.u32;
	[bflag:$0x2] =	sbarrier.arrive $0xFFFF  }
0xa7: {  	p0 =	sne.s32 s0, $0x0;
	s0 =	rddreg [dreg:$0x3]  }
0xa8: {  	s0 =	sadd.s32 @!p0 $0x100000, s0  }
0xa9: {  	[sflag:s0] =	ssyncadd.tile.s32 @!p0 $0x1;
	_ =	shalt  }
.Lfunc_end2:
_tile_overlayer_lowered:
.L_overlay_start_2:
0xaa: {  	(tag) =	ssettag $0x2  }
0xab: {  	s0 =	rddreg [dreg:$0x0];
	s2 =	stileid.u32  }
0xac: {  	s1 =	rddreg [dreg:$0x1];
	p0 =	sne.s32 s2, $0x0  }
0xad: {  	s3 =	rddreg [dreg:$0x2];
	[bflag:$0x3] =	sbarrier.arrive $0xFFFF;
	s2 =	simm.s32 @!p0 $0x1C05  }
0xae: {  	[timem:s3], [sflag:s2] =	dma.local @!p0 [hbm:s0], s1  }
0xaf: {  	s0 =	simm.s32 @!p0 $0x5  }
0xb0: {  	_ =	swait.ge @!p0 [sflag:s0], s1  }
0xb1: {  	s1 =	ssub.s32 @!p0 $0x0, s1;
	[sflag:s0] =	ssyncset.done @!p0 $0x0  }
0xb2: {  	[sflag:s0] =	ssyncadd.s32 @!p0 s1  }
0xb3: {  	[bflag:$0x3] =	sbarrier.arrive $0xFFFF  }
0xb4: {  	_ =	shalt  }

// kernel: kernel.8.cloned.1.call-start
scs
__scs_entry_jumppad:
0x0: {  	(pc) =	sbr.rel $0x88, $3  }
0x1: {  	(tag) =	ssettag $0x0;
	lr =	simm.s32 $0x1  }
0x2: {  	[smem:$0x3F9D] =	sst lr;
	_ =	strace $0xD0000000  }
0x3: {  	_ = 	snop  }
0x4: {  	_ = 	snop  }
0x5: {  	_ = 	snop  }
0x6: {  	_ = 	snop  }
0x7: {  	_ = 	snop  }
__scs_overlays_trampoline_lowered:
0x8: {  	[smem:$0x3FAC] =	sst s0  }
0x9: {  	[smem:$0x3FAD] =	sst s1  }
0xa: {  	[smem:$0x3FAE] =	sst s2  }
0xb: {  	[smem:$0x3FAF] =	sst s3  }
0xc: {  	[smem:$0x3FB0] =	sst s4  }
0xd: {  	[smem:$0x3FB1] =	sst s5  }
0xe: {  	[smem:$0x3FB2] =	sst s6  }
0xf: {  	[smem:$0x3FB3] =	sst s7  }
0x10: {  	[smem:$0x3FB4] =	sst s8  }
0x11: {  	[smem:$0x3FB5] =	sst s9;
	s0 =	simm.s32 @!p0 $0x0  }
0x12: {  	s1 =	sld [smem:$0x3F9B];
	s0 =	simm.s32 @p0 $0x1  }
0x13: {  	[smem:$0x3FB6] =	sst s0;
	s0 =	simm.s32 @!p1 $0x0  }
0x14: {  	s2 =	sld [smem:$0x3F9A];
	s0 =	simm.s32 @p1 $0x1  }
0x15: {  	[smem:$0x3FB7] =	sst s0;
	s0 =	simm.s32 @!p2 $0x0  }
0x16: {  	s3 =	sld [smem:$0x3FDB];
	s0 =	simm.s32 @p2 $0x1  }
0x17: {  	s4 =	simm.s32 $0x1BF5;
	[smem:$0x3FB9] =	sst s0  }
0x18: {  	s0 =	sld [smem:$0x3F9C];
	_ =	swait.ge [sflag:s4], $0x0  }
0x19: {  	s7 =	sld [smem:$0x3F9D]  }
0x1a: {  	s8 =	sadd.s32 $0xFFFFE003, lr  }
0x1b: {  	s9 =	sadd.s32 $0xFFFFFEF7, lr;
	s5 =	simm.s32 $0xFFFFFFFF;
	p2 =	slt.u32 s8, $0xFFFFF086  }
0x1c: {  	p1 =	slt.u32 s9, $0xF7A;
	s5 =	simm.s32 @!p2 $0x0  }
0x1d: {  	s5 =	simm.s32 @p1 $0x1;
	p0 =	seq.s32 s7, s2  }
0x1e: {  	s7 =	smul.u32 @!p0 $0xF7A, s2;
	p2 =	seq.s32 @!p0 s5, $0x0  }
0x1f: {  	s9 =	smul.u32 $0xF7A, s1;
	s8 =	simm.s32 @!p0 $0x1BF5;
	p2 =	por !p2, p0  }
0x20: {  	[sflag:s8] =	ssyncset.s32 @!p0 $0xFFFFF086;
	s6 =	sadd.s32 @!p0 s3, s7;
	s7 =	simm.s32 @!p0 $0x108  }
0x21: {  	s3 =	sadd.s32 s3, s9;
	s6 =	sadd.s32 @!p0 $0x88, s6;
	s7 =	simm.s32 @p2 $0x1082  }
0x22: {  	[simem:s7], [sflag:s8] =	dma.local @!p0 [hbm:s6], $0xF7A  }
0x23: {  	s9 =	sor.u32 $0xD0000000, s2;
	s6 =	simm.s32 $0x108;
	_ =	swait.ge @!p0 [sflag:s8], $0x0  }
0x24: {  	s3 =	sadd.s32 $0x88, s3;
	s6 =	simm.s32 @!p1 $0x1082;
	[sflag:s4] =	ssyncset.s32 $0xFFFFF086  }
0x25: {  	[simem:s6], [sflag:s4] =	dma.local [hbm:s3], $0xF7A  }
0x26: {  	[smem:$0x3F9D] =	sst s1;
	(tag) =	ssettag s2;
	_ =	strace s9  }
0x27: {  	s1 =	sld [smem:$0x3FAD]  }
0x28: {  	s2 =	sld [smem:$0x3FAE]  }
0x29: {  	s4 =	sld [smem:$0x3FB0]  }
0x2a: {  	p0 =	seq.s32 s5, $0x0;
	s5 =	sld [smem:$0x3FB1]  }
0x2b: {  	s6 =	sld [smem:$0x3FB2]  }
0x2c: {  	s7 =	sld [smem:$0x3FB3]  }
0x2d: {  	s3 =	simm.s32 $0x108;
	s8 =	sld [smem:$0x3FB4]  }
0x2e: {  	s3 =	simm.s32 @!p0 $0x1082;
	s9 =	sld [smem:$0x3FB5]  }
0x2f: {  	lr =	sadd.s32 s0, s3;
	s0 =	sld [smem:$0x3FAC]  }
0x30: {  	s3 =	sld [smem:$0x3FAF]  }
0x31: {  	[smem:$0x3FB8] =	sst s10  }
0x32: {  	s10 =	sld [smem:$0x3FB6];
	_ =	sdelay $0x3  }
0x33: {  	p0 =	seq.s32 s10, $0x1;
	s10 =	sld [smem:$0x3FB8];
	_ =	sdelay $0x3  }
0x34: {  	[smem:$0x3FB8] =	sst s10  }
0x35: {  	s10 =	sld [smem:$0x3FB7];
	_ =	sdelay $0x3  }
0x36: {  	p1 =	seq.s32 s10, $0x1;
	s10 =	sld [smem:$0x3FB8];
	_ =	sdelay $0x3  }
0x37: {  	[smem:$0x3FB8] =	sst s10  }
0x38: {  	s10 =	sld [smem:$0x3FB9]  }
0x39: {  	_ = 	snop;
	(pc) =	sbr.ind lr, $3  }
0x3a: {  	_ = 	snop  }
0x3b: {  	_ = 	snop  }
0x3c: {  	p2 =	seq.s32 s10, $0x1;
	s10 =	sld [smem:$0x3FB8]  }
0x3d: {  	_ =	shalt  }
0x3e: {  	_ =	shalt  }
0x3f: {  	_ =	shalt  }
0x40: {  	_ =	shalt  }
0x41: {  	_ =	shalt  }
0x42: {  	_ =	shalt  }
0x43: {  	_ =	shalt  }
0x44: {  	_ =	shalt  }
0x45: {  	_ =	shalt  }
0x46: {  	_ =	shalt  }
0x47: {  	_ =	shalt  }
0x48: {  	_ =	shalt  }
0x49: {  	_ =	shalt  }
0x4a: {  	_ =	shalt  }
0x4b: {  	_ =	shalt  }
0x4c: {  	_ =	shalt  }
0x4d: {  	_ =	shalt  }
0x4e: {  	_ =	shalt  }
0x4f: {  	_ =	shalt  }
0x50: {  	_ =	shalt  }
0x51: {  	_ =	shalt  }
0x52: {  	_ =	shalt  }
0x53: {  	_ =	shalt  }
0x54: {  	_ =	shalt  }
0x55: {  	_ =	shalt  }
0x56: {  	_ =	shalt  }
0x57: {  	_ =	shalt  }
0x58: {  	_ =	shalt  }
0x59: {  	_ =	shalt  }
0x5a: {  	_ =	shalt  }
0x5b: {  	_ =	shalt  }
0x5c: {  	_ =	shalt  }
0x5d: {  	_ =	shalt  }
0x5e: {  	_ =	shalt  }
0x5f: {  	_ =	shalt  }
0x60: {  	_ =	shalt  }
0x61: {  	_ =	shalt  }
0x62: {  	_ =	shalt  }
0x63: {  	_ =	shalt  }
0x64: {  	_ =	shalt  }
0x65: {  	_ =	shalt  }
0x66: {  	_ =	shalt  }
0x67: {  	_ =	shalt  }
0x68: {  	_ =	shalt  }
0x69: {  	_ =	shalt  }
0x6a: {  	_ =	shalt  }
0x6b: {  	_ =	shalt  }
0x6c: {  	_ =	shalt  }
0x6d: {  	_ =	shalt  }
0x6e: {  	_ =	shalt  }
0x6f: {  	_ =	shalt  }
0x70: {  	_ =	shalt  }
0x71: {  	_ =	shalt  }
0x72: {  	_ =	shalt  }
0x73: {  	_ =	shalt  }
0x74: {  	_ =	shalt  }
0x75: {  	_ =	shalt  }
0x76: {  	_ =	shalt  }
0x77: {  	_ =	shalt  }
0x78: {  	_ =	shalt  }
0x79: {  	_ =	shalt  }
0x7a: {  	_ =	shalt  }
0x7b: {  	_ =	shalt  }
0x7c: {  	_ =	shalt  }
0x7d: {  	_ =	shalt  }
0x7e: {  	_ =	shalt  }
0x7f: {  	_ =	shalt  }
0x80: {  	_ =	shalt  }
0x81: {  	_ =	shalt  }
0x82: {  	_ =	shalt  }
0x83: {  	_ =	shalt  }
0x84: {  	_ =	shalt  }
0x85: {  	_ =	shalt  }
0x86: {  	_ =	shalt  }
0x87: {  	_ =	shalt  }
.Lfunc_end0:
.L_simem_size_0:
called_computation_lowered:
.L_overlay_start_0:
0x88: {  	s2 =	sld [smem:$0x3FD9]  }
0x89: {  	s3 =	sld [smem:$0x3FFE];
	_ =	sdelay $0x1  }
0x8a: {  	s1 =	srdreg.scid  }
0x8b: {  	s0 =	sand.u32 $0x1, s1  }
0x8c: {  	s17 =	sshll.u32 s0, $0xA;
	s2 =	sadd.s32 s3, s2  }
0x8d: {  	s2 =	sadd.s32 s2, s17  }
0x8e: {  	[smem:$0x3FC4] =	sst s2  }
0x8f: {  	_ = 	snop  }
0x90: {  	s2 =	sld [smem:$0x3FD0];
	(tm) =	ssettm $0x1  }
0x91: {  	s18 =	sld [smem:$0x3FFB];
	_ =	sdelay $0x3  }
0x92: {  	_ =	strace s18  }
0x93: {  	s3 =	sld [smem:$0x3FFC];
	_ =	sdelay $0x3  }
0x94: {  	_ =	strace s3  }
0x95: {  	s3 =	sld [smem:$0x3FFD];
	_ =	sdelay $0x3  }
0x96: {  	_ =	strace s3  }
0x97: {  	_ =	strace $0x8FFFFFFF  }
0x98: {  	s19 =	sld [smem:$0x3FDB];
	_ =	sdelay $0x1  }
0x99: {  	s4 =	simm.s32 $_scs_section_size  }
0x9a: {  	s5 =	simm.s32 $_size__tile_overlayer_lowered;
	s6 =	simm.s32 $_tile_overlayer_lowered  }
0x9b: {  	s22 =	simm.s32 $0x1BFF;
	s21 =	sshll.u32 s6, $0x1;
	s3 =	sadd.s32 s4, s19  }
0x9c: {  	s7 =	simm.s32 $0x0;
	s20 =	sshll.u32 s5, $0x1;
	s5 =	sadd.s32 s21, s3  }
0x9d: {  	[timem:s7], [sflag:s22] =	dma.local [hbm:s5], s20  }
0x9e: {  	_ =	swait.ge [sflag:s22], s20  }
0x9f: {  	s4 =	ssub.s32 $0x0, s20;
	[sflag:s22] =	ssyncset.done $0x0  }
0xa0: {  	[sflag:s22] =	ssyncadd.s32 s4;
	_ =	sdelay $0x1  }
0xa1: {  	s23 =	simm.s32 $0x1B8B  }
0xa2: {  	_ =	swait.ge [sflag:s23], $0x1  }
0xa3: {  	[sflag:s23] =	ssyncset.done $0x0  }
0xa4: {  	s25 =	simm.s32 $0x1B8E;
	s24 =	sld [smem:$0x3FFE];
	[sflag:s23] =	ssyncadd.s32 $0xFFFFFFFF  }
0xa5: {  	s26 =	simm.s32 $execute0_lowered;
	[smem:$0x3FD2] =	sst s25  }
0xa6: {  	s5 =	sshll.u32 s26, $0x1;
	_ =	strace $0x80000046;
	[dreg:$0x1] =	wrdreg $0xFFFFFFFF  }
0xa7: {  	s28 =	simm.s32 $_size_execute0_lowered;
	s3 =	sadd.s32 s3, s5;
	[dreg:$0x0] =	wrdreg $0x0  }
0xa8: {  	s5 =	sshll.u32 s28, $0x1;
	[dreg:$0x2] =	wrdreg s3  }
0xa9: {  	[dreg:$0x3] =	wrdreg s5  }
0xaa: {  	[dreg:$0x4] =	wrdreg $0xC0  }
0xab: {  	_ =	task [dreg:s7], $0x5FFFF  }
0xac: {  	[dreg:$0x1] =	wrdreg $0xFFFFFFFF  }
0xad: {  	[dreg:$0x0] =	wrdreg $0x60  }
0xae: {  	[dreg:$0x2] =	wrdreg s24  }
0xaf: {  	[dreg:$0x3] =	wrdreg s2  }
0xb0: {  	[dreg:$0x4] =	wrdreg $0x9  }
0xb1: {  	_ =	task.clear_ibuf [dreg:s7], $0x5FFFF;
	_ =	strace $0x90000046  }
0xb2: {  	s29 =	simm.s32 $0x9;
	_ =	strace $0x80000048  }
0xb3: {  	_ =	swait.ge [sflag:s29], $0x1  }
0xb4: {  	[sflag:s29] =	ssyncadd.s32 $0xFFFFFFFF  }
0xb5: {  	_ =	strace $0x90000048  }
0xb6: {  	_ =	sfence  }
0xb7: {  	s30 =	sld [smem:$0x0];
	_ =	sdelay $0x2  }
0xb8: {  	s31 =	sshll.u32 s1, $0xD;
	s1 =	sshrl.u32 s1, $0x2  }
0xb9: {  	s3 =	sand.u32 $0x4000, s31;
	s1 =	sadd.s32 s1, s30  }
0xba: {  	s0 =	sor.u32 s3, s0;
	s1 =	sshll.u32 s1, $0x11  }
0xbb: {  	s0 =	sor.u32 s1, s0  }
0xbc: {  	s0 =	sadd.s32 $0x8F2B, s0  }
0xbd: {  	[sflag:s0] =	ssyncadd.remote.s32 $0x1  }
0xbe: {  	_ =	sfence.sel $0xFFFF  }
0xbf: {  	[dreg:$0x0] =	wrdreg $0xFFFFFFFF;
	(pc) =	sbr.abs _section_cstart, $3  }
0xc0: {  	[dreg:$0x1] =	wrdreg $0xFFFFFFFF  }
0xc1: {  	_ =	task.clear_ibuf [dreg:s7], $0x2FFFF;
	_ =	strace $0x9FFFFFFF  }
0xc2: {  	(tm) =	ssettm $0x7FFFFFFF  }
0xc3: {  	_ =	shalt  }
tec
execute0_lowered:
.L_overlay_start_1:
0x0: {  	(tag) =	ssettag $0x1  }
0x1: {  	s1 =	srdreg.scid;
	s4 =	rddreg [dreg:$0x0]  }
0x2: {  	s0 =	stileid.u32;
	s6 =	rddreg [dreg:$0x1];
	s2 =	simm.s32 $0x0  }
0x3: {  	s12 =	simm.s32 $0x0;
	s3 =	sand.u32 $0x1, s1;
	s1 =	rddreg [dreg:$0x2]  }
0x4: {  	s30 =	sshll.u32 s0, $0x1;
	[smem:$0x7FF] =	sst s2;
	s31 =	sshrl.u32 s0, $0x2  }
0x5: {  	s8 =	sor.u32 s3, s30;
	_ =	strace $0x80000047;
	s9 =	ssub.s32 $0x2, s3  }
0x6: {  	s3 =	sadd.s32 $0x16000, s4;
	s5 =	smul.u32 $0x9, s8;
	s7 =	smin.u32 s8, $0x19  }
0x7: {  	s10 =	sshll.u32 s8, $0x7;
	s11 =	sshrl.u32 s9, $0x1;
	p0 =	slt.u32 s8, $0x19  }
0x8: {  	s10 =	sand.u32 $0x380, s10;
	s5 =	sadd.s32 s7, s5;
	s7 =	smul.u32 $0x14000, s31  }
0x9: {  	s9 =	ssub.s32 s9, s11;
	s11 =	simm.s32 $0x400;
	s5 =	sshll.u32 s5, $0x7  }
0xa: {  	s5 =	sadd.s32 s5, s4;
	s4 =	simm.s32 $0x50;
	s7 =	sor.u32 s7, s10  }
0xb: {  	s10 =	simm.s32 $0x80;
	s4 =	simm.s32 @!p0 $0x48;
	s7 =	sshrl.u32 s7, $0x3  }
0xc: {  	s5 =	sadd.s32 $0xC100, s5;
	p0 =	sgt.u32 s8, $0x18;
	s8 =	simm.s32 $0x2800  }
0xd: {  	v0 =	vimm.f32 $1.000000000e+00;
	s6 =	sadd.s32 s6, s7;
	s7 =	smax.u32 s9, $0x1;
	s9 =	simm.s32 $0x1  }
.LBB2_1:
0xe: {  	s13 =	simm.s32 @p0 $0x0  }
0xf: {  	[tilespmem:s13], [sflag:$0x1] =	stream.linear.gather @p0 [hbm4b:s5+s13], $0x2400, $0x38;
	[tilespmem:$0x5000] =	vst v63  }
0x10: {  	s13 =	simm.s32 @p0 $0x1  }
0x11: {  	_ =	swait.ge @p0 [sflag:s13], $0x2400  }
0x12: {  	[sflag:s13] =	ssyncset.done @p0 $0x0  }
0x13: {  	[sflag:s13] =	ssyncadd.s32 @p0 $0xFFFFDC00;
	s13 =	simm.s32 @!p0 $0x0  }
0x14: {  	[tilespmem:s13], [sflag:$0x1] =	stream.linear.gather @!p0 [hbm4b:s5+s13], $0x2800, $0x38;
	[tilespmem:$0x5000] =	vst v63  }
0x15: {  	s13 =	simm.s32 @!p0 $0x1  }
0x16: {  	_ =	swait.ge @!p0 [sflag:s13], $0x2800  }
0x17: {  	[sflag:s13] =	ssyncset.done @!p0 $0x0  }
0x18: {  	[sflag:s13] =	ssyncadd.s32 @!p0 $0xFFFFD800  }
0x19: {  	[tilespmem:s8], [sflag:$0x1] =	stream.linear.gather [hbm4b:s3+s2], $0x2800, $0x38;
	[tilespmem:$0x5000] =	vst v63  }
0x1a: {  	_ =	swait.ge [sflag:s9], $0x2800  }
0x1b: {  	[sflag:s9] =	ssyncset.done $0x0  }
0x1c: {  	s14 =	smov.u32 s4;
	s13 =	simm.s32 $0x40;
	[sflag:s9] =	ssyncadd.s32 $0xFFFFD800  }
.LBB2_2:
0x1d: {  	v1 =	vld [tilespmem:s13+$0xFFFFFFC0];
	_ =	sdelay $0x7  }
0x1e: {  	[tilespmem:v1+s8+$0x0] =	vst.idx.add.f32.msk $0xffff, v0  }
0x1f: {  	v1 =	vld [tilespmem:s13+$0xFFFFFFD0];
	_ =	sdelay $0x7  }
0x20: {  	[tilespmem:v1+s8+$0x0] =	vst.idx.add.f32.msk $0xffff, v0  }
0x21: {  	v1 =	vld [tilespmem:s13+$0xFFFFFFE0];
	_ =	sdelay $0x7  }
0x22: {  	[tilespmem:v1+s8+$0x0] =	vst.idx.add.f32.msk $0xffff, v0  }
0x23: {  	v1 =	vld [tilespmem:s13+$0xFFFFFFF0];
	_ =	sdelay $0x7  }
0x24: {  	[tilespmem:v1+s8+$0x0] =	vst.idx.add.f32.msk $0xffff, v0  }
0x25: {  	v1 =	vld [tilespmem:s13+$0x0];
	_ =	sdelay $0x7  }
0x26: {  	[tilespmem:v1+s8+$0x0] =	vst.idx.add.f32.msk $0xffff, v0  }
0x27: {  	v1 =	vld [tilespmem:s13+$0x10];
	_ =	sdelay $0x7  }
0x28: {  	[tilespmem:v1+s8+$0x0] =	vst.idx.add.f32.msk $0xffff, v0  }
0x29: {  	v1 =	vld [tilespmem:s13+$0x20];
	_ =	sdelay $0x7  }
0x2a: {  	[tilespmem:v1+s8+$0x0] =	vst.idx.add.f32.msk $0xffff, v0  }
0x2b: {  	v1 =	vld [tilespmem:s13+$0x30];
	_ =	sdelay $0x2  }
0x2c: {  	p1 =	sne.s32 s14, $0x1  }
.Ltmp0:
0x2d: {  	_ = 	snop;
	(pc) =	sbr.rel @p1 .LBB2_2-.Ltmp0, $2  }
0x2e: {  	_ =	sdelay $0x2  }
0x2f: {  	s14 =	sadd.s32 $0xFFFFFFFF, s14;
	s13 =	sadd.s32 $0x80, s13;
	[tilespmem:v1+s8+$0x0] =	vst.idx.add.f32.msk $0xffff, v0  }
0x30: {  	s12 =	sadd.s32 $0x1, s12  }
0x31: {  	p1 =	sne.s32 s12, s7  }
.Ltmp1:
0x32: {  	_ = 	snop;
	(pc) =	sbr.rel @p1 .LBB2_1-.Ltmp1, $4  }
0x33: {  	[hbm4b:s6+s10] =	stream.strided.scatter [tilespmem:s8], [sflag:$0x1], $0x2800, s11, s10, $0x38;
	[tilespmem:$0x5000] =	vst v63  }
0x34: {  	_ =	swait.ge [sflag:s9], $0x2800  }
0x35: {  	[sflag:s9] =	ssyncset.done $0x0  }
0x36: {  	[sflag:s9] =	ssyncadd.s32 $0xFFFFD800  }
0x37: {  	_ =	sfence.sel $0x180000  }
0x38: {  	[bflag:$0x0] =	sbarrier.arrive $0xFFFF  }
0x39: {  	p0 =	sne.s32 s0, $0x0;
	_ =	strace $0x90000047  }
0x3a: {  	s0 =	sadd.s32 @!p0 $0x100000, s1;
	[bflag:$0x2] =	sbarrier.arrive $0xFFFF  }
0x3b: {  	[sflag:s0] =	ssyncadd.tile.s32 @!p0 $0x1;
	_ =	shalt  }
.Lfunc_end2:
_tile_overlayer_lowered:
.L_overlay_start_2:
0x3c: {  	(tag) =	ssettag $0x2  }
0x3d: {  	s0 =	rddreg [dreg:$0x0];
	s2 =	stileid.u32  }
0x3e: {  	s1 =	rddreg [dreg:$0x1];
	p0 =	sne.s32 s2, $0x0  }
0x3f: {  	s3 =	rddreg [dreg:$0x2];
	[bflag:$0x3] =	sbarrier.arrive $0xFFFF;
	s2 =	simm.s32 @!p0 $0x1C01  }
0x40: {  	[timem:s3], [sflag:s2] =	dma.local @!p0 [hbm:s0], s1  }
0x41: {  	s0 =	simm.s32 @!p0 $0x1  }
0x42: {  	_ =	swait.ge @!p0 [sflag:s0], s1  }
0x43: {  	s1 =	ssub.s32 @!p0 $0x0, s1;
	[sflag:s0] =	ssyncset.done @!p0 $0x0  }
0x44: {  	[sflag:s0] =	ssyncadd.s32 @!p0 s1  }
0x45: {  	[bflag:$0x3] =	sbarrier.arrive $0xFFFF  }
0x46: {  	_ =	shalt  }

</sc_bundles>
